<compile_context>
chip_gen: v7x
topology: tpu7x:2x2x1
jax: 0.10.2.dev20260603
libtpu: 0.0.44.dev20260713+nightly
codegen_flags: <defaults>
</compile_context>

<pallas_src>
import functools

import jax
import jax.numpy as jnp
from jax import lax
from jax.experimental import pallas as pl
from jax.experimental.pallas import tpu as pltpu
from jax.experimental.pallas import tpu_sc as plsc

B = 16384
HID = 128
MEM = 1000000
R = 128
NB = 16
BLK = B // NB

_EPS = 1e-12


def _prefix_rows(p):
    for k in (1, 2, 4, 8, 16, 32, 64):
        p = p + jnp.concatenate([jnp.zeros((R, k), jnp.int32), p[:, : R - k]], axis=1)
    return p


def _prefix_col(p):
    for k in (1, 2, 4, 8, 16, 32, 64):
        p = p + jnp.concatenate([jnp.zeros((k, 1), jnp.int32), p[: R - k, :]], axis=0)
    return p


def _tc_body(x1_ref, x2_ref, va_ref, vb_ref, c_ref, label_ref, score_ref, dest_ref):
    x1 = x1_ref[...]
    x2 = x2_ref[...]
    ones_row = jnp.ones((1, HID), jnp.float32)
    dn = (((1,), (1,)), ((), ()))
    d1 = lax.dot_general(va_ref[...], x1, dn, preferred_element_type=jnp.float32)
    s1 = lax.dot_general(ones_row, x1 * x1, dn, preferred_element_type=jnp.float32)
    d2 = lax.dot_general(vb_ref[...], x2, dn, preferred_element_type=jnp.float32)
    s2 = lax.dot_general(ones_row, x2 * x2, dn, preferred_element_type=jnp.float32)
    n1 = jnp.maximum(jnp.sqrt(s1), _EPS)
    n2 = jnp.maximum(jnp.sqrt(s2), _EPS)
    score_ref[...] = d1 / n1 + d2 / n2 + c_ref[0, 0]

    @pl.when(pl.program_id(0) == 0)
    def _():
        m = (label_ref[...] <= 0).astype(jnp.int32)
        pm = _prefix_rows(m)
        rs = pm[:, R - 1 : R]
        ic = _prefix_col(rs)
        off = ic - rs
        total = ic[R - 1 : R, 0:1]
        mu = 1 - m
        pu = _prefix_rows(mu)
        rsu = pu[:, R - 1 : R]
        icu = _prefix_col(rsu)
        offu = icu - rsu
        dest_ref[...] = jnp.where(
            m == 1, off + pm - 1, total + offu + pu - 1
        )


_tc_call = pl.pallas_call(
    _tc_body,
    grid=(NB,),
    in_specs=[
        pl.BlockSpec((BLK, HID), lambda i: (i, 0)),
        pl.BlockSpec((BLK, HID), lambda i: (i, 0)),
        pl.BlockSpec((1, HID), lambda i: (0, 0)),
        pl.BlockSpec((1, HID), lambda i: (0, 0)),
        pl.BlockSpec((1, 1), lambda i: (0, 0)),
        pl.BlockSpec((R, R), lambda i: (0, 0)),
    ],
    out_specs=[
        pl.BlockSpec((1, BLK), lambda i: (0, i)),
        pl.BlockSpec((R, R), lambda i: (0, 0)),
    ],
    out_shape=[
        jax.ShapeDtypeStruct((1, B), jnp.float32),
        jax.ShapeDtypeStruct((R, R), jnp.int32),
    ],
)

_NC = 2
_NS = 16
_NW = _NC * _NS
CHUNK = B // _NS
HALF = B // _NC
STAGE = HALF // _NS


@functools.lru_cache(maxsize=None)
def _sc_scatter_fn():
    mesh = plsc.VectorSubcoreMesh(core_axis_name="c", subcore_axis_name="s")

    @functools.partial(
        pl.kernel,
        mesh=mesh,
        scratch_types=[
            pltpu.VMEM((CHUNK,), jnp.int32),
            pltpu.VMEM((CHUNK,), jnp.float32),
            pltpu.VMEM((CHUNK,), jnp.float32),
            pltpu.VMEM((CHUNK,), jnp.int32),
            pltpu.VMEM((CHUNK,), jnp.int32),
            pltpu.VMEM_SHARED((HALF + 64,), jnp.float32),
            pltpu.VMEM_SHARED((HALF + 64,), jnp.float32),
            pltpu.SemaphoreType.DMA,
        ],
    )
    def _sc_scatter(dest_hbm, score_hbm, time_hbm, label_hbm, mem_ref, tmem_ref,
                    dest_v, score_v, time_v, label_v, idx_v,
                    bufm_s, buft_s, sem):
        c = lax.axis_index("c")
        s = lax.axis_index("s")
        rbase = s * CHUNK
        hstage = c * HALF + s * STAGE
        loads = [
            pltpu.async_copy(dest_hbm.at[pl.ds(rbase, CHUNK)], dest_v, sem),
            pltpu.async_copy(score_hbm.at[pl.ds(rbase, CHUNK)], score_v, sem),
            pltpu.async_copy(time_hbm.at[pl.ds(rbase, CHUNK)], time_v, sem),
            pltpu.async_copy(label_hbm.at[pl.ds(rbase, CHUNK)], label_v, sem),
            pltpu.async_copy(mem_ref.at[pl.ds(hstage, STAGE)],
                             bufm_s.at[pl.ds(s * STAGE, STAGE)], sem),
            pltpu.async_copy(tmem_ref.at[pl.ds(hstage, STAGE)],
                             buft_s.at[pl.ds(s * STAGE, STAGE)], sem),
        ]
        for ld in loads:
            ld.wait()
        base = c * HALF
        for i in range(CHUNK // 16):
            sl = pl.ds(i * 16, 16)
            d = dest_v[sl]
            keep = (label_v[sl] <= 0) & (d >= base) & (d < base + HALF)
            idx_v[sl] = jnp.where(keep, d - base, HALF)
        plsc.subcore_barrier()
        s1 = pltpu.async_copy(score_v, bufm_s.at[idx_v], sem)
        s2 = pltpu.async_copy(time_v, buft_s.at[idx_v], sem)
        s1.wait()
        s2.wait()
        plsc.subcore_barrier()
        w1_ = pltpu.async_copy(bufm_s.at[pl.ds(s * STAGE, STAGE)],
                               mem_ref.at[pl.ds(hstage, STAGE)], sem)
        w2_ = pltpu.async_copy(buft_s.at[pl.ds(s * STAGE, STAGE)],
                               tmem_ref.at[pl.ds(hstage, STAGE)], sem)
        w1_.wait()
        w2_.wait()

    return _sc_scatter


def kernel(x1, x2, time, label, w1, b1, w2, b2, memory, time_memory):
    v = w2 @ w1
    va = v[:, :HID]
    vb = v[:, HID:]
    carr = (jnp.dot(b1, w2[0]) + b2[0]).reshape(1, 1)
    label2d = label.astype(jnp.int32).reshape(R, R)
    score, dest2d = _tc_call(x1, x2, va, vb, carr, label2d)
    mem_ref = jax.new_ref(memory)
    tmem_ref = jax.new_ref(time_memory)
    _sc_scatter_fn()(
        dest2d.reshape(B), score.reshape(B), time.reshape(B),
        label.astype(jnp.int32), mem_ref, tmem_ref)
    return score.reshape(B, 1), mem_ref[...], tmem_ref[...]

# --- scband reference (transcript-rebuilt; emitter-appended) ---
"""Pipeline reference for scband-graph-deviation-network-48730698940567 (READ-ONLY COPY).

The authoritative reference and input builder live on the scoring server;
editing this copy changes nothing except your own understanding.
"""

import jax, jax.numpy as jnp
import numpy as np

B = 16384
HID = 128
MEM = 1000000


def _l2norm(x, eps=1e-12):
    n = jnp.sqrt(jnp.sum(x * x, axis=1, keepdims=True))
    return x / jnp.maximum(n, eps)


def setup_inputs(seed: int = 0) -> dict:
    key = jax.random.key(seed)
    ks = jax.random.split(key, 8)
    x1 = jax.random.normal(ks[0], (B, HID), dtype=jnp.float32)
    x2 = jax.random.normal(ks[1], (B, HID), dtype=jnp.float32)
    time = jax.random.uniform(ks[2], (B,), dtype=jnp.float32) * 1e6
    label = jax.random.randint(ks[3], (B,), 0, 2)
    # AnomalyLayer params: config [('linear',[dim,2*dim]),('linear',[1,dim])]
    w1 = jax.random.normal(ks[4], (HID, 2 * HID), dtype=jnp.float32) * np.sqrt(2.0 / (2 * HID))
    b1 = jnp.zeros((HID,), dtype=jnp.float32)
    w2 = jax.random.normal(ks[5], (1, HID), dtype=jnp.float32) * np.sqrt(2.0 / HID)
    b2 = jnp.zeros((1,), dtype=jnp.float32)
    # persistent memory buffers (idx starts at 0)
    memory = jax.random.normal(ks[6], (MEM,), dtype=jnp.float32)
    time_memory = jnp.zeros((MEM,), dtype=jnp.float32)
    return {"x1": x1, "x2": x2, "time": time, "label": label,
            "w1": w1, "b1": b1, "w2": w2, "b2": b2,
            "memory": memory, "time_memory": time_memory}


def reference(x1, x2, time, label, w1, b1, w2, b2, memory, time_memory):
    # AnomalyLayer forward: normalize, concat, two linear layers
    h = jnp.concatenate([_l2norm(x1), _l2norm(x2)], axis=1)
    h = h @ w1.T + b1
    ana_score = h @ w2.T + b2  # [B, 1]
    # training-mode memory write (self.idx == 0, idx_after < memory_size)
    mask = label <= 0
    vals_mem = jax.lax.stop_gradient(ana_score).reshape(-1)
    vals_time = time.reshape(-1)
    mem_size = memory.shape[0]
    dest = jnp.where(mask, jnp.cumsum(mask) - 1, mem_size)
    new_memory = memory.at[dest].set(vals_mem, mode="drop")
    new_time_memory = time_memory.at[dest].set(vals_time, mode="drop")
    return ana_score, new_memory, new_time_memory

if __name__ == "__main__":
    import jax
    _d = setup_inputs()
    print(jax.jit(kernel)(*tuple(_d.values())))

</pallas_src>

<mosaic_0001>
#map = affine_map<(d0, d1) -> (0)>
module attributes {stable_mosaic.version = 14 : i64} {
  func.func @new_body(%arg0: i32, %arg1: i32, %arg2: memref<16384xi32, #tpu.memory_space<hbm>>, %arg3: memref<16384xf32, #tpu.memory_space<hbm>>, %arg4: memref<16384xf32, #tpu.memory_space<hbm>>, %arg5: memref<16384xi32, #tpu.memory_space<hbm>>, %arg6: memref<1000000xf32, #tpu.memory_space<hbm>>, %arg7: memref<1000000xf32, #tpu.memory_space<hbm>>, %arg8: memref<1000000xf32, #tpu.memory_space<hbm>>, %arg9: memref<1000000xf32, #tpu.memory_space<hbm>>, %arg10: memref<1024xi32, #tpu.memory_space<vmem>>, %arg11: memref<1024xf32, #tpu.memory_space<vmem>>, %arg12: memref<1024xf32, #tpu.memory_space<vmem>>, %arg13: memref<1024xi32, #tpu.memory_space<vmem>>, %arg14: memref<1024xi32, #tpu.memory_space<vmem>>, %arg15: memref<8256xf32, #tpu.memory_space<vmem_shared>>, %arg16: memref<8256xf32, #tpu.memory_space<vmem_shared>>, %arg17: memref<!tpu.dma_semaphore, #tpu.memory_space<semaphore_mem>>) attributes {dimension_semantics = [#tpu.dimension_semantics<core_parallel>, #tpu.dimension_semantics<subcore_parallel>], iteration_bounds = array<i64: 2, 16>, scalar_prefetch = 0 : i64, scratch_operands = 8 : i64, tpu.core_type = #tpu.core_type<sc_vector_subcore>, window_params = [{transform_indices = #map}, {transform_indices = #map}, {transform_indices = #map}, {transform_indices = #map}, {transform_indices = #map}, {transform_indices = #map}, {transform_indices = #map}, {transform_indices = #map}]} {
    %mul3A = arith.constant 1024 : i32
    %mul3A_0 = arith.muli %arg1, %mul3A : i32
    %mul3A_1 = arith.constant 8192 : i32
    %mul3A_2 = arith.muli %arg0, %mul3A_1 : i32
    %mul3A_3 = arith.constant 512 : i32
    %mul3A_4 = arith.muli %arg1, %mul3A_3 : i32
    %add3A = arith.addi %mul3A_2, %mul3A_4 : i32
    %dma_start3A = tpu.memref_slice %arg2[%mul3A_0] : memref<16384xi32, #tpu.memory_space<hbm>> -> memref<1024xi32, #tpu.memory_space<hbm>>
    %dma_start3A_5 = tpu.memref_slice %arg2[%mul3A_0] : memref<16384xi32, #tpu.memory_space<hbm>> -> memref<1024xi32, #tpu.memory_space<hbm>>
    tpu.enqueue_dma source(%dma_start3A_5 : memref<1024xi32, #tpu.memory_space<hbm>>) target(%arg10 : memref<1024xi32, #tpu.memory_space<vmem>>) target_semaphore(%arg17 : memref<!tpu.dma_semaphore, #tpu.memory_space<semaphore_mem>>)
    %dma_start3A_6 = tpu.memref_slice %arg3[%mul3A_0] : memref<16384xf32, #tpu.memory_space<hbm>> -> memref<1024xf32, #tpu.memory_space<hbm>>
    %dma_start3A_7 = tpu.memref_slice %arg3[%mul3A_0] : memref<16384xf32, #tpu.memory_space<hbm>> -> memref<1024xf32, #tpu.memory_space<hbm>>
    tpu.enqueue_dma source(%dma_start3A_7 : memref<1024xf32, #tpu.memory_space<hbm>>) target(%arg11 : memref<1024xf32, #tpu.memory_space<vmem>>) target_semaphore(%arg17 : memref<!tpu.dma_semaphore, #tpu.memory_space<semaphore_mem>>)
    %dma_start3A_8 = tpu.memref_slice %arg4[%mul3A_0] : memref<16384xf32, #tpu.memory_space<hbm>> -> memref<1024xf32, #tpu.memory_space<hbm>>
    %dma_start3A_9 = tpu.memref_slice %arg4[%mul3A_0] : memref<16384xf32, #tpu.memory_space<hbm>> -> memref<1024xf32, #tpu.memory_space<hbm>>
    tpu.enqueue_dma source(%dma_start3A_9 : memref<1024xf32, #tpu.memory_space<hbm>>) target(%arg12 : memref<1024xf32, #tpu.memory_space<vmem>>) target_semaphore(%arg17 : memref<!tpu.dma_semaphore, #tpu.memory_space<semaphore_mem>>)
    %dma_start3A_10 = tpu.memref_slice %arg5[%mul3A_0] : memref<16384xi32, #tpu.memory_space<hbm>> -> memref<1024xi32, #tpu.memory_space<hbm>>
    %dma_start3A_11 = tpu.memref_slice %arg5[%mul3A_0] : memref<16384xi32, #tpu.memory_space<hbm>> -> memref<1024xi32, #tpu.memory_space<hbm>>
    tpu.enqueue_dma source(%dma_start3A_11 : memref<1024xi32, #tpu.memory_space<hbm>>) target(%arg13 : memref<1024xi32, #tpu.memory_space<vmem>>) target_semaphore(%arg17 : memref<!tpu.dma_semaphore, #tpu.memory_space<semaphore_mem>>)
    %mul3A_12 = arith.constant 512 : i32
    %mul3A_13 = arith.muli %arg1, %mul3A_12 : i32
    %dma_start3A_14 = tpu.memref_slice %arg15[%mul3A_13] : memref<8256xf32, #tpu.memory_space<vmem_shared>> -> memref<512xf32, #tpu.memory_space<vmem_shared>>
    %dma_start3A_15 = tpu.memref_slice %arg6[%add3A] : memref<1000000xf32, #tpu.memory_space<hbm>> -> memref<512xf32, #tpu.memory_space<hbm>>
    tpu.enqueue_dma source(%dma_start3A_15 : memref<512xf32, #tpu.memory_space<hbm>>) target(%dma_start3A_14 : memref<512xf32, #tpu.memory_space<vmem_shared>>) target_semaphore(%arg17 : memref<!tpu.dma_semaphore, #tpu.memory_space<semaphore_mem>>)
    %mul3A_16 = arith.constant 512 : i32
    %mul3A_17 = arith.muli %arg1, %mul3A_16 : i32
    %dma_start3A_18 = tpu.memref_slice %arg16[%mul3A_17] : memref<8256xf32, #tpu.memory_space<vmem_shared>> -> memref<512xf32, #tpu.memory_space<vmem_shared>>
    %dma_start3A_19 = tpu.memref_slice %arg7[%add3A] : memref<1000000xf32, #tpu.memory_space<hbm>> -> memref<512xf32, #tpu.memory_space<hbm>>
    tpu.enqueue_dma source(%dma_start3A_19 : memref<512xf32, #tpu.memory_space<hbm>>) target(%dma_start3A_18 : memref<512xf32, #tpu.memory_space<vmem_shared>>) target_semaphore(%arg17 : memref<!tpu.dma_semaphore, #tpu.memory_space<semaphore_mem>>)
    %dma_wait3A = tpu.memref_slice %arg2[%mul3A_0] : memref<16384xi32, #tpu.memory_space<hbm>> -> memref<1024xi32, #tpu.memory_space<hbm>>
    %dma_wait3A_20 = tpu.memref_slice %arg2[%mul3A_0] : memref<16384xi32, #tpu.memory_space<hbm>> -> memref<1024xi32, #tpu.memory_space<hbm>>
    tpu.wait_dma2 semaphore(%arg17 : memref<!tpu.dma_semaphore, #tpu.memory_space<semaphore_mem>>) src(%dma_wait3A_20 : memref<1024xi32, #tpu.memory_space<hbm>>) dst(%arg10 : memref<1024xi32, #tpu.memory_space<vmem>>)
    %dma_wait3A_21 = tpu.memref_slice %arg3[%mul3A_0] : memref<16384xf32, #tpu.memory_space<hbm>> -> memref<1024xf32, #tpu.memory_space<hbm>>
    %dma_wait3A_22 = tpu.memref_slice %arg3[%mul3A_0] : memref<16384xf32, #tpu.memory_space<hbm>> -> memref<1024xf32, #tpu.memory_space<hbm>>
    tpu.wait_dma2 semaphore(%arg17 : memref<!tpu.dma_semaphore, #tpu.memory_space<semaphore_mem>>) src(%dma_wait3A_22 : memref<1024xf32, #tpu.memory_space<hbm>>) dst(%arg11 : memref<1024xf32, #tpu.memory_space<vmem>>)
    %dma_wait3A_23 = tpu.memref_slice %arg4[%mul3A_0] : memref<16384xf32, #tpu.memory_space<hbm>> -> memref<1024xf32, #tpu.memory_space<hbm>>
    %dma_wait3A_24 = tpu.memref_slice %arg4[%mul3A_0] : memref<16384xf32, #tpu.memory_space<hbm>> -> memref<1024xf32, #tpu.memory_space<hbm>>
    tpu.wait_dma2 semaphore(%arg17 : memref<!tpu.dma_semaphore, #tpu.memory_space<semaphore_mem>>) src(%dma_wait3A_24 : memref<1024xf32, #tpu.memory_space<hbm>>) dst(%arg12 : memref<1024xf32, #tpu.memory_space<vmem>>)
    %dma_wait3A_25 = tpu.memref_slice %arg5[%mul3A_0] : memref<16384xi32, #tpu.memory_space<hbm>> -> memref<1024xi32, #tpu.memory_space<hbm>>
    %dma_wait3A_26 = tpu.memref_slice %arg5[%mul3A_0] : memref<16384xi32, #tpu.memory_space<hbm>> -> memref<1024xi32, #tpu.memory_space<hbm>>
    tpu.wait_dma2 semaphore(%arg17 : memref<!tpu.dma_semaphore, #tpu.memory_space<semaphore_mem>>) src(%dma_wait3A_26 : memref<1024xi32, #tpu.memory_space<hbm>>) dst(%arg13 : memref<1024xi32, #tpu.memory_space<vmem>>)
    %dma_wait3A_27 = tpu.memref_slice %arg15[%mul3A_13] : memref<8256xf32, #tpu.memory_space<vmem_shared>> -> memref<512xf32, #tpu.memory_space<vmem_shared>>
    %dma_wait3A_28 = tpu.memref_slice %arg6[%add3A] : memref<1000000xf32, #tpu.memory_space<hbm>> -> memref<512xf32, #tpu.memory_space<hbm>>
    tpu.wait_dma2 semaphore(%arg17 : memref<!tpu.dma_semaphore, #tpu.memory_space<semaphore_mem>>) src(%dma_wait3A_28 : memref<512xf32, #tpu.memory_space<hbm>>) dst(%dma_wait3A_27 : memref<512xf32, #tpu.memory_space<vmem_shared>>)
    %dma_wait3A_29 = tpu.memref_slice %arg16[%mul3A_17] : memref<8256xf32, #tpu.memory_space<vmem_shared>> -> memref<512xf32, #tpu.memory_space<vmem_shared>>
    %dma_wait3A_30 = tpu.memref_slice %arg7[%add3A] : memref<1000000xf32, #tpu.memory_space<hbm>> -> memref<512xf32, #tpu.memory_space<hbm>>
    tpu.wait_dma2 semaphore(%arg17 : memref<!tpu.dma_semaphore, #tpu.memory_space<semaphore_mem>>) src(%dma_wait3A_30 : memref<512xf32, #tpu.memory_space<hbm>>) dst(%dma_wait3A_29 : memref<512xf32, #tpu.memory_space<vmem_shared>>)
    %mul3A_31 = arith.constant 8192 : i32
    %mul3A_32 = arith.muli %arg0, %mul3A_31 : i32
    %get3A = arith.constant 0 : index
    %get3A_33 = tpu.vector_load %arg10[%get3A] {strides = array<i32>} : memref<1024xi32, #tpu.memory_space<vmem>>, vector<16xi32>,
    %get3A_34 = vector.shape_cast %get3A_33 : vector<16xi32> to vector<16xi32>
    %get3A_35 = arith.constant 0 : index
    %get3A_36 = tpu.vector_load %arg13[%get3A_35] {strides = array<i32>} : memref<1024xi32, #tpu.memory_space<vmem>>, vector<16xi32>,
    %get3A_37 = vector.shape_cast %get3A_36 : vector<16xi32> to vector<16xi32>
    %le3A = arith.constant 0 : i32
    %le3A_38 = vector.broadcast %le3A : i32 to vector<16xi32>
    %le3A_39 = arith.cmpi sle, %get3A_37, %le3A_38 : vector<16xi32>
    %ge3A = vector.broadcast %mul3A_32 : i32 to vector<16xi32>
    %ge3A_40 = arith.cmpi sge, %get3A_34, %ge3A : vector<16xi32>
    %and3A = arith.andi %le3A_39, %ge3A_40 : vector<16xi1>
    %add3A_41 = arith.constant 8192 : i32
    %add3A_42 = arith.addi %mul3A_32, %add3A_41 : i32
    %lt3A = vector.broadcast %add3A_42 : i32 to vector<16xi32>
    %lt3A_43 = arith.cmpi slt, %get3A_34, %lt3A : vector<16xi32>
    %and3A_44 = arith.andi %and3A, %lt3A_43 : vector<16xi1>
    %sub3A = vector.broadcast %mul3A_32 : i32 to vector<16xi32>
    %sub3A_45 = arith.subi %get3A_34, %sub3A : vector<16xi32>
    %jit3A = arith.constant 8192 : i32
    %broadcast_in_dim3A = vector.broadcast %jit3A : i32 to vector<16xi32>
    %select_n3A = arith.select %and3A_44, %sub3A_45, %broadcast_in_dim3A : vector<16xi1>, vector<16xi32>
    %swap3A = arith.constant 0 : index
    %swap3A_46 = tpu.vector_load %arg14[%swap3A] {strides = array<i32>} : memref<1024xi32, #tpu.memory_space<vmem>>, vector<16xi32>,
    %swap3A_47 = vector.shape_cast %swap3A_46 : vector<16xi32> to vector<16xi32>
    %swap3A_48 = vector.shape_cast %select_n3A : vector<16xi32> to vector<16xi32>
    tpu.vector_store %arg14[%swap3A], %swap3A_48 {strides = array<i32>} : memref<1024xi32, #tpu.memory_space<vmem>>, vector<16xi32>,
    %get3A_49 = arith.constant 16 : index
    %get3A_50 = tpu.vector_load %arg10[%get3A_49] {strides = array<i32>} : memref<1024xi32, #tpu.memory_space<vmem>>, vector<16xi32>,
    %get3A_51 = vector.shape_cast %get3A_50 : vector<16xi32> to vector<16xi32>
    %get3A_52 = arith.constant 16 : index
    %get3A_53 = tpu.vector_load %arg13[%get3A_52] {strides = array<i32>} : memref<1024xi32, #tpu.memory_space<vmem>>, vector<16xi32>,
    %get3A_54 = vector.shape_cast %get3A_53 : vector<16xi32> to vector<16xi32>
    %le3A_55 = arith.constant 0 : i32
    %le3A_56 = vector.broadcast %le3A_55 : i32 to vector<16xi32>
    %le3A_57 = arith.cmpi sle, %get3A_54, %le3A_56 : vector<16xi32>
    %ge3A_58 = vector.broadcast %mul3A_32 : i32 to vector<16xi32>
    %ge3A_59 = arith.cmpi sge, %get3A_51, %ge3A_58 : vector<16xi32>
    %and3A_60 = arith.andi %le3A_57, %ge3A_59 : vector<16xi1>
    %add3A_61 = arith.constant 8192 : i32
    %add3A_62 = arith.addi %mul3A_32, %add3A_61 : i32
    %lt3A_63 = vector.broadcast %add3A_62 : i32 to vector<16xi32>
    %lt3A_64 = arith.cmpi slt, %get3A_51, %lt3A_63 : vector<16xi32>
    %and3A_65 = arith.andi %and3A_60, %lt3A_64 : vector<16xi1>
    %sub3A_66 = vector.broadcast %mul3A_32 : i32 to vector<16xi32>
    %sub3A_67 = arith.subi %get3A_51, %sub3A_66 : vector<16xi32>
    %jit3A_68 = arith.constant 8192 : i32
    %broadcast_in_dim3A_69 = vector.broadcast %jit3A_68 : i32 to vector<16xi32>
    %select_n3A_70 = arith.select %and3A_65, %sub3A_67, %broadcast_in_dim3A_69 : vector<16xi1>, vector<16xi32>
    %swap3A_71 = arith.constant 16 : index
    %swap3A_72 = tpu.vector_load %arg14[%swap3A_71] {strides = array<i32>} : memref<1024xi32, #tpu.memory_space<vmem>>, vector<16xi32>,
    %swap3A_73 = vector.shape_cast %swap3A_72 : vector<16xi32> to vector<16xi32>
    %swap3A_74 = vector.shape_cast %select_n3A_70 : vector<16xi32> to vector<16xi32>
    tpu.vector_store %arg14[%swap3A_71], %swap3A_74 {strides = array<i32>} : memref<1024xi32, #tpu.memory_space<vmem>>, vector<16xi32>,
    %get3A_75 = arith.constant 32 : index
    %get3A_76 = tpu.vector_load %arg10[%get3A_75] {strides = array<i32>} : memref<1024xi32, #tpu.memory_space<vmem>>, vector<16xi32>,
    %get3A_77 = vector.shape_cast %get3A_76 : vector<16xi32> to vector<16xi32>
    %get3A_78 = arith.constant 32 : index
    %get3A_79 = tpu.vector_load %arg13[%get3A_78] {strides = array<i32>} : memref<1024xi32, #tpu.memory_space<vmem>>, vector<16xi32>,
    %get3A_80 = vector.shape_cast %get3A_79 : vector<16xi32> to vector<16xi32>
    %le3A_81 = arith.constant 0 : i32
    %le3A_82 = vector.broadcast %le3A_81 : i32 to vector<16xi32>
    %le3A_83 = arith.cmpi sle, %get3A_80, %le3A_82 : vector<16xi32>
    %ge3A_84 = vector.broadcast %mul3A_32 : i32 to vector<16xi32>
    %ge3A_85 = arith.cmpi sge, %get3A_77, %ge3A_84 : vector<16xi32>
    %and3A_86 = arith.andi %le3A_83, %ge3A_85 : vector<16xi1>
    %add3A_87 = arith.constant 8192 : i32
    %add3A_88 = arith.addi %mul3A_32, %add3A_87 : i32
    %lt3A_89 = vector.broadcast %add3A_88 : i32 to vector<16xi32>
    %lt3A_90 = arith.cmpi slt, %get3A_77, %lt3A_89 : vector<16xi32>
    %and3A_91 = arith.andi %and3A_86, %lt3A_90 : vector<16xi1>
    %sub3A_92 = vector.broadcast %mul3A_32 : i32 to vector<16xi32>
    %sub3A_93 = arith.subi %get3A_77, %sub3A_92 : vector<16xi32>
    %jit3A_94 = arith.constant 8192 : i32
    %broadcast_in_dim3A_95 = vector.broadcast %jit3A_94 : i32 to vector<16xi32>
    %select_n3A_96 = arith.select %and3A_91, %sub3A_93, %broadcast_in_dim3A_95 : vector<16xi1>, vector<16xi32>
    %swap3A_97 = arith.constant 32 : index
    %swap3A_98 = tpu.vector_load %arg14[%swap3A_97] {strides = array<i32>} : memref<1024xi32, #tpu.memory_space<vmem>>, vector<16xi32>,
    %swap3A_99 = vector.shape_cast %swap3A_98 : vector<16xi32> to vector<16xi32>
    %swap3A_100 = vector.shape_cast %select_n3A_96 : vector<16xi32> to vector<16xi32>
    tpu.vector_store %arg14[%swap3A_97], %swap3A_100 {strides = array<i32>} : memref<1024xi32, #tpu.memory_space<vmem>>, vector<16xi32>,
    %get3A_101 = arith.constant 48 : index
    %get3A_102 = tpu.vector_load %arg10[%get3A_101] {strides = array<i32>} : memref<1024xi32, #tpu.memory_space<vmem>>, vector<16xi32>,
    %get3A_103 = vector.shape_cast %get3A_102 : vector<16xi32> to vector<16xi32>
    %get3A_104 = arith.constant 48 : index
    %get3A_105 = tpu.vector_load %arg13[%get3A_104] {strides = array<i32>} : memref<1024xi32, #tpu.memory_space<vmem>>, vector<16xi32>,
    %get3A_106 = vector.shape_cast %get3A_105 : vector<16xi32> to vector<16xi32>
    %le3A_107 = arith.constant 0 : i32
    %le3A_108 = vector.broadcast %le3A_107 : i32 to vector<16xi32>
    %le3A_109 = arith.cmpi sle, %get3A_106, %le3A_108 : vector<16xi32>
    %ge3A_110 = vector.broadcast %mul3A_32 : i32 to vector<16xi32>
    %ge3A_111 = arith.cmpi sge, %get3A_103, %ge3A_110 : vector<16xi32>
    %and3A_112 = arith.andi %le3A_109, %ge3A_111 : vector<16xi1>
    %add3A_113 = arith.constant 8192 : i32
    %add3A_114 = arith.addi %mul3A_32, %add3A_113 : i32
    %lt3A_115 = vector.broadcast %add3A_114 : i32 to vector<16xi32>
    %lt3A_116 = arith.cmpi slt, %get3A_103, %lt3A_115 : vector<16xi32>
    %and3A_117 = arith.andi %and3A_112, %lt3A_116 : vector<16xi1>
    %sub3A_118 = vector.broadcast %mul3A_32 : i32 to vector<16xi32>
    %sub3A_119 = arith.subi %get3A_103, %sub3A_118 : vector<16xi32>
    %jit3A_120 = arith.constant 8192 : i32
    %broadcast_in_dim3A_121 = vector.broadcast %jit3A_120 : i32 to vector<16xi32>
    %select_n3A_122 = arith.select %and3A_117, %sub3A_119, %broadcast_in_dim3A_121 : vector<16xi1>, vector<16xi32>
    %swap3A_123 = arith.constant 48 : index
    %swap3A_124 = tpu.vector_load %arg14[%swap3A_123] {strides = array<i32>} : memref<1024xi32, #tpu.memory_space<vmem>>, vector<16xi32>,
    %swap3A_125 = vector.shape_cast %swap3A_124 : vector<16xi32> to vector<16xi32>
    %swap3A_126 = vector.shape_cast %select_n3A_122 : vector<16xi32> to vector<16xi32>
    tpu.vector_store %arg14[%swap3A_123], %swap3A_126 {strides = array<i32>} : memref<1024xi32, #tpu.memory_space<vmem>>, vector<16xi32>,
    %get3A_127 = arith.constant 64 : index
    %get3A_128 = tpu.vector_load %arg10[%get3A_127] {strides = array<i32>} : memref<1024xi32, #tpu.memory_space<vmem>>, vector<16xi32>,
    %get3A_129 = vector.shape_cast %get3A_128 : vector<16xi32> to vector<16xi32>
    %get3A_130 = arith.constant 64 : index
    %get3A_131 = tpu.vector_load %arg13[%get3A_130] {strides = array<i32>} : memref<1024xi32, #tpu.memory_space<vmem>>, vector<16xi32>,
    %get3A_132 = vector.shape_cast %get3A_131 : vector<16xi32> to vector<16xi32>
    %le3A_133 = arith.constant 0 : i32
    %le3A_134 = vector.broadcast %le3A_133 : i32 to vector<16xi32>
    %le3A_135 = arith.cmpi sle, %get3A_132, %le3A_134 : vector<16xi32>
    %ge3A_136 = vector.broadcast %mul3A_32 : i32 to vector<16xi32>
    %ge3A_137 = arith.cmpi sge, %get3A_129, %ge3A_136 : vector<16xi32>
    %and3A_138 = arith.andi %le3A_135, %ge3A_137 : vector<16xi1>
    %add3A_139 = arith.constant 8192 : i32
    %add3A_140 = arith.addi %mul3A_32, %add3A_139 : i32
    %lt3A_141 = vector.broadcast %add3A_140 : i32 to vector<16xi32>
    %lt3A_142 = arith.cmpi slt, %get3A_129, %lt3A_141 : vector<16xi32>
    %and3A_143 = arith.andi %and3A_138, %lt3A_142 : vector<16xi1>
    %sub3A_144 = vector.broadcast %mul3A_32 : i32 to vector<16xi32>
    %sub3A_145 = arith.subi %get3A_129, %sub3A_144 : vector<16xi32>
    %jit3A_146 = arith.constant 8192 : i32
    %broadcast_in_dim3A_147 = vector.broadcast %jit3A_146 : i32 to vector<16xi32>
    %select_n3A_148 = arith.select %and3A_143, %sub3A_145, %broadcast_in_dim3A_147 : vector<16xi1>, vector<16xi32>
    %swap3A_149 = arith.constant 64 : index
    %swap3A_150 = tpu.vector_load %arg14[%swap3A_149] {strides = array<i32>} : memref<1024xi32, #tpu.memory_space<vmem>>, vector<16xi32>,
    %swap3A_151 = vector.shape_cast %swap3A_150 : vector<16xi32> to vector<16xi32>
    %swap3A_152 = vector.shape_cast %select_n3A_148 : vector<16xi32> to vector<16xi32>
    tpu.vector_store %arg14[%swap3A_149], %swap3A_152 {strides = array<i32>} : memref<1024xi32, #tpu.memory_space<vmem>>, vector<16xi32>,
    %get3A_153 = arith.constant 80 : index
    %get3A_154 = tpu.vector_load %arg10[%get3A_153] {strides = array<i32>} : memref<1024xi32, #tpu.memory_space<vmem>>, vector<16xi32>,
    %get3A_155 = vector.shape_cast %get3A_154 : vector<16xi32> to vector<16xi32>
    %get3A_156 = arith.constant 80 : index
    %get3A_157 = tpu.vector_load %arg13[%get3A_156] {strides = array<i32>} : memref<1024xi32, #tpu.memory_space<vmem>>, vector<16xi32>,
    %get3A_158 = vector.shape_cast %get3A_157 : vector<16xi32> to vector<16xi32>
    %le3A_159 = arith.constant 0 : i32
    %le3A_160 = vector.broadcast %le3A_159 : i32 to vector<16xi32>
    %le3A_161 = arith.cmpi sle, %get3A_158, %le3A_160 : vector<16xi32>
    %ge3A_162 = vector.broadcast %mul3A_32 : i32 to vector<16xi32>
    %ge3A_163 = arith.cmpi sge, %get3A_155, %ge3A_162 : vector<16xi32>
    %and3A_164 = arith.andi %le3A_161, %ge3A_163 : vector<16xi1>
    %add3A_165 = arith.constant 8192 : i32
    %add3A_166 = arith.addi %mul3A_32, %add3A_165 : i32
    %lt3A_167 = vector.broadcast %add3A_166 : i32 to vector<16xi32>
    %lt3A_168 = arith.cmpi slt, %get3A_155, %lt3A_167 : vector<16xi32>
    %and3A_169 = arith.andi %and3A_164, %lt3A_168 : vector<16xi1>
    %sub3A_170 = vector.broadcast %mul3A_32 : i32 to vector<16xi32>
    %sub3A_171 = arith.subi %get3A_155, %sub3A_170 : vector<16xi32>
    %jit3A_172 = arith.constant 8192 : i32
    %broadcast_in_dim3A_173 = vector.broadcast %jit3A_172 : i32 to vector<16xi32>
    %select_n3A_174 = arith.select %and3A_169, %sub3A_171, %broadcast_in_dim3A_173 : vector<16xi1>, vector<16xi32>
    %swap3A_175 = arith.constant 80 : index
    %swap3A_176 = tpu.vector_load %arg14[%swap3A_175] {strides = array<i32>} : memref<1024xi32, #tpu.memory_space<vmem>>, vector<16xi32>,
    %swap3A_177 = vector.shape_cast %swap3A_176 : vector<16xi32> to vector<16xi32>
    %swap3A_178 = vector.shape_cast %select_n3A_174 : vector<16xi32> to vector<16xi32>
    tpu.vector_store %arg14[%swap3A_175], %swap3A_178 {strides = array<i32>} : memref<1024xi32, #tpu.memory_space<vmem>>, vector<16xi32>,
    %get3A_179 = arith.constant 96 : index
    %get3A_180 = tpu.vector_load %arg10[%get3A_179] {strides = array<i32>} : memref<1024xi32, #tpu.memory_space<vmem>>, vector<16xi32>,
    %get3A_181 = vector.shape_cast %get3A_180 : vector<16xi32> to vector<16xi32>
    %get3A_182 = arith.constant 96 : index
    %get3A_183 = tpu.vector_load %arg13[%get3A_182] {strides = array<i32>} : memref<1024xi32, #tpu.memory_space<vmem>>, vector<16xi32>,
    %get3A_184 = vector.shape_cast %get3A_183 : vector<16xi32> to vector<16xi32>
    %le3A_185 = arith.constant 0 : i32
    %le3A_186 = vector.broadcast %le3A_185 : i32 to vector<16xi32>
    %le3A_187 = arith.cmpi sle, %get3A_184, %le3A_186 : vector<16xi32>
    %ge3A_188 = vector.broadcast %mul3A_32 : i32 to vector<16xi32>
    %ge3A_189 = arith.cmpi sge, %get3A_181, %ge3A_188 : vector<16xi32>
    %and3A_190 = arith.andi %le3A_187, %ge3A_189 : vector<16xi1>
    %add3A_191 = arith.constant 8192 : i32
    %add3A_192 = arith.addi %mul3A_32, %add3A_191 : i32
    %lt3A_193 = vector.broadcast %add3A_192 : i32 to vector<16xi32>
    %lt3A_194 = arith.cmpi slt, %get3A_181, %lt3A_193 : vector<16xi32>
    %and3A_195 = arith.andi %and3A_190, %lt3A_194 : vector<16xi1>
    %sub3A_196 = vector.broadcast %mul3A_32 : i32 to vector<16xi32>
    %sub3A_197 = arith.subi %get3A_181, %sub3A_196 : vector<16xi32>
    %jit3A_198 = arith.constant 8192 : i32
    %broadcast_in_dim3A_199 = vector.broadcast %jit3A_198 : i32 to vector<16xi32>
    %select_n3A_200 = arith.select %and3A_195, %sub3A_197, %broadcast_in_dim3A_199 : vector<16xi1>, vector<16xi32>
    %swap3A_201 = arith.constant 96 : index
    %swap3A_202 = tpu.vector_load %arg14[%swap3A_201] {strides = array<i32>} : memref<1024xi32, #tpu.memory_space<vmem>>, vector<16xi32>,
    %swap3A_203 = vector.shape_cast %swap3A_202 : vector<16xi32> to vector<16xi32>
    %swap3A_204 = vector.shape_cast %select_n3A_200 : vector<16xi32> to vector<16xi32>
    tpu.vector_store %arg14[%swap3A_201], %swap3A_204 {strides = array<i32>} : memref<1024xi32, #tpu.memory_space<vmem>>, vector<16xi32>,
    %get3A_205 = arith.constant 112 : index
    %get3A_206 = tpu.vector_load %arg10[%get3A_205] {strides = array<i32>} : memref<1024xi32, #tpu.memory_space<vmem>>, vector<16xi32>,
    %get3A_207 = vector.shape_cast %get3A_206 : vector<16xi32> to vector<16xi32>
    %get3A_208 = arith.constant 112 : index
    %get3A_209 = tpu.vector_load %arg13[%get3A_208] {strides = array<i32>} : memref<1024xi32, #tpu.memory_space<vmem>>, vector<16xi32>,
    %get3A_210 = vector.shape_cast %get3A_209 : vector<16xi32> to vector<16xi32>
    %le3A_211 = arith.constant 0 : i32
    %le3A_212 = vector.broadcast %le3A_211 : i32 to vector<16xi32>
    %le3A_213 = arith.cmpi sle, %get3A_210, %le3A_212 : vector<16xi32>
    %ge3A_214 = vector.broadcast %mul3A_32 : i32 to vector<16xi32>
    %ge3A_215 = arith.cmpi sge, %get3A_207, %ge3A_214 : vector<16xi32>
    %and3A_216 = arith.andi %le3A_213, %ge3A_215 : vector<16xi1>
    %add3A_217 = arith.constant 8192 : i32
    %add3A_218 = arith.addi %mul3A_32, %add3A_217 : i32
    %lt3A_219 = vector.broadcast %add3A_218 : i32 to vector<16xi32>
    %lt3A_220 = arith.cmpi slt, %get3A_207, %lt3A_219 : vector<16xi32>
    %and3A_221 = arith.andi %and3A_216, %lt3A_220 : vector<16xi1>
    %sub3A_222 = vector.broadcast %mul3A_32 : i32 to vector<16xi32>
    %sub3A_223 = arith.subi %get3A_207, %sub3A_222 : vector<16xi32>
    %jit3A_224 = arith.constant 8192 : i32
    %broadcast_in_dim3A_225 = vector.broadcast %jit3A_224 : i32 to vector<16xi32>
    %select_n3A_226 = arith.select %and3A_221, %sub3A_223, %broadcast_in_dim3A_225 : vector<16xi1>, vector<16xi32>
    %swap3A_227 = arith.constant 112 : index
    %swap3A_228 = tpu.vector_load %arg14[%swap3A_227] {strides = array<i32>} : memref<1024xi32, #tpu.memory_space<vmem>>, vector<16xi32>,
    %swap3A_229 = vector.shape_cast %swap3A_228 : vector<16xi32> to vector<16xi32>
    %swap3A_230 = vector.shape_cast %select_n3A_226 : vector<16xi32> to vector<16xi32>
    tpu.vector_store %arg14[%swap3A_227], %swap3A_230 {strides = array<i32>} : memref<1024xi32, #tpu.memory_space<vmem>>, vector<16xi32>,
    %get3A_231 = arith.constant 128 : index
    %get3A_232 = tpu.vector_load %arg10[%get3A_231] {strides = array<i32>} : memref<1024xi32, #tpu.memory_space<vmem>>, vector<16xi32>,
    %get3A_233 = vector.shape_cast %get3A_232 : vector<16xi32> to vector<16xi32>
    %get3A_234 = arith.constant 128 : index
    %get3A_235 = tpu.vector_load %arg13[%get3A_234] {strides = array<i32>} : memref<1024xi32, #tpu.memory_space<vmem>>, vector<16xi32>,
    %get3A_236 = vector.shape_cast %get3A_235 : vector<16xi32> to vector<16xi32>
    %le3A_237 = arith.constant 0 : i32
    %le3A_238 = vector.broadcast %le3A_237 : i32 to vector<16xi32>
    %le3A_239 = arith.cmpi sle, %get3A_236, %le3A_238 : vector<16xi32>
    %ge3A_240 = vector.broadcast %mul3A_32 : i32 to vector<16xi32>
    %ge3A_241 = arith.cmpi sge, %get3A_233, %ge3A_240 : vector<16xi32>
    %and3A_242 = arith.andi %le3A_239, %ge3A_241 : vector<16xi1>
    %add3A_243 = arith.constant 8192 : i32
    %add3A_244 = arith.addi %mul3A_32, %add3A_243 : i32
    %lt3A_245 = vector.broadcast %add3A_244 : i32 to vector<16xi32>
    %lt3A_246 = arith.cmpi slt, %get3A_233, %lt3A_245 : vector<16xi32>
    %and3A_247 = arith.andi %and3A_242, %lt3A_246 : vector<16xi1>
    %sub3A_248 = vector.broadcast %mul3A_32 : i32 to vector<16xi32>
    %sub3A_249 = arith.subi %get3A_233, %sub3A_248 : vector<16xi32>
    %jit3A_250 = arith.constant 8192 : i32
    %broadcast_in_dim3A_251 = vector.broadcast %jit3A_250 : i32 to vector<16xi32>
    %select_n3A_252 = arith.select %and3A_247, %sub3A_249, %broadcast_in_dim3A_251 : vector<16xi1>, vector<16xi32>
    %swap3A_253 = arith.constant 128 : index
    %swap3A_254 = tpu.vector_load %arg14[%swap3A_253] {strides = array<i32>} : memref<1024xi32, #tpu.memory_space<vmem>>, vector<16xi32>,
    %swap3A_255 = vector.shape_cast %swap3A_254 : vector<16xi32> to vector<16xi32>
    %swap3A_256 = vector.shape_cast %select_n3A_252 : vector<16xi32> to vector<16xi32>
    tpu.vector_store %arg14[%swap3A_253], %swap3A_256 {strides = array<i32>} : memref<1024xi32, #tpu.memory_space<vmem>>, vector<16xi32>,
    %get3A_257 = arith.constant 144 : index
    %get3A_258 = tpu.vector_load %arg10[%get3A_257] {strides = array<i32>} : memref<1024xi32, #tpu.memory_space<vmem>>, vector<16xi32>,
    %get3A_259 = vector.shape_cast %get3A_258 : vector<16xi32> to vector<16xi32>
    %get3A_260 = arith.constant 144 : index
    %get3A_261 = tpu.vector_load %arg13[%get3A_260] {strides = array<i32>} : memref<1024xi32, #tpu.memory_space<vmem>>, vector<16xi32>,
    %get3A_262 = vector.shape_cast %get3A_261 : vector<16xi32> to vector<16xi32>
    %le3A_263 = arith.constant 0 : i32
    %le3A_264 = vector.broadcast %le3A_263 : i32 to vector<16xi32>
    %le3A_265 = arith.cmpi sle, %get3A_262, %le3A_264 : vector<16xi32>
    %ge3A_266 = vector.broadcast %mul3A_32 : i32 to vector<16xi32>
    %ge3A_267 = arith.cmpi sge, %get3A_259, %ge3A_266 : vector<16xi32>
    %and3A_268 = arith.andi %le3A_265, %ge3A_267 : vector<16xi1>
    %add3A_269 = arith.constant 8192 : i32
    %add3A_270 = arith.addi %mul3A_32, %add3A_269 : i32
    %lt3A_271 = vector.broadcast %add3A_270 : i32 to vector<16xi32>
    %lt3A_272 = arith.cmpi slt, %get3A_259, %lt3A_271 : vector<16xi32>
    %and3A_273 = arith.andi %and3A_268, %lt3A_272 : vector<16xi1>
    %sub3A_274 = vector.broadcast %mul3A_32 : i32 to vector<16xi32>
    %sub3A_275 = arith.subi %get3A_259, %sub3A_274 : vector<16xi32>
    %jit3A_276 = arith.constant 8192 : i32
    %broadcast_in_dim3A_277 = vector.broadcast %jit3A_276 : i32 to vector<16xi32>
    %select_n3A_278 = arith.select %and3A_273, %sub3A_275, %broadcast_in_dim3A_277 : vector<16xi1>, vector<16xi32>
    %swap3A_279 = arith.constant 144 : index
    %swap3A_280 = tpu.vector_load %arg14[%swap3A_279] {strides = array<i32>} : memref<1024xi32, #tpu.memory_space<vmem>>, vector<16xi32>,
    %swap3A_281 = vector.shape_cast %swap3A_280 : vector<16xi32> to vector<16xi32>
    %swap3A_282 = vector.shape_cast %select_n3A_278 : vector<16xi32> to vector<16xi32>
    tpu.vector_store %arg14[%swap3A_279], %swap3A_282 {strides = array<i32>} : memref<1024xi32, #tpu.memory_space<vmem>>, vector<16xi32>,
    %get3A_283 = arith.constant 160 : index
    %get3A_284 = tpu.vector_load %arg10[%get3A_283] {strides = array<i32>} : memref<1024xi32, #tpu.memory_space<vmem>>, vector<16xi32>,
    %get3A_285 = vector.shape_cast %get3A_284 : vector<16xi32> to vector<16xi32>
    %get3A_286 = arith.constant 160 : index
    %get3A_287 = tpu.vector_load %arg13[%get3A_286] {strides = array<i32>} : memref<1024xi32, #tpu.memory_space<vmem>>, vector<16xi32>,
    %get3A_288 = vector.shape_cast %get3A_287 : vector<16xi32> to vector<16xi32>
    %le3A_289 = arith.constant 0 : i32
    %le3A_290 = vector.broadcast %le3A_289 : i32 to vector<16xi32>
    %le3A_291 = arith.cmpi sle, %get3A_288, %le3A_290 : vector<16xi32>
    %ge3A_292 = vector.broadcast %mul3A_32 : i32 to vector<16xi32>
    %ge3A_293 = arith.cmpi sge, %get3A_285, %ge3A_292 : vector<16xi32>
    %and3A_294 = arith.andi %le3A_291, %ge3A_293 : vector<16xi1>
    %add3A_295 = arith.constant 8192 : i32
    %add3A_296 = arith.addi %mul3A_32, %add3A_295 : i32
    %lt3A_297 = vector.broadcast %add3A_296 : i32 to vector<16xi32>
    %lt3A_298 = arith.cmpi slt, %get3A_285, %lt3A_297 : vector<16xi32>
    %and3A_299 = arith.andi %and3A_294, %lt3A_298 : vector<16xi1>
    %sub3A_300 = vector.broadcast %mul3A_32 : i32 to vector<16xi32>
    %sub3A_301 = arith.subi %get3A_285, %sub3A_300 : vector<16xi32>
    %jit3A_302 = arith.constant 8192 : i32
    %broadcast_in_dim3A_303 = vector.broadcast %jit3A_302 : i32 to vector<16xi32>
    %select_n3A_304 = arith.select %and3A_299, %sub3A_301, %broadcast_in_dim3A_303 : vector<16xi1>, vector<16xi32>
    %swap3A_305 = arith.constant 160 : index
    %swap3A_306 = tpu.vector_load %arg14[%swap3A_305] {strides = array<i32>} : memref<1024xi32, #tpu.memory_space<vmem>>, vector<16xi32>,
    %swap3A_307 = vector.shape_cast %swap3A_306 : vector<16xi32> to vector<16xi32>
    %swap3A_308 = vector.shape_cast %select_n3A_304 : vector<16xi32> to vector<16xi32>
    tpu.vector_store %arg14[%swap3A_305], %swap3A_308 {strides = array<i32>} : memref<1024xi32, #tpu.memory_space<vmem>>, vector<16xi32>,
    %get3A_309 = arith.constant 176 : index
    %get3A_310 = tpu.vector_load %arg10[%get3A_309] {strides = array<i32>} : memref<1024xi32, #tpu.memory_space<vmem>>, vector<16xi32>,
    %get3A_311 = vector.shape_cast %get3A_310 : vector<16xi32> to vector<16xi32>
    %get3A_312 = arith.constant 176 : index
    %get3A_313 = tpu.vector_load %arg13[%get3A_312] {strides = array<i32>} : memref<1024xi32, #tpu.memory_space<vmem>>, vector<16xi32>,
    %get3A_314 = vector.shape_cast %get3A_313 : vector<16xi32> to vector<16xi32>
    %le3A_315 = arith.constant 0 : i32
    %le3A_316 = vector.broadcast %le3A_315 : i32 to vector<16xi32>
    %le3A_317 = arith.cmpi sle, %get3A_314, %le3A_316 : vector<16xi32>
    %ge3A_318 = vector.broadcast %mul3A_32 : i32 to vector<16xi32>
    %ge3A_319 = arith.cmpi sge, %get3A_311, %ge3A_318 : vector<16xi32>
    %and3A_320 = arith.andi %le3A_317, %ge3A_319 : vector<16xi1>
    %add3A_321 = arith.constant 8192 : i32
    %add3A_322 = arith.addi %mul3A_32, %add3A_321 : i32
    %lt3A_323 = vector.broadcast %add3A_322 : i32 to vector<16xi32>
    %lt3A_324 = arith.cmpi slt, %get3A_311, %lt3A_323 : vector<16xi32>
    %and3A_325 = arith.andi %and3A_320, %lt3A_324 : vector<16xi1>
    %sub3A_326 = vector.broadcast %mul3A_32 : i32 to vector<16xi32>
    %sub3A_327 = arith.subi %get3A_311, %sub3A_326 : vector<16xi32>
    %jit3A_328 = arith.constant 8192 : i32
    %broadcast_in_dim3A_329 = vector.broadcast %jit3A_328 : i32 to vector<16xi32>
    %select_n3A_330 = arith.select %and3A_325, %sub3A_327, %broadcast_in_dim3A_329 : vector<16xi1>, vector<16xi32>
    %swap3A_331 = arith.constant 176 : index
    %swap3A_332 = tpu.vector_load %arg14[%swap3A_331] {strides = array<i32>} : memref<1024xi32, #tpu.memory_space<vmem>>, vector<16xi32>,
    %swap3A_333 = vector.shape_cast %swap3A_332 : vector<16xi32> to vector<16xi32>
    %swap3A_334 = vector.shape_cast %select_n3A_330 : vector<16xi32> to vector<16xi32>
    tpu.vector_store %arg14[%swap3A_331], %swap3A_334 {strides = array<i32>} : memref<1024xi32, #tpu.memory_space<vmem>>, vector<16xi32>,
    %get3A_335 = arith.constant 192 : index
    %get3A_336 = tpu.vector_load %arg10[%get3A_335] {strides = array<i32>} : memref<1024xi32, #tpu.memory_space<vmem>>, vector<16xi32>,
    %get3A_337 = vector.shape_cast %get3A_336 : vector<16xi32> to vector<16xi32>
    %get3A_338 = arith.constant 192 : index
    %get3A_339 = tpu.vector_load %arg13[%get3A_338] {strides = array<i32>} : memref<1024xi32, #tpu.memory_space<vmem>>, vector<16xi32>,
    %get3A_340 = vector.shape_cast %get3A_339 : vector<16xi32> to vector<16xi32>
    %le3A_341 = arith.constant 0 : i32
    %le3A_342 = vector.broadcast %le3A_341 : i32 to vector<16xi32>
    %le3A_343 = arith.cmpi sle, %get3A_340, %le3A_342 : vector<16xi32>
    %ge3A_344 = vector.broadcast %mul3A_32 : i32 to vector<16xi32>
    %ge3A_345 = arith.cmpi sge, %get3A_337, %ge3A_344 : vector<16xi32>
    %and3A_346 = arith.andi %le3A_343, %ge3A_345 : vector<16xi1>
    %add3A_347 = arith.constant 8192 : i32
    %add3A_348 = arith.addi %mul3A_32, %add3A_347 : i32
    %lt3A_349 = vector.broadcast %add3A_348 : i32 to vector<16xi32>
    %lt3A_350 = arith.cmpi slt, %get3A_337, %lt3A_349 : vector<16xi32>
    %and3A_351 = arith.andi %and3A_346, %lt3A_350 : vector<16xi1>
    %sub3A_352 = vector.broadcast %mul3A_32 : i32 to vector<16xi32>
    %sub3A_353 = arith.subi %get3A_337, %sub3A_352 : vector<16xi32>
    %jit3A_354 = arith.constant 8192 : i32
    %broadcast_in_dim3A_355 = vector.broadcast %jit3A_354 : i32 to vector<16xi32>
    %select_n3A_356 = arith.select %and3A_351, %sub3A_353, %broadcast_in_dim3A_355 : vector<16xi1>, vector<16xi32>
    %swap3A_357 = arith.constant 192 : index
    %swap3A_358 = tpu.vector_load %arg14[%swap3A_357] {strides = array<i32>} : memref<1024xi32, #tpu.memory_space<vmem>>, vector<16xi32>,
    %swap3A_359 = vector.shape_cast %swap3A_358 : vector<16xi32> to vector<16xi32>
    %swap3A_360 = vector.shape_cast %select_n3A_356 : vector<16xi32> to vector<16xi32>
    tpu.vector_store %arg14[%swap3A_357], %swap3A_360 {strides = array<i32>} : memref<1024xi32, #tpu.memory_space<vmem>>, vector<16xi32>,
    %get3A_361 = arith.constant 208 : index
    %get3A_362 = tpu.vector_load %arg10[%get3A_361] {strides = array<i32>} : memref<1024xi32, #tpu.memory_space<vmem>>, vector<16xi32>,
    %get3A_363 = vector.shape_cast %get3A_362 : vector<16xi32> to vector<16xi32>
    %get3A_364 = arith.constant 208 : index
    %get3A_365 = tpu.vector_load %arg13[%get3A_364] {strides = array<i32>} : memref<1024xi32, #tpu.memory_space<vmem>>, vector<16xi32>,
    %get3A_366 = vector.shape_cast %get3A_365 : vector<16xi32> to vector<16xi32>
    %le3A_367 = arith.constant 0 : i32
    %le3A_368 = vector.broadcast %le3A_367 : i32 to vector<16xi32>
    %le3A_369 = arith.cmpi sle, %get3A_366, %le3A_368 : vector<16xi32>
    %ge3A_370 = vector.broadcast %mul3A_32 : i32 to vector<16xi32>
    %ge3A_371 = arith.cmpi sge, %get3A_363, %ge3A_370 : vector<16xi32>
    %and3A_372 = arith.andi %le3A_369, %ge3A_371 : vector<16xi1>
    %add3A_373 = arith.constant 8192 : i32
    %add3A_374 = arith.addi %mul3A_32, %add3A_373 : i32
    %lt3A_375 = vector.broadcast %add3A_374 : i32 to vector<16xi32>
    %lt3A_376 = arith.cmpi slt, %get3A_363, %lt3A_375 : vector<16xi32>
    %and3A_377 = arith.andi %and3A_372, %lt3A_376 : vector<16xi1>
    %sub3A_378 = vector.broadcast %mul3A_32 : i32 to vector<16xi32>
    %sub3A_379 = arith.subi %get3A_363, %sub3A_378 : vector<16xi32>
    %jit3A_380 = arith.constant 8192 : i32
    %broadcast_in_dim3A_381 = vector.broadcast %jit3A_380 : i32 to vector<16xi32>
    %select_n3A_382 = arith.select %and3A_377, %sub3A_379, %broadcast_in_dim3A_381 : vector<16xi1>, vector<16xi32>
    %swap3A_383 = arith.constant 208 : index
    %swap3A_384 = tpu.vector_load %arg14[%swap3A_383] {strides = array<i32>} : memref<1024xi32, #tpu.memory_space<vmem>>, vector<16xi32>,
    %swap3A_385 = vector.shape_cast %swap3A_384 : vector<16xi32> to vector<16xi32>
    %swap3A_386 = vector.shape_cast %select_n3A_382 : vector<16xi32> to vector<16xi32>
    tpu.vector_store %arg14[%swap3A_383], %swap3A_386 {strides = array<i32>} : memref<1024xi32, #tpu.memory_space<vmem>>, vector<16xi32>,
    %get3A_387 = arith.constant 224 : index
    %get3A_388 = tpu.vector_load %arg10[%get3A_387] {strides = array<i32>} : memref<1024xi32, #tpu.memory_space<vmem>>, vector<16xi32>,
    %get3A_389 = vector.shape_cast %get3A_388 : vector<16xi32> to vector<16xi32>
    %get3A_390 = arith.constant 224 : index
    %get3A_391 = tpu.vector_load %arg13[%get3A_390] {strides = array<i32>} : memref<1024xi32, #tpu.memory_space<vmem>>, vector<16xi32>,
    %get3A_392 = vector.shape_cast %get3A_391 : vector<16xi32> to vector<16xi32>
    %le3A_393 = arith.constant 0 : i32
    %le3A_394 = vector.broadcast %le3A_393 : i32 to vector<16xi32>
    %le3A_395 = arith.cmpi sle, %get3A_392, %le3A_394 : vector<16xi32>
    %ge3A_396 = vector.broadcast %mul3A_32 : i32 to vector<16xi32>
    %ge3A_397 = arith.cmpi sge, %get3A_389, %ge3A_396 : vector<16xi32>
    %and3A_398 = arith.andi %le3A_395, %ge3A_397 : vector<16xi1>
    %add3A_399 = arith.constant 8192 : i32
    %add3A_400 = arith.addi %mul3A_32, %add3A_399 : i32
    %lt3A_401 = vector.broadcast %add3A_400 : i32 to vector<16xi32>
    %lt3A_402 = arith.cmpi slt, %get3A_389, %lt3A_401 : vector<16xi32>
    %and3A_403 = arith.andi %and3A_398, %lt3A_402 : vector<16xi1>
    %sub3A_404 = vector.broadcast %mul3A_32 : i32 to vector<16xi32>
    %sub3A_405 = arith.subi %get3A_389, %sub3A_404 : vector<16xi32>
    %jit3A_406 = arith.constant 8192 : i32
    %broadcast_in_dim3A_407 = vector.broadcast %jit3A_406 : i32 to vector<16xi32>
    %select_n3A_408 = arith.select %and3A_403, %sub3A_405, %broadcast_in_dim3A_407 : vector<16xi1>, vector<16xi32>
    %swap3A_409 = arith.constant 224 : index
    %swap3A_410 = tpu.vector_load %arg14[%swap3A_409] {strides = array<i32>} : memref<1024xi32, #tpu.memory_space<vmem>>, vector<16xi32>,
    %swap3A_411 = vector.shape_cast %swap3A_410 : vector<16xi32> to vector<16xi32>
    %swap3A_412 = vector.shape_cast %select_n3A_408 : vector<16xi32> to vector<16xi32>
    tpu.vector_store %arg14[%swap3A_409], %swap3A_412 {strides = array<i32>} : memref<1024xi32, #tpu.memory_space<vmem>>, vector<16xi32>,
    %get3A_413 = arith.constant 240 : index
    %get3A_414 = tpu.vector_load %arg10[%get3A_413] {strides = array<i32>} : memref<1024xi32, #tpu.memory_space<vmem>>, vector<16xi32>,
    %get3A_415 = vector.shape_cast %get3A_414 : vector<16xi32> to vector<16xi32>
    %get3A_416 = arith.constant 240 : index
    %get3A_417 = tpu.vector_load %arg13[%get3A_416] {strides = array<i32>} : memref<1024xi32, #tpu.memory_space<vmem>>, vector<16xi32>,
    %get3A_418 = vector.shape_cast %get3A_417 : vector<16xi32> to vector<16xi32>
    %le3A_419 = arith.constant 0 : i32
    %le3A_420 = vector.broadcast %le3A_419 : i32 to vector<16xi32>
    %le3A_421 = arith.cmpi sle, %get3A_418, %le3A_420 : vector<16xi32>
    %ge3A_422 = vector.broadcast %mul3A_32 : i32 to vector<16xi32>
    %ge3A_423 = arith.cmpi sge, %get3A_415, %ge3A_422 : vector<16xi32>
    %and3A_424 = arith.andi %le3A_421, %ge3A_423 : vector<16xi1>
    %add3A_425 = arith.constant 8192 : i32
    %add3A_426 = arith.addi %mul3A_32, %add3A_425 : i32
    %lt3A_427 = vector.broadcast %add3A_426 : i32 to vector<16xi32>
    %lt3A_428 = arith.cmpi slt, %get3A_415, %lt3A_427 : vector<16xi32>
    %and3A_429 = arith.andi %and3A_424, %lt3A_428 : vector<16xi1>
    %sub3A_430 = vector.broadcast %mul3A_32 : i32 to vector<16xi32>
    %sub3A_431 = arith.subi %get3A_415, %sub3A_430 : vector<16xi32>
    %jit3A_432 = arith.constant 8192 : i32
    %broadcast_in_dim3A_433 = vector.broadcast %jit3A_432 : i32 to vector<16xi32>
    %select_n3A_434 = arith.select %and3A_429, %sub3A_431, %broadcast_in_dim3A_433 : vector<16xi1>, vector<16xi32>
    %swap3A_435 = arith.constant 240 : index
    %swap3A_436 = tpu.vector_load %arg14[%swap3A_435] {strides = array<i32>} : memref<1024xi32, #tpu.memory_space<vmem>>, vector<16xi32>,
    %swap3A_437 = vector.shape_cast %swap3A_436 : vector<16xi32> to vector<16xi32>
    %swap3A_438 = vector.shape_cast %select_n3A_434 : vector<16xi32> to vector<16xi32>
    tpu.vector_store %arg14[%swap3A_435], %swap3A_438 {strides = array<i32>} : memref<1024xi32, #tpu.memory_space<vmem>>, vector<16xi32>,
    %get3A_439 = arith.constant 256 : index
    %get3A_440 = tpu.vector_load %arg10[%get3A_439] {strides = array<i32>} : memref<1024xi32, #tpu.memory_space<vmem>>, vector<16xi32>,
    %get3A_441 = vector.shape_cast %get3A_440 : vector<16xi32> to vector<16xi32>
    %get3A_442 = arith.constant 256 : index
    %get3A_443 = tpu.vector_load %arg13[%get3A_442] {strides = array<i32>} : memref<1024xi32, #tpu.memory_space<vmem>>, vector<16xi32>,
    %get3A_444 = vector.shape_cast %get3A_443 : vector<16xi32> to vector<16xi32>
    %le3A_445 = arith.constant 0 : i32
    %le3A_446 = vector.broadcast %le3A_445 : i32 to vector<16xi32>
    %le3A_447 = arith.cmpi sle, %get3A_444, %le3A_446 : vector<16xi32>
    %ge3A_448 = vector.broadcast %mul3A_32 : i32 to vector<16xi32>
    %ge3A_449 = arith.cmpi sge, %get3A_441, %ge3A_448 : vector<16xi32>
    %and3A_450 = arith.andi %le3A_447, %ge3A_449 : vector<16xi1>
    %add3A_451 = arith.constant 8192 : i32
    %add3A_452 = arith.addi %mul3A_32, %add3A_451 : i32
    %lt3A_453 = vector.broadcast %add3A_452 : i32 to vector<16xi32>
    %lt3A_454 = arith.cmpi slt, %get3A_441, %lt3A_453 : vector<16xi32>
    %and3A_455 = arith.andi %and3A_450, %lt3A_454 : vector<16xi1>
    %sub3A_456 = vector.broadcast %mul3A_32 : i32 to vector<16xi32>
    %sub3A_457 = arith.subi %get3A_441, %sub3A_456 : vector<16xi32>
    %jit3A_458 = arith.constant 8192 : i32
    %broadcast_in_dim3A_459 = vector.broadcast %jit3A_458 : i32 to vector<16xi32>
    %select_n3A_460 = arith.select %and3A_455, %sub3A_457, %broadcast_in_dim3A_459 : vector<16xi1>, vector<16xi32>
    %swap3A_461 = arith.constant 256 : index
    %swap3A_462 = tpu.vector_load %arg14[%swap3A_461] {strides = array<i32>} : memref<1024xi32, #tpu.memory_space<vmem>>, vector<16xi32>,
    %swap3A_463 = vector.shape_cast %swap3A_462 : vector<16xi32> to vector<16xi32>
    %swap3A_464 = vector.shape_cast %select_n3A_460 : vector<16xi32> to vector<16xi32>
    tpu.vector_store %arg14[%swap3A_461], %swap3A_464 {strides = array<i32>} : memref<1024xi32, #tpu.memory_space<vmem>>, vector<16xi32>,
    %get3A_465 = arith.constant 272 : index
    %get3A_466 = tpu.vector_load %arg10[%get3A_465] {strides = array<i32>} : memref<1024xi32, #tpu.memory_space<vmem>>, vector<16xi32>,
    %get3A_467 = vector.shape_cast %get3A_466 : vector<16xi32> to vector<16xi32>
    %get3A_468 = arith.constant 272 : index
    %get3A_469 = tpu.vector_load %arg13[%get3A_468] {strides = array<i32>} : memref<1024xi32, #tpu.memory_space<vmem>>, vector<16xi32>,
    %get3A_470 = vector.shape_cast %get3A_469 : vector<16xi32> to vector<16xi32>
    %le3A_471 = arith.constant 0 : i32
    %le3A_472 = vector.broadcast %le3A_471 : i32 to vector<16xi32>
    %le3A_473 = arith.cmpi sle, %get3A_470, %le3A_472 : vector<16xi32>
    %ge3A_474 = vector.broadcast %mul3A_32 : i32 to vector<16xi32>
    %ge3A_475 = arith.cmpi sge, %get3A_467, %ge3A_474 : vector<16xi32>
    %and3A_476 = arith.andi %le3A_473, %ge3A_475 : vector<16xi1>
    %add3A_477 = arith.constant 8192 : i32
    %add3A_478 = arith.addi %mul3A_32, %add3A_477 : i32
    %lt3A_479 = vector.broadcast %add3A_478 : i32 to vector<16xi32>
    %lt3A_480 = arith.cmpi slt, %get3A_467, %lt3A_479 : vector<16xi32>
    %and3A_481 = arith.andi %and3A_476, %lt3A_480 : vector<16xi1>
    %sub3A_482 = vector.broadcast %mul3A_32 : i32 to vector<16xi32>
    %sub3A_483 = arith.subi %get3A_467, %sub3A_482 : vector<16xi32>
    %jit3A_484 = arith.constant 8192 : i32
    %broadcast_in_dim3A_485 = vector.broadcast %jit3A_484 : i32 to vector<16xi32>
    %select_n3A_486 = arith.select %and3A_481, %sub3A_483, %broadcast_in_dim3A_485 : vector<16xi1>, vector<16xi32>
    %swap3A_487 = arith.constant 272 : index
    %swap3A_488 = tpu.vector_load %arg14[%swap3A_487] {strides = array<i32>} : memref<1024xi32, #tpu.memory_space<vmem>>, vector<16xi32>,
    %swap3A_489 = vector.shape_cast %swap3A_488 : vector<16xi32> to vector<16xi32>
    %swap3A_490 = vector.shape_cast %select_n3A_486 : vector<16xi32> to vector<16xi32>
    tpu.vector_store %arg14[%swap3A_487], %swap3A_490 {strides = array<i32>} : memref<1024xi32, #tpu.memory_space<vmem>>, vector<16xi32>,
    %get3A_491 = arith.constant 288 : index
    %get3A_492 = tpu.vector_load %arg10[%get3A_491] {strides = array<i32>} : memref<1024xi32, #tpu.memory_space<vmem>>, vector<16xi32>,
    %get3A_493 = vector.shape_cast %get3A_492 : vector<16xi32> to vector<16xi32>
    %get3A_494 = arith.constant 288 : index
    %get3A_495 = tpu.vector_load %arg13[%get3A_494] {strides = array<i32>} : memref<1024xi32, #tpu.memory_space<vmem>>, vector<16xi32>,
    %get3A_496 = vector.shape_cast %get3A_495 : vector<16xi32> to vector<16xi32>
    %le3A_497 = arith.constant 0 : i32
    %le3A_498 = vector.broadcast %le3A_497 : i32 to vector<16xi32>
    %le3A_499 = arith.cmpi sle, %get3A_496, %le3A_498 : vector<16xi32>
    %ge3A_500 = vector.broadcast %mul3A_32 : i32 to vector<16xi32>
    %ge3A_501 = arith.cmpi sge, %get3A_493, %ge3A_500 : vector<16xi32>
    %and3A_502 = arith.andi %le3A_499, %ge3A_501 : vector<16xi1>
    %add3A_503 = arith.constant 8192 : i32
    %add3A_504 = arith.addi %mul3A_32, %add3A_503 : i32
    %lt3A_505 = vector.broadcast %add3A_504 : i32 to vector<16xi32>
    %lt3A_506 = arith.cmpi slt, %get3A_493, %lt3A_505 : vector<16xi32>
    %and3A_507 = arith.andi %and3A_502, %lt3A_506 : vector<16xi1>
    %sub3A_508 = vector.broadcast %mul3A_32 : i32 to vector<16xi32>
    %sub3A_509 = arith.subi %get3A_493, %sub3A_508 : vector<16xi32>
    %jit3A_510 = arith.constant 8192 : i32
    %broadcast_in_dim3A_511 = vector.broadcast %jit3A_510 : i32 to vector<16xi32>
    %select_n3A_512 = arith.select %and3A_507, %sub3A_509, %broadcast_in_dim3A_511 : vector<16xi1>, vector<16xi32>
    %swap3A_513 = arith.constant 288 : index
    %swap3A_514 = tpu.vector_load %arg14[%swap3A_513] {strides = array<i32>} : memref<1024xi32, #tpu.memory_space<vmem>>, vector<16xi32>,
    %swap3A_515 = vector.shape_cast %swap3A_514 : vector<16xi32> to vector<16xi32>
    %swap3A_516 = vector.shape_cast %select_n3A_512 : vector<16xi32> to vector<16xi32>
    tpu.vector_store %arg14[%swap3A_513], %swap3A_516 {strides = array<i32>} : memref<1024xi32, #tpu.memory_space<vmem>>, vector<16xi32>,
    %get3A_517 = arith.constant 304 : index
    %get3A_518 = tpu.vector_load %arg10[%get3A_517] {strides = array<i32>} : memref<1024xi32, #tpu.memory_space<vmem>>, vector<16xi32>,
    %get3A_519 = vector.shape_cast %get3A_518 : vector<16xi32> to vector<16xi32>
    %get3A_520 = arith.constant 304 : index
    %get3A_521 = tpu.vector_load %arg13[%get3A_520] {strides = array<i32>} : memref<1024xi32, #tpu.memory_space<vmem>>, vector<16xi32>,
    %get3A_522 = vector.shape_cast %get3A_521 : vector<16xi32> to vector<16xi32>
    %le3A_523 = arith.constant 0 : i32
    %le3A_524 = vector.broadcast %le3A_523 : i32 to vector<16xi32>
    %le3A_525 = arith.cmpi sle, %get3A_522, %le3A_524 : vector<16xi32>
    %ge3A_526 = vector.broadcast %mul3A_32 : i32 to vector<16xi32>
    %ge3A_527 = arith.cmpi sge, %get3A_519, %ge3A_526 : vector<16xi32>
    %and3A_528 = arith.andi %le3A_525, %ge3A_527 : vector<16xi1>
    %add3A_529 = arith.constant 8192 : i32
    %add3A_530 = arith.addi %mul3A_32, %add3A_529 : i32
    %lt3A_531 = vector.broadcast %add3A_530 : i32 to vector<16xi32>
    %lt3A_532 = arith.cmpi slt, %get3A_519, %lt3A_531 : vector<16xi32>
    %and3A_533 = arith.andi %and3A_528, %lt3A_532 : vector<16xi1>
    %sub3A_534 = vector.broadcast %mul3A_32 : i32 to vector<16xi32>
    %sub3A_535 = arith.subi %get3A_519, %sub3A_534 : vector<16xi32>
    %jit3A_536 = arith.constant 8192 : i32
    %broadcast_in_dim3A_537 = vector.broadcast %jit3A_536 : i32 to vector<16xi32>
    %select_n3A_538 = arith.select %and3A_533, %sub3A_535, %broadcast_in_dim3A_537 : vector<16xi1>, vector<16xi32>
    %swap3A_539 = arith.constant 304 : index
    %swap3A_540 = tpu.vector_load %arg14[%swap3A_539] {strides = array<i32>} : memref<1024xi32, #tpu.memory_space<vmem>>, vector<16xi32>,
    %swap3A_541 = vector.shape_cast %swap3A_540 : vector<16xi32> to vector<16xi32>
    %swap3A_542 = vector.shape_cast %select_n3A_538 : vector<16xi32> to vector<16xi32>
    tpu.vector_store %arg14[%swap3A_539], %swap3A_542 {strides = array<i32>} : memref<1024xi32, #tpu.memory_space<vmem>>, vector<16xi32>,
    %get3A_543 = arith.constant 320 : index
    %get3A_544 = tpu.vector_load %arg10[%get3A_543] {strides = array<i32>} : memref<1024xi32, #tpu.memory_space<vmem>>, vector<16xi32>,
    %get3A_545 = vector.shape_cast %get3A_544 : vector<16xi32> to vector<16xi32>
    %get3A_546 = arith.constant 320 : index
    %get3A_547 = tpu.vector_load %arg13[%get3A_546] {strides = array<i32>} : memref<1024xi32, #tpu.memory_space<vmem>>, vector<16xi32>,
    %get3A_548 = vector.shape_cast %get3A_547 : vector<16xi32> to vector<16xi32>
    %le3A_549 = arith.constant 0 : i32
    %le3A_550 = vector.broadcast %le3A_549 : i32 to vector<16xi32>
    %le3A_551 = arith.cmpi sle, %get3A_548, %le3A_550 : vector<16xi32>
    %ge3A_552 = vector.broadcast %mul3A_32 : i32 to vector<16xi32>
    %ge3A_553 = arith.cmpi sge, %get3A_545, %ge3A_552 : vector<16xi32>
    %and3A_554 = arith.andi %le3A_551, %ge3A_553 : vector<16xi1>
    %add3A_555 = arith.constant 8192 : i32
    %add3A_556 = arith.addi %mul3A_32, %add3A_555 : i32
    %lt3A_557 = vector.broadcast %add3A_556 : i32 to vector<16xi32>
    %lt3A_558 = arith.cmpi slt, %get3A_545, %lt3A_557 : vector<16xi32>
    %and3A_559 = arith.andi %and3A_554, %lt3A_558 : vector<16xi1>
    %sub3A_560 = vector.broadcast %mul3A_32 : i32 to vector<16xi32>
    %sub3A_561 = arith.subi %get3A_545, %sub3A_560 : vector<16xi32>
    %jit3A_562 = arith.constant 8192 : i32
    %broadcast_in_dim3A_563 = vector.broadcast %jit3A_562 : i32 to vector<16xi32>
    %select_n3A_564 = arith.select %and3A_559, %sub3A_561, %broadcast_in_dim3A_563 : vector<16xi1>, vector<16xi32>
    %swap3A_565 = arith.constant 320 : index
    %swap3A_566 = tpu.vector_load %arg14[%swap3A_565] {strides = array<i32>} : memref<1024xi32, #tpu.memory_space<vmem>>, vector<16xi32>,
    %swap3A_567 = vector.shape_cast %swap3A_566 : vector<16xi32> to vector<16xi32>
    %swap3A_568 = vector.shape_cast %select_n3A_564 : vector<16xi32> to vector<16xi32>
    tpu.vector_store %arg14[%swap3A_565], %swap3A_568 {strides = array<i32>} : memref<1024xi32, #tpu.memory_space<vmem>>, vector<16xi32>,
    %get3A_569 = arith.constant 336 : index
    %get3A_570 = tpu.vector_load %arg10[%get3A_569] {strides = array<i32>} : memref<1024xi32, #tpu.memory_space<vmem>>, vector<16xi32>,
    %get3A_571 = vector.shape_cast %get3A_570 : vector<16xi32> to vector<16xi32>
    %get3A_572 = arith.constant 336 : index
    %get3A_573 = tpu.vector_load %arg13[%get3A_572] {strides = array<i32>} : memref<1024xi32, #tpu.memory_space<vmem>>, vector<16xi32>,
    %get3A_574 = vector.shape_cast %get3A_573 : vector<16xi32> to vector<16xi32>
    %le3A_575 = arith.constant 0 : i32
    %le3A_576 = vector.broadcast %le3A_575 : i32 to vector<16xi32>
    %le3A_577 = arith.cmpi sle, %get3A_574, %le3A_576 : vector<16xi32>
    %ge3A_578 = vector.broadcast %mul3A_32 : i32 to vector<16xi32>
    %ge3A_579 = arith.cmpi sge, %get3A_571, %ge3A_578 : vector<16xi32>
    %and3A_580 = arith.andi %le3A_577, %ge3A_579 : vector<16xi1>
    %add3A_581 = arith.constant 8192 : i32
    %add3A_582 = arith.addi %mul3A_32, %add3A_581 : i32
    %lt3A_583 = vector.broadcast %add3A_582 : i32 to vector<16xi32>
    %lt3A_584 = arith.cmpi slt, %get3A_571, %lt3A_583 : vector<16xi32>
    %and3A_585 = arith.andi %and3A_580, %lt3A_584 : vector<16xi1>
    %sub3A_586 = vector.broadcast %mul3A_32 : i32 to vector<16xi32>
    %sub3A_587 = arith.subi %get3A_571, %sub3A_586 : vector<16xi32>
    %jit3A_588 = arith.constant 8192 : i32
    %broadcast_in_dim3A_589 = vector.broadcast %jit3A_588 : i32 to vector<16xi32>
    %select_n3A_590 = arith.select %and3A_585, %sub3A_587, %broadcast_in_dim3A_589 : vector<16xi1>, vector<16xi32>
    %swap3A_591 = arith.constant 336 : index
    %swap3A_592 = tpu.vector_load %arg14[%swap3A_591] {strides = array<i32>} : memref<1024xi32, #tpu.memory_space<vmem>>, vector<16xi32>,
    %swap3A_593 = vector.shape_cast %swap3A_592 : vector<16xi32> to vector<16xi32>
    %swap3A_594 = vector.shape_cast %select_n3A_590 : vector<16xi32> to vector<16xi32>
    tpu.vector_store %arg14[%swap3A_591], %swap3A_594 {strides = array<i32>} : memref<1024xi32, #tpu.memory_space<vmem>>, vector<16xi32>,
    %get3A_595 = arith.constant 352 : index
    %get3A_596 = tpu.vector_load %arg10[%get3A_595] {strides = array<i32>} : memref<1024xi32, #tpu.memory_space<vmem>>, vector<16xi32>,
    %get3A_597 = vector.shape_cast %get3A_596 : vector<16xi32> to vector<16xi32>
    %get3A_598 = arith.constant 352 : index
    %get3A_599 = tpu.vector_load %arg13[%get3A_598] {strides = array<i32>} : memref<1024xi32, #tpu.memory_space<vmem>>, vector<16xi32>,
    %get3A_600 = vector.shape_cast %get3A_599 : vector<16xi32> to vector<16xi32>
    %le3A_601 = arith.constant 0 : i32
    %le3A_602 = vector.broadcast %le3A_601 : i32 to vector<16xi32>
    %le3A_603 = arith.cmpi sle, %get3A_600, %le3A_602 : vector<16xi32>
    %ge3A_604 = vector.broadcast %mul3A_32 : i32 to vector<16xi32>
    %ge3A_605 = arith.cmpi sge, %get3A_597, %ge3A_604 : vector<16xi32>
    %and3A_606 = arith.andi %le3A_603, %ge3A_605 : vector<16xi1>
    %add3A_607 = arith.constant 8192 : i32
    %add3A_608 = arith.addi %mul3A_32, %add3A_607 : i32
    %lt3A_609 = vector.broadcast %add3A_608 : i32 to vector<16xi32>
    %lt3A_610 = arith.cmpi slt, %get3A_597, %lt3A_609 : vector<16xi32>
    %and3A_611 = arith.andi %and3A_606, %lt3A_610 : vector<16xi1>
    %sub3A_612 = vector.broadcast %mul3A_32 : i32 to vector<16xi32>
    %sub3A_613 = arith.subi %get3A_597, %sub3A_612 : vector<16xi32>
    %jit3A_614 = arith.constant 8192 : i32
    %broadcast_in_dim3A_615 = vector.broadcast %jit3A_614 : i32 to vector<16xi32>
    %select_n3A_616 = arith.select %and3A_611, %sub3A_613, %broadcast_in_dim3A_615 : vector<16xi1>, vector<16xi32>
    %swap3A_617 = arith.constant 352 : index
    %swap3A_618 = tpu.vector_load %arg14[%swap3A_617] {strides = array<i32>} : memref<1024xi32, #tpu.memory_space<vmem>>, vector<16xi32>,
    %swap3A_619 = vector.shape_cast %swap3A_618 : vector<16xi32> to vector<16xi32>
    %swap3A_620 = vector.shape_cast %select_n3A_616 : vector<16xi32> to vector<16xi32>
    tpu.vector_store %arg14[%swap3A_617], %swap3A_620 {strides = array<i32>} : memref<1024xi32, #tpu.memory_space<vmem>>, vector<16xi32>,
    %get3A_621 = arith.constant 368 : index
    %get3A_622 = tpu.vector_load %arg10[%get3A_621] {strides = array<i32>} : memref<1024xi32, #tpu.memory_space<vmem>>, vector<16xi32>,
    %get3A_623 = vector.shape_cast %get3A_622 : vector<16xi32> to vector<16xi32>
    %get3A_624 = arith.constant 368 : index
    %get3A_625 = tpu.vector_load %arg13[%get3A_624] {strides = array<i32>} : memref<1024xi32, #tpu.memory_space<vmem>>, vector<16xi32>,
    %get3A_626 = vector.shape_cast %get3A_625 : vector<16xi32> to vector<16xi32>
    %le3A_627 = arith.constant 0 : i32
    %le3A_628 = vector.broadcast %le3A_627 : i32 to vector<16xi32>
    %le3A_629 = arith.cmpi sle, %get3A_626, %le3A_628 : vector<16xi32>
    %ge3A_630 = vector.broadcast %mul3A_32 : i32 to vector<16xi32>
    %ge3A_631 = arith.cmpi sge, %get3A_623, %ge3A_630 : vector<16xi32>
    %and3A_632 = arith.andi %le3A_629, %ge3A_631 : vector<16xi1>
    %add3A_633 = arith.constant 8192 : i32
    %add3A_634 = arith.addi %mul3A_32, %add3A_633 : i32
    %lt3A_635 = vector.broadcast %add3A_634 : i32 to vector<16xi32>
    %lt3A_636 = arith.cmpi slt, %get3A_623, %lt3A_635 : vector<16xi32>
    %and3A_637 = arith.andi %and3A_632, %lt3A_636 : vector<16xi1>
    %sub3A_638 = vector.broadcast %mul3A_32 : i32 to vector<16xi32>
    %sub3A_639 = arith.subi %get3A_623, %sub3A_638 : vector<16xi32>
    %jit3A_640 = arith.constant 8192 : i32
    %broadcast_in_dim3A_641 = vector.broadcast %jit3A_640 : i32 to vector<16xi32>
    %select_n3A_642 = arith.select %and3A_637, %sub3A_639, %broadcast_in_dim3A_641 : vector<16xi1>, vector<16xi32>
    %swap3A_643 = arith.constant 368 : index
    %swap3A_644 = tpu.vector_load %arg14[%swap3A_643] {strides = array<i32>} : memref<1024xi32, #tpu.memory_space<vmem>>, vector<16xi32>,
    %swap3A_645 = vector.shape_cast %swap3A_644 : vector<16xi32> to vector<16xi32>
    %swap3A_646 = vector.shape_cast %select_n3A_642 : vector<16xi32> to vector<16xi32>
    tpu.vector_store %arg14[%swap3A_643], %swap3A_646 {strides = array<i32>} : memref<1024xi32, #tpu.memory_space<vmem>>, vector<16xi32>,
    %get3A_647 = arith.constant 384 : index
    %get3A_648 = tpu.vector_load %arg10[%get3A_647] {strides = array<i32>} : memref<1024xi32, #tpu.memory_space<vmem>>, vector<16xi32>,
    %get3A_649 = vector.shape_cast %get3A_648 : vector<16xi32> to vector<16xi32>
    %get3A_650 = arith.constant 384 : index
    %get3A_651 = tpu.vector_load %arg13[%get3A_650] {strides = array<i32>} : memref<1024xi32, #tpu.memory_space<vmem>>, vector<16xi32>,
    %get3A_652 = vector.shape_cast %get3A_651 : vector<16xi32> to vector<16xi32>
    %le3A_653 = arith.constant 0 : i32
    %le3A_654 = vector.broadcast %le3A_653 : i32 to vector<16xi32>
    %le3A_655 = arith.cmpi sle, %get3A_652, %le3A_654 : vector<16xi32>
    %ge3A_656 = vector.broadcast %mul3A_32 : i32 to vector<16xi32>
    %ge3A_657 = arith.cmpi sge, %get3A_649, %ge3A_656 : vector<16xi32>
    %and3A_658 = arith.andi %le3A_655, %ge3A_657 : vector<16xi1>
    %add3A_659 = arith.constant 8192 : i32
    %add3A_660 = arith.addi %mul3A_32, %add3A_659 : i32
    %lt3A_661 = vector.broadcast %add3A_660 : i32 to vector<16xi32>
    %lt3A_662 = arith.cmpi slt, %get3A_649, %lt3A_661 : vector<16xi32>
    %and3A_663 = arith.andi %and3A_658, %lt3A_662 : vector<16xi1>
    %sub3A_664 = vector.broadcast %mul3A_32 : i32 to vector<16xi32>
    %sub3A_665 = arith.subi %get3A_649, %sub3A_664 : vector<16xi32>
    %jit3A_666 = arith.constant 8192 : i32
    %broadcast_in_dim3A_667 = vector.broadcast %jit3A_666 : i32 to vector<16xi32>
    %select_n3A_668 = arith.select %and3A_663, %sub3A_665, %broadcast_in_dim3A_667 : vector<16xi1>, vector<16xi32>
    %swap3A_669 = arith.constant 384 : index
    %swap3A_670 = tpu.vector_load %arg14[%swap3A_669] {strides = array<i32>} : memref<1024xi32, #tpu.memory_space<vmem>>, vector<16xi32>,
    %swap3A_671 = vector.shape_cast %swap3A_670 : vector<16xi32> to vector<16xi32>
    %swap3A_672 = vector.shape_cast %select_n3A_668 : vector<16xi32> to vector<16xi32>
    tpu.vector_store %arg14[%swap3A_669], %swap3A_672 {strides = array<i32>} : memref<1024xi32, #tpu.memory_space<vmem>>, vector<16xi32>,
    %get3A_673 = arith.constant 400 : index
    %get3A_674 = tpu.vector_load %arg10[%get3A_673] {strides = array<i32>} : memref<1024xi32, #tpu.memory_space<vmem>>, vector<16xi32>,
    %get3A_675 = vector.shape_cast %get3A_674 : vector<16xi32> to vector<16xi32>
    %get3A_676 = arith.constant 400 : index
    %get3A_677 = tpu.vector_load %arg13[%get3A_676] {strides = array<i32>} : memref<1024xi32, #tpu.memory_space<vmem>>, vector<16xi32>,
    %get3A_678 = vector.shape_cast %get3A_677 : vector<16xi32> to vector<16xi32>
    %le3A_679 = arith.constant 0 : i32
    %le3A_680 = vector.broadcast %le3A_679 : i32 to vector<16xi32>
    %le3A_681 = arith.cmpi sle, %get3A_678, %le3A_680 : vector<16xi32>
    %ge3A_682 = vector.broadcast %mul3A_32 : i32 to vector<16xi32>
    %ge3A_683 = arith.cmpi sge, %get3A_675, %ge3A_682 : vector<16xi32>
    %and3A_684 = arith.andi %le3A_681, %ge3A_683 : vector<16xi1>
    %add3A_685 = arith.constant 8192 : i32
    %add3A_686 = arith.addi %mul3A_32, %add3A_685 : i32
    %lt3A_687 = vector.broadcast %add3A_686 : i32 to vector<16xi32>
    %lt3A_688 = arith.cmpi slt, %get3A_675, %lt3A_687 : vector<16xi32>
    %and3A_689 = arith.andi %and3A_684, %lt3A_688 : vector<16xi1>
    %sub3A_690 = vector.broadcast %mul3A_32 : i32 to vector<16xi32>
    %sub3A_691 = arith.subi %get3A_675, %sub3A_690 : vector<16xi32>
    %jit3A_692 = arith.constant 8192 : i32
    %broadcast_in_dim3A_693 = vector.broadcast %jit3A_692 : i32 to vector<16xi32>
    %select_n3A_694 = arith.select %and3A_689, %sub3A_691, %broadcast_in_dim3A_693 : vector<16xi1>, vector<16xi32>
    %swap3A_695 = arith.constant 400 : index
    %swap3A_696 = tpu.vector_load %arg14[%swap3A_695] {strides = array<i32>} : memref<1024xi32, #tpu.memory_space<vmem>>, vector<16xi32>,
    %swap3A_697 = vector.shape_cast %swap3A_696 : vector<16xi32> to vector<16xi32>
    %swap3A_698 = vector.shape_cast %select_n3A_694 : vector<16xi32> to vector<16xi32>
    tpu.vector_store %arg14[%swap3A_695], %swap3A_698 {strides = array<i32>} : memref<1024xi32, #tpu.memory_space<vmem>>, vector<16xi32>,
    %get3A_699 = arith.constant 416 : index
    %get3A_700 = tpu.vector_load %arg10[%get3A_699] {strides = array<i32>} : memref<1024xi32, #tpu.memory_space<vmem>>, vector<16xi32>,
    %get3A_701 = vector.shape_cast %get3A_700 : vector<16xi32> to vector<16xi32>
    %get3A_702 = arith.constant 416 : index
    %get3A_703 = tpu.vector_load %arg13[%get3A_702] {strides = array<i32>} : memref<1024xi32, #tpu.memory_space<vmem>>, vector<16xi32>,
    %get3A_704 = vector.shape_cast %get3A_703 : vector<16xi32> to vector<16xi32>
    %le3A_705 = arith.constant 0 : i32
    %le3A_706 = vector.broadcast %le3A_705 : i32 to vector<16xi32>
    %le3A_707 = arith.cmpi sle, %get3A_704, %le3A_706 : vector<16xi32>
    %ge3A_708 = vector.broadcast %mul3A_32 : i32 to vector<16xi32>
    %ge3A_709 = arith.cmpi sge, %get3A_701, %ge3A_708 : vector<16xi32>
    %and3A_710 = arith.andi %le3A_707, %ge3A_709 : vector<16xi1>
    %add3A_711 = arith.constant 8192 : i32
    %add3A_712 = arith.addi %mul3A_32, %add3A_711 : i32
    %lt3A_713 = vector.broadcast %add3A_712 : i32 to vector<16xi32>
    %lt3A_714 = arith.cmpi slt, %get3A_701, %lt3A_713 : vector<16xi32>
    %and3A_715 = arith.andi %and3A_710, %lt3A_714 : vector<16xi1>
    %sub3A_716 = vector.broadcast %mul3A_32 : i32 to vector<16xi32>
    %sub3A_717 = arith.subi %get3A_701, %sub3A_716 : vector<16xi32>
    %jit3A_718 = arith.constant 8192 : i32
    %broadcast_in_dim3A_719 = vector.broadcast %jit3A_718 : i32 to vector<16xi32>
    %select_n3A_720 = arith.select %and3A_715, %sub3A_717, %broadcast_in_dim3A_719 : vector<16xi1>, vector<16xi32>
    %swap3A_721 = arith.constant 416 : index
    %swap3A_722 = tpu.vector_load %arg14[%swap3A_721] {strides = array<i32>} : memref<1024xi32, #tpu.memory_space<vmem>>, vector<16xi32>,
    %swap3A_723 = vector.shape_cast %swap3A_722 : vector<16xi32> to vector<16xi32>
    %swap3A_724 = vector.shape_cast %select_n3A_720 : vector<16xi32> to vector<16xi32>
    tpu.vector_store %arg14[%swap3A_721], %swap3A_724 {strides = array<i32>} : memref<1024xi32, #tpu.memory_space<vmem>>, vector<16xi32>,
    %get3A_725 = arith.constant 432 : index
    %get3A_726 = tpu.vector_load %arg10[%get3A_725] {strides = array<i32>} : memref<1024xi32, #tpu.memory_space<vmem>>, vector<16xi32>,
    %get3A_727 = vector.shape_cast %get3A_726 : vector<16xi32> to vector<16xi32>
    %get3A_728 = arith.constant 432 : index
    %get3A_729 = tpu.vector_load %arg13[%get3A_728] {strides = array<i32>} : memref<1024xi32, #tpu.memory_space<vmem>>, vector<16xi32>,
    %get3A_730 = vector.shape_cast %get3A_729 : vector<16xi32> to vector<16xi32>
    %le3A_731 = arith.constant 0 : i32
    %le3A_732 = vector.broadcast %le3A_731 : i32 to vector<16xi32>
    %le3A_733 = arith.cmpi sle, %get3A_730, %le3A_732 : vector<16xi32>
    %ge3A_734 = vector.broadcast %mul3A_32 : i32 to vector<16xi32>
    %ge3A_735 = arith.cmpi sge, %get3A_727, %ge3A_734 : vector<16xi32>
    %and3A_736 = arith.andi %le3A_733, %ge3A_735 : vector<16xi1>
    %add3A_737 = arith.constant 8192 : i32
    %add3A_738 = arith.addi %mul3A_32, %add3A_737 : i32
    %lt3A_739 = vector.broadcast %add3A_738 : i32 to vector<16xi32>
    %lt3A_740 = arith.cmpi slt, %get3A_727, %lt3A_739 : vector<16xi32>
    %and3A_741 = arith.andi %and3A_736, %lt3A_740 : vector<16xi1>
    %sub3A_742 = vector.broadcast %mul3A_32 : i32 to vector<16xi32>
    %sub3A_743 = arith.subi %get3A_727, %sub3A_742 : vector<16xi32>
    %jit3A_744 = arith.constant 8192 : i32
    %broadcast_in_dim3A_745 = vector.broadcast %jit3A_744 : i32 to vector<16xi32>
    %select_n3A_746 = arith.select %and3A_741, %sub3A_743, %broadcast_in_dim3A_745 : vector<16xi1>, vector<16xi32>
    %swap3A_747 = arith.constant 432 : index
    %swap3A_748 = tpu.vector_load %arg14[%swap3A_747] {strides = array<i32>} : memref<1024xi32, #tpu.memory_space<vmem>>, vector<16xi32>,
    %swap3A_749 = vector.shape_cast %swap3A_748 : vector<16xi32> to vector<16xi32>
    %swap3A_750 = vector.shape_cast %select_n3A_746 : vector<16xi32> to vector<16xi32>
    tpu.vector_store %arg14[%swap3A_747], %swap3A_750 {strides = array<i32>} : memref<1024xi32, #tpu.memory_space<vmem>>, vector<16xi32>,
    %get3A_751 = arith.constant 448 : index
    %get3A_752 = tpu.vector_load %arg10[%get3A_751] {strides = array<i32>} : memref<1024xi32, #tpu.memory_space<vmem>>, vector<16xi32>,
    %get3A_753 = vector.shape_cast %get3A_752 : vector<16xi32> to vector<16xi32>
    %get3A_754 = arith.constant 448 : index
    %get3A_755 = tpu.vector_load %arg13[%get3A_754] {strides = array<i32>} : memref<1024xi32, #tpu.memory_space<vmem>>, vector<16xi32>,
    %get3A_756 = vector.shape_cast %get3A_755 : vector<16xi32> to vector<16xi32>
    %le3A_757 = arith.constant 0 : i32
    %le3A_758 = vector.broadcast %le3A_757 : i32 to vector<16xi32>
    %le3A_759 = arith.cmpi sle, %get3A_756, %le3A_758 : vector<16xi32>
    %ge3A_760 = vector.broadcast %mul3A_32 : i32 to vector<16xi32>
    %ge3A_761 = arith.cmpi sge, %get3A_753, %ge3A_760 : vector<16xi32>
    %and3A_762 = arith.andi %le3A_759, %ge3A_761 : vector<16xi1>
    %add3A_763 = arith.constant 8192 : i32
    %add3A_764 = arith.addi %mul3A_32, %add3A_763 : i32
    %lt3A_765 = vector.broadcast %add3A_764 : i32 to vector<16xi32>
    %lt3A_766 = arith.cmpi slt, %get3A_753, %lt3A_765 : vector<16xi32>
    %and3A_767 = arith.andi %and3A_762, %lt3A_766 : vector<16xi1>
    %sub3A_768 = vector.broadcast %mul3A_32 : i32 to vector<16xi32>
    %sub3A_769 = arith.subi %get3A_753, %sub3A_768 : vector<16xi32>
    %jit3A_770 = arith.constant 8192 : i32
    %broadcast_in_dim3A_771 = vector.broadcast %jit3A_770 : i32 to vector<16xi32>
    %select_n3A_772 = arith.select %and3A_767, %sub3A_769, %broadcast_in_dim3A_771 : vector<16xi1>, vector<16xi32>
    %swap3A_773 = arith.constant 448 : index
    %swap3A_774 = tpu.vector_load %arg14[%swap3A_773] {strides = array<i32>} : memref<1024xi32, #tpu.memory_space<vmem>>, vector<16xi32>,
    %swap3A_775 = vector.shape_cast %swap3A_774 : vector<16xi32> to vector<16xi32>
    %swap3A_776 = vector.shape_cast %select_n3A_772 : vector<16xi32> to vector<16xi32>
    tpu.vector_store %arg14[%swap3A_773], %swap3A_776 {strides = array<i32>} : memref<1024xi32, #tpu.memory_space<vmem>>, vector<16xi32>,
    %get3A_777 = arith.constant 464 : index
    %get3A_778 = tpu.vector_load %arg10[%get3A_777] {strides = array<i32>} : memref<1024xi32, #tpu.memory_space<vmem>>, vector<16xi32>,
    %get3A_779 = vector.shape_cast %get3A_778 : vector<16xi32> to vector<16xi32>
    %get3A_780 = arith.constant 464 : index
    %get3A_781 = tpu.vector_load %arg13[%get3A_780] {strides = array<i32>} : memref<1024xi32, #tpu.memory_space<vmem>>, vector<16xi32>,
    %get3A_782 = vector.shape_cast %get3A_781 : vector<16xi32> to vector<16xi32>
    %le3A_783 = arith.constant 0 : i32
    %le3A_784 = vector.broadcast %le3A_783 : i32 to vector<16xi32>
    %le3A_785 = arith.cmpi sle, %get3A_782, %le3A_784 : vector<16xi32>
    %ge3A_786 = vector.broadcast %mul3A_32 : i32 to vector<16xi32>
    %ge3A_787 = arith.cmpi sge, %get3A_779, %ge3A_786 : vector<16xi32>
    %and3A_788 = arith.andi %le3A_785, %ge3A_787 : vector<16xi1>
    %add3A_789 = arith.constant 8192 : i32
    %add3A_790 = arith.addi %mul3A_32, %add3A_789 : i32
    %lt3A_791 = vector.broadcast %add3A_790 : i32 to vector<16xi32>
    %lt3A_792 = arith.cmpi slt, %get3A_779, %lt3A_791 : vector<16xi32>
    %and3A_793 = arith.andi %and3A_788, %lt3A_792 : vector<16xi1>
    %sub3A_794 = vector.broadcast %mul3A_32 : i32 to vector<16xi32>
    %sub3A_795 = arith.subi %get3A_779, %sub3A_794 : vector<16xi32>
    %jit3A_796 = arith.constant 8192 : i32
    %broadcast_in_dim3A_797 = vector.broadcast %jit3A_796 : i32 to vector<16xi32>
    %select_n3A_798 = arith.select %and3A_793, %sub3A_795, %broadcast_in_dim3A_797 : vector<16xi1>, vector<16xi32>
    %swap3A_799 = arith.constant 464 : index
    %swap3A_800 = tpu.vector_load %arg14[%swap3A_799] {strides = array<i32>} : memref<1024xi32, #tpu.memory_space<vmem>>, vector<16xi32>,
    %swap3A_801 = vector.shape_cast %swap3A_800 : vector<16xi32> to vector<16xi32>
    %swap3A_802 = vector.shape_cast %select_n3A_798 : vector<16xi32> to vector<16xi32>
    tpu.vector_store %arg14[%swap3A_799], %swap3A_802 {strides = array<i32>} : memref<1024xi32, #tpu.memory_space<vmem>>, vector<16xi32>,
    %get3A_803 = arith.constant 480 : index
    %get3A_804 = tpu.vector_load %arg10[%get3A_803] {strides = array<i32>} : memref<1024xi32, #tpu.memory_space<vmem>>, vector<16xi32>,
    %get3A_805 = vector.shape_cast %get3A_804 : vector<16xi32> to vector<16xi32>
    %get3A_806 = arith.constant 480 : index
    %get3A_807 = tpu.vector_load %arg13[%get3A_806] {strides = array<i32>} : memref<1024xi32, #tpu.memory_space<vmem>>, vector<16xi32>,
    %get3A_808 = vector.shape_cast %get3A_807 : vector<16xi32> to vector<16xi32>
    %le3A_809 = arith.constant 0 : i32
    %le3A_810 = vector.broadcast %le3A_809 : i32 to vector<16xi32>
    %le3A_811 = arith.cmpi sle, %get3A_808, %le3A_810 : vector<16xi32>
    %ge3A_812 = vector.broadcast %mul3A_32 : i32 to vector<16xi32>
    %ge3A_813 = arith.cmpi sge, %get3A_805, %ge3A_812 : vector<16xi32>
    %and3A_814 = arith.andi %le3A_811, %ge3A_813 : vector<16xi1>
    %add3A_815 = arith.constant 8192 : i32
    %add3A_816 = arith.addi %mul3A_32, %add3A_815 : i32
    %lt3A_817 = vector.broadcast %add3A_816 : i32 to vector<16xi32>
    %lt3A_818 = arith.cmpi slt, %get3A_805, %lt3A_817 : vector<16xi32>
    %and3A_819 = arith.andi %and3A_814, %lt3A_818 : vector<16xi1>
    %sub3A_820 = vector.broadcast %mul3A_32 : i32 to vector<16xi32>
    %sub3A_821 = arith.subi %get3A_805, %sub3A_820 : vector<16xi32>
    %jit3A_822 = arith.constant 8192 : i32
    %broadcast_in_dim3A_823 = vector.broadcast %jit3A_822 : i32 to vector<16xi32>
    %select_n3A_824 = arith.select %and3A_819, %sub3A_821, %broadcast_in_dim3A_823 : vector<16xi1>, vector<16xi32>
    %swap3A_825 = arith.constant 480 : index
    %swap3A_826 = tpu.vector_load %arg14[%swap3A_825] {strides = array<i32>} : memref<1024xi32, #tpu.memory_space<vmem>>, vector<16xi32>,
    %swap3A_827 = vector.shape_cast %swap3A_826 : vector<16xi32> to vector<16xi32>
    %swap3A_828 = vector.shape_cast %select_n3A_824 : vector<16xi32> to vector<16xi32>
    tpu.vector_store %arg14[%swap3A_825], %swap3A_828 {strides = array<i32>} : memref<1024xi32, #tpu.memory_space<vmem>>, vector<16xi32>,
    %get3A_829 = arith.constant 496 : index
    %get3A_830 = tpu.vector_load %arg10[%get3A_829] {strides = array<i32>} : memref<1024xi32, #tpu.memory_space<vmem>>, vector<16xi32>,
    %get3A_831 = vector.shape_cast %get3A_830 : vector<16xi32> to vector<16xi32>
    %get3A_832 = arith.constant 496 : index
    %get3A_833 = tpu.vector_load %arg13[%get3A_832] {strides = array<i32>} : memref<1024xi32, #tpu.memory_space<vmem>>, vector<16xi32>,
    %get3A_834 = vector.shape_cast %get3A_833 : vector<16xi32> to vector<16xi32>
    %le3A_835 = arith.constant 0 : i32
    %le3A_836 = vector.broadcast %le3A_835 : i32 to vector<16xi32>
    %le3A_837 = arith.cmpi sle, %get3A_834, %le3A_836 : vector<16xi32>
    %ge3A_838 = vector.broadcast %mul3A_32 : i32 to vector<16xi32>
    %ge3A_839 = arith.cmpi sge, %get3A_831, %ge3A_838 : vector<16xi32>
    %and3A_840 = arith.andi %le3A_837, %ge3A_839 : vector<16xi1>
    %add3A_841 = arith.constant 8192 : i32
    %add3A_842 = arith.addi %mul3A_32, %add3A_841 : i32
    %lt3A_843 = vector.broadcast %add3A_842 : i32 to vector<16xi32>
    %lt3A_844 = arith.cmpi slt, %get3A_831, %lt3A_843 : vector<16xi32>
    %and3A_845 = arith.andi %and3A_840, %lt3A_844 : vector<16xi1>
    %sub3A_846 = vector.broadcast %mul3A_32 : i32 to vector<16xi32>
    %sub3A_847 = arith.subi %get3A_831, %sub3A_846 : vector<16xi32>
    %jit3A_848 = arith.constant 8192 : i32
    %broadcast_in_dim3A_849 = vector.broadcast %jit3A_848 : i32 to vector<16xi32>
    %select_n3A_850 = arith.select %and3A_845, %sub3A_847, %broadcast_in_dim3A_849 : vector<16xi1>, vector<16xi32>
    %swap3A_851 = arith.constant 496 : index
    %swap3A_852 = tpu.vector_load %arg14[%swap3A_851] {strides = array<i32>} : memref<1024xi32, #tpu.memory_space<vmem>>, vector<16xi32>,
    %swap3A_853 = vector.shape_cast %swap3A_852 : vector<16xi32> to vector<16xi32>
    %swap3A_854 = vector.shape_cast %select_n3A_850 : vector<16xi32> to vector<16xi32>
    tpu.vector_store %arg14[%swap3A_851], %swap3A_854 {strides = array<i32>} : memref<1024xi32, #tpu.memory_space<vmem>>, vector<16xi32>,
    %get3A_855 = arith.constant 512 : index
    %get3A_856 = tpu.vector_load %arg10[%get3A_855] {strides = array<i32>} : memref<1024xi32, #tpu.memory_space<vmem>>, vector<16xi32>,
    %get3A_857 = vector.shape_cast %get3A_856 : vector<16xi32> to vector<16xi32>
    %get3A_858 = arith.constant 512 : index
    %get3A_859 = tpu.vector_load %arg13[%get3A_858] {strides = array<i32>} : memref<1024xi32, #tpu.memory_space<vmem>>, vector<16xi32>,
    %get3A_860 = vector.shape_cast %get3A_859 : vector<16xi32> to vector<16xi32>
    %le3A_861 = arith.constant 0 : i32
    %le3A_862 = vector.broadcast %le3A_861 : i32 to vector<16xi32>
    %le3A_863 = arith.cmpi sle, %get3A_860, %le3A_862 : vector<16xi32>
    %ge3A_864 = vector.broadcast %mul3A_32 : i32 to vector<16xi32>
    %ge3A_865 = arith.cmpi sge, %get3A_857, %ge3A_864 : vector<16xi32>
    %and3A_866 = arith.andi %le3A_863, %ge3A_865 : vector<16xi1>
    %add3A_867 = arith.constant 8192 : i32
    %add3A_868 = arith.addi %mul3A_32, %add3A_867 : i32
    %lt3A_869 = vector.broadcast %add3A_868 : i32 to vector<16xi32>
    %lt3A_870 = arith.cmpi slt, %get3A_857, %lt3A_869 : vector<16xi32>
    %and3A_871 = arith.andi %and3A_866, %lt3A_870 : vector<16xi1>
    %sub3A_872 = vector.broadcast %mul3A_32 : i32 to vector<16xi32>
    %sub3A_873 = arith.subi %get3A_857, %sub3A_872 : vector<16xi32>
    %jit3A_874 = arith.constant 8192 : i32
    %broadcast_in_dim3A_875 = vector.broadcast %jit3A_874 : i32 to vector<16xi32>
    %select_n3A_876 = arith.select %and3A_871, %sub3A_873, %broadcast_in_dim3A_875 : vector<16xi1>, vector<16xi32>
    %swap3A_877 = arith.constant 512 : index
    %swap3A_878 = tpu.vector_load %arg14[%swap3A_877] {strides = array<i32>} : memref<1024xi32, #tpu.memory_space<vmem>>, vector<16xi32>,
    %swap3A_879 = vector.shape_cast %swap3A_878 : vector<16xi32> to vector<16xi32>
    %swap3A_880 = vector.shape_cast %select_n3A_876 : vector<16xi32> to vector<16xi32>
    tpu.vector_store %arg14[%swap3A_877], %swap3A_880 {strides = array<i32>} : memref<1024xi32, #tpu.memory_space<vmem>>, vector<16xi32>,
    %get3A_881 = arith.constant 528 : index
    %get3A_882 = tpu.vector_load %arg10[%get3A_881] {strides = array<i32>} : memref<1024xi32, #tpu.memory_space<vmem>>, vector<16xi32>,
    %get3A_883 = vector.shape_cast %get3A_882 : vector<16xi32> to vector<16xi32>
    %get3A_884 = arith.constant 528 : index
    %get3A_885 = tpu.vector_load %arg13[%get3A_884] {strides = array<i32>} : memref<1024xi32, #tpu.memory_space<vmem>>, vector<16xi32>,
    %get3A_886 = vector.shape_cast %get3A_885 : vector<16xi32> to vector<16xi32>
    %le3A_887 = arith.constant 0 : i32
    %le3A_888 = vector.broadcast %le3A_887 : i32 to vector<16xi32>
    %le3A_889 = arith.cmpi sle, %get3A_886, %le3A_888 : vector<16xi32>
    %ge3A_890 = vector.broadcast %mul3A_32 : i32 to vector<16xi32>
    %ge3A_891 = arith.cmpi sge, %get3A_883, %ge3A_890 : vector<16xi32>
    %and3A_892 = arith.andi %le3A_889, %ge3A_891 : vector<16xi1>
    %add3A_893 = arith.constant 8192 : i32
    %add3A_894 = arith.addi %mul3A_32, %add3A_893 : i32
    %lt3A_895 = vector.broadcast %add3A_894 : i32 to vector<16xi32>
    %lt3A_896 = arith.cmpi slt, %get3A_883, %lt3A_895 : vector<16xi32>
    %and3A_897 = arith.andi %and3A_892, %lt3A_896 : vector<16xi1>
    %sub3A_898 = vector.broadcast %mul3A_32 : i32 to vector<16xi32>
    %sub3A_899 = arith.subi %get3A_883, %sub3A_898 : vector<16xi32>
    %jit3A_900 = arith.constant 8192 : i32
    %broadcast_in_dim3A_901 = vector.broadcast %jit3A_900 : i32 to vector<16xi32>
    %select_n3A_902 = arith.select %and3A_897, %sub3A_899, %broadcast_in_dim3A_901 : vector<16xi1>, vector<16xi32>
    %swap3A_903 = arith.constant 528 : index
    %swap3A_904 = tpu.vector_load %arg14[%swap3A_903] {strides = array<i32>} : memref<1024xi32, #tpu.memory_space<vmem>>, vector<16xi32>,
    %swap3A_905 = vector.shape_cast %swap3A_904 : vector<16xi32> to vector<16xi32>
    %swap3A_906 = vector.shape_cast %select_n3A_902 : vector<16xi32> to vector<16xi32>
    tpu.vector_store %arg14[%swap3A_903], %swap3A_906 {strides = array<i32>} : memref<1024xi32, #tpu.memory_space<vmem>>, vector<16xi32>,
    %get3A_907 = arith.constant 544 : index
    %get3A_908 = tpu.vector_load %arg10[%get3A_907] {strides = array<i32>} : memref<1024xi32, #tpu.memory_space<vmem>>, vector<16xi32>,
    %get3A_909 = vector.shape_cast %get3A_908 : vector<16xi32> to vector<16xi32>
    %get3A_910 = arith.constant 544 : index
    %get3A_911 = tpu.vector_load %arg13[%get3A_910] {strides = array<i32>} : memref<1024xi32, #tpu.memory_space<vmem>>, vector<16xi32>,
    %get3A_912 = vector.shape_cast %get3A_911 : vector<16xi32> to vector<16xi32>
    %le3A_913 = arith.constant 0 : i32
    %le3A_914 = vector.broadcast %le3A_913 : i32 to vector<16xi32>
    %le3A_915 = arith.cmpi sle, %get3A_912, %le3A_914 : vector<16xi32>
    %ge3A_916 = vector.broadcast %mul3A_32 : i32 to vector<16xi32>
    %ge3A_917 = arith.cmpi sge, %get3A_909, %ge3A_916 : vector<16xi32>
    %and3A_918 = arith.andi %le3A_915, %ge3A_917 : vector<16xi1>
    %add3A_919 = arith.constant 8192 : i32
    %add3A_920 = arith.addi %mul3A_32, %add3A_919 : i32
    %lt3A_921 = vector.broadcast %add3A_920 : i32 to vector<16xi32>
    %lt3A_922 = arith.cmpi slt, %get3A_909, %lt3A_921 : vector<16xi32>
    %and3A_923 = arith.andi %and3A_918, %lt3A_922 : vector<16xi1>
    %sub3A_924 = vector.broadcast %mul3A_32 : i32 to vector<16xi32>
    %sub3A_925 = arith.subi %get3A_909, %sub3A_924 : vector<16xi32>
    %jit3A_926 = arith.constant 8192 : i32
    %broadcast_in_dim3A_927 = vector.broadcast %jit3A_926 : i32 to vector<16xi32>
    %select_n3A_928 = arith.select %and3A_923, %sub3A_925, %broadcast_in_dim3A_927 : vector<16xi1>, vector<16xi32>
    %swap3A_929 = arith.constant 544 : index
    %swap3A_930 = tpu.vector_load %arg14[%swap3A_929] {strides = array<i32>} : memref<1024xi32, #tpu.memory_space<vmem>>, vector<16xi32>,
    %swap3A_931 = vector.shape_cast %swap3A_930 : vector<16xi32> to vector<16xi32>
    %swap3A_932 = vector.shape_cast %select_n3A_928 : vector<16xi32> to vector<16xi32>
    tpu.vector_store %arg14[%swap3A_929], %swap3A_932 {strides = array<i32>} : memref<1024xi32, #tpu.memory_space<vmem>>, vector<16xi32>,
    %get3A_933 = arith.constant 560 : index
    %get3A_934 = tpu.vector_load %arg10[%get3A_933] {strides = array<i32>} : memref<1024xi32, #tpu.memory_space<vmem>>, vector<16xi32>,
    %get3A_935 = vector.shape_cast %get3A_934 : vector<16xi32> to vector<16xi32>
    %get3A_936 = arith.constant 560 : index
    %get3A_937 = tpu.vector_load %arg13[%get3A_936] {strides = array<i32>} : memref<1024xi32, #tpu.memory_space<vmem>>, vector<16xi32>,
    %get3A_938 = vector.shape_cast %get3A_937 : vector<16xi32> to vector<16xi32>
    %le3A_939 = arith.constant 0 : i32
    %le3A_940 = vector.broadcast %le3A_939 : i32 to vector<16xi32>
    %le3A_941 = arith.cmpi sle, %get3A_938, %le3A_940 : vector<16xi32>
    %ge3A_942 = vector.broadcast %mul3A_32 : i32 to vector<16xi32>
    %ge3A_943 = arith.cmpi sge, %get3A_935, %ge3A_942 : vector<16xi32>
    %and3A_944 = arith.andi %le3A_941, %ge3A_943 : vector<16xi1>
    %add3A_945 = arith.constant 8192 : i32
    %add3A_946 = arith.addi %mul3A_32, %add3A_945 : i32
    %lt3A_947 = vector.broadcast %add3A_946 : i32 to vector<16xi32>
    %lt3A_948 = arith.cmpi slt, %get3A_935, %lt3A_947 : vector<16xi32>
    %and3A_949 = arith.andi %and3A_944, %lt3A_948 : vector<16xi1>
    %sub3A_950 = vector.broadcast %mul3A_32 : i32 to vector<16xi32>
    %sub3A_951 = arith.subi %get3A_935, %sub3A_950 : vector<16xi32>
    %jit3A_952 = arith.constant 8192 : i32
    %broadcast_in_dim3A_953 = vector.broadcast %jit3A_952 : i32 to vector<16xi32>
    %select_n3A_954 = arith.select %and3A_949, %sub3A_951, %broadcast_in_dim3A_953 : vector<16xi1>, vector<16xi32>
    %swap3A_955 = arith.constant 560 : index
    %swap3A_956 = tpu.vector_load %arg14[%swap3A_955] {strides = array<i32>} : memref<1024xi32, #tpu.memory_space<vmem>>, vector<16xi32>,
    %swap3A_957 = vector.shape_cast %swap3A_956 : vector<16xi32> to vector<16xi32>
    %swap3A_958 = vector.shape_cast %select_n3A_954 : vector<16xi32> to vector<16xi32>
    tpu.vector_store %arg14[%swap3A_955], %swap3A_958 {strides = array<i32>} : memref<1024xi32, #tpu.memory_space<vmem>>, vector<16xi32>,
    %get3A_959 = arith.constant 576 : index
    %get3A_960 = tpu.vector_load %arg10[%get3A_959] {strides = array<i32>} : memref<1024xi32, #tpu.memory_space<vmem>>, vector<16xi32>,
    %get3A_961 = vector.shape_cast %get3A_960 : vector<16xi32> to vector<16xi32>
    %get3A_962 = arith.constant 576 : index
    %get3A_963 = tpu.vector_load %arg13[%get3A_962] {strides = array<i32>} : memref<1024xi32, #tpu.memory_space<vmem>>, vector<16xi32>,
    %get3A_964 = vector.shape_cast %get3A_963 : vector<16xi32> to vector<16xi32>
    %le3A_965 = arith.constant 0 : i32
    %le3A_966 = vector.broadcast %le3A_965 : i32 to vector<16xi32>
    %le3A_967 = arith.cmpi sle, %get3A_964, %le3A_966 : vector<16xi32>
    %ge3A_968 = vector.broadcast %mul3A_32 : i32 to vector<16xi32>
    %ge3A_969 = arith.cmpi sge, %get3A_961, %ge3A_968 : vector<16xi32>
    %and3A_970 = arith.andi %le3A_967, %ge3A_969 : vector<16xi1>
    %add3A_971 = arith.constant 8192 : i32
    %add3A_972 = arith.addi %mul3A_32, %add3A_971 : i32
    %lt3A_973 = vector.broadcast %add3A_972 : i32 to vector<16xi32>
    %lt3A_974 = arith.cmpi slt, %get3A_961, %lt3A_973 : vector<16xi32>
    %and3A_975 = arith.andi %and3A_970, %lt3A_974 : vector<16xi1>
    %sub3A_976 = vector.broadcast %mul3A_32 : i32 to vector<16xi32>
    %sub3A_977 = arith.subi %get3A_961, %sub3A_976 : vector<16xi32>
    %jit3A_978 = arith.constant 8192 : i32
    %broadcast_in_dim3A_979 = vector.broadcast %jit3A_978 : i32 to vector<16xi32>
    %select_n3A_980 = arith.select %and3A_975, %sub3A_977, %broadcast_in_dim3A_979 : vector<16xi1>, vector<16xi32>
    %swap3A_981 = arith.constant 576 : index
    %swap3A_982 = tpu.vector_load %arg14[%swap3A_981] {strides = array<i32>} : memref<1024xi32, #tpu.memory_space<vmem>>, vector<16xi32>,
    %swap3A_983 = vector.shape_cast %swap3A_982 : vector<16xi32> to vector<16xi32>
    %swap3A_984 = vector.shape_cast %select_n3A_980 : vector<16xi32> to vector<16xi32>
    tpu.vector_store %arg14[%swap3A_981], %swap3A_984 {strides = array<i32>} : memref<1024xi32, #tpu.memory_space<vmem>>, vector<16xi32>,
    %get3A_985 = arith.constant 592 : index
    %get3A_986 = tpu.vector_load %arg10[%get3A_985] {strides = array<i32>} : memref<1024xi32, #tpu.memory_space<vmem>>, vector<16xi32>,
    %get3A_987 = vector.shape_cast %get3A_986 : vector<16xi32> to vector<16xi32>
    %get3A_988 = arith.constant 592 : index
    %get3A_989 = tpu.vector_load %arg13[%get3A_988] {strides = array<i32>} : memref<1024xi32, #tpu.memory_space<vmem>>, vector<16xi32>,
    %get3A_990 = vector.shape_cast %get3A_989 : vector<16xi32> to vector<16xi32>
    %le3A_991 = arith.constant 0 : i32
    %le3A_992 = vector.broadcast %le3A_991 : i32 to vector<16xi32>
    %le3A_993 = arith.cmpi sle, %get3A_990, %le3A_992 : vector<16xi32>
    %ge3A_994 = vector.broadcast %mul3A_32 : i32 to vector<16xi32>
    %ge3A_995 = arith.cmpi sge, %get3A_987, %ge3A_994 : vector<16xi32>
    %and3A_996 = arith.andi %le3A_993, %ge3A_995 : vector<16xi1>
    %add3A_997 = arith.constant 8192 : i32
    %add3A_998 = arith.addi %mul3A_32, %add3A_997 : i32
    %lt3A_999 = vector.broadcast %add3A_998 : i32 to vector<16xi32>
    %lt3A_1000 = arith.cmpi slt, %get3A_987, %lt3A_999 : vector<16xi32>
    %and3A_1001 = arith.andi %and3A_996, %lt3A_1000 : vector<16xi1>
    %sub3A_1002 = vector.broadcast %mul3A_32 : i32 to vector<16xi32>
    %sub3A_1003 = arith.subi %get3A_987, %sub3A_1002 : vector<16xi32>
    %jit3A_1004 = arith.constant 8192 : i32
    %broadcast_in_dim3A_1005 = vector.broadcast %jit3A_1004 : i32 to vector<16xi32>
    %select_n3A_1006 = arith.select %and3A_1001, %sub3A_1003, %broadcast_in_dim3A_1005 : vector<16xi1>, vector<16xi32>
    %swap3A_1007 = arith.constant 592 : index
    %swap3A_1008 = tpu.vector_load %arg14[%swap3A_1007] {strides = array<i32>} : memref<1024xi32, #tpu.memory_space<vmem>>, vector<16xi32>,
    %swap3A_1009 = vector.shape_cast %swap3A_1008 : vector<16xi32> to vector<16xi32>
    %swap3A_1010 = vector.shape_cast %select_n3A_1006 : vector<16xi32> to vector<16xi32>
    tpu.vector_store %arg14[%swap3A_1007], %swap3A_1010 {strides = array<i32>} : memref<1024xi32, #tpu.memory_space<vmem>>, vector<16xi32>,
    %get3A_1011 = arith.constant 608 : index
    %get3A_1012 = tpu.vector_load %arg10[%get3A_1011] {strides = array<i32>} : memref<1024xi32, #tpu.memory_space<vmem>>, vector<16xi32>,
    %get3A_1013 = vector.shape_cast %get3A_1012 : vector<16xi32> to vector<16xi32>
    %get3A_1014 = arith.constant 608 : index
    %get3A_1015 = tpu.vector_load %arg13[%get3A_1014] {strides = array<i32>} : memref<1024xi32, #tpu.memory_space<vmem>>, vector<16xi32>,
    %get3A_1016 = vector.shape_cast %get3A_1015 : vector<16xi32> to vector<16xi32>
    %le3A_1017 = arith.constant 0 : i32
    %le3A_1018 = vector.broadcast %le3A_1017 : i32 to vector<16xi32>
    %le3A_1019 = arith.cmpi sle, %get3A_1016, %le3A_1018 : vector<16xi32>
    %ge3A_1020 = vector.broadcast %mul3A_32 : i32 to vector<16xi32>
    %ge3A_1021 = arith.cmpi sge, %get3A_1013, %ge3A_1020 : vector<16xi32>
    %and3A_1022 = arith.andi %le3A_1019, %ge3A_1021 : vector<16xi1>
    %add3A_1023 = arith.constant 8192 : i32
    %add3A_1024 = arith.addi %mul3A_32, %add3A_1023 : i32
    %lt3A_1025 = vector.broadcast %add3A_1024 : i32 to vector<16xi32>
    %lt3A_1026 = arith.cmpi slt, %get3A_1013, %lt3A_1025 : vector<16xi32>
    %and3A_1027 = arith.andi %and3A_1022, %lt3A_1026 : vector<16xi1>
    %sub3A_1028 = vector.broadcast %mul3A_32 : i32 to vector<16xi32>
    %sub3A_1029 = arith.subi %get3A_1013, %sub3A_1028 : vector<16xi32>
    %jit3A_1030 = arith.constant 8192 : i32
    %broadcast_in_dim3A_1031 = vector.broadcast %jit3A_1030 : i32 to vector<16xi32>
    %select_n3A_1032 = arith.select %and3A_1027, %sub3A_1029, %broadcast_in_dim3A_1031 : vector<16xi1>, vector<16xi32>
    %swap3A_1033 = arith.constant 608 : index
    %swap3A_1034 = tpu.vector_load %arg14[%swap3A_1033] {strides = array<i32>} : memref<1024xi32, #tpu.memory_space<vmem>>, vector<16xi32>,
    %swap3A_1035 = vector.shape_cast %swap3A_1034 : vector<16xi32> to vector<16xi32>
    %swap3A_1036 = vector.shape_cast %select_n3A_1032 : vector<16xi32> to vector<16xi32>
    tpu.vector_store %arg14[%swap3A_1033], %swap3A_1036 {strides = array<i32>} : memref<1024xi32, #tpu.memory_space<vmem>>, vector<16xi32>,
    %get3A_1037 = arith.constant 624 : index
    %get3A_1038 = tpu.vector_load %arg10[%get3A_1037] {strides = array<i32>} : memref<1024xi32, #tpu.memory_space<vmem>>, vector<16xi32>,
    %get3A_1039 = vector.shape_cast %get3A_1038 : vector<16xi32> to vector<16xi32>
    %get3A_1040 = arith.constant 624 : index
    %get3A_1041 = tpu.vector_load %arg13[%get3A_1040] {strides = array<i32>} : memref<1024xi32, #tpu.memory_space<vmem>>, vector<16xi32>,
    %get3A_1042 = vector.shape_cast %get3A_1041 : vector<16xi32> to vector<16xi32>
    %le3A_1043 = arith.constant 0 : i32
    %le3A_1044 = vector.broadcast %le3A_1043 : i32 to vector<16xi32>
    %le3A_1045 = arith.cmpi sle, %get3A_1042, %le3A_1044 : vector<16xi32>
    %ge3A_1046 = vector.broadcast %mul3A_32 : i32 to vector<16xi32>
    %ge3A_1047 = arith.cmpi sge, %get3A_1039, %ge3A_1046 : vector<16xi32>
    %and3A_1048 = arith.andi %le3A_1045, %ge3A_1047 : vector<16xi1>
    %add3A_1049 = arith.constant 8192 : i32
    %add3A_1050 = arith.addi %mul3A_32, %add3A_1049 : i32
    %lt3A_1051 = vector.broadcast %add3A_1050 : i32 to vector<16xi32>
    %lt3A_1052 = arith.cmpi slt, %get3A_1039, %lt3A_1051 : vector<16xi32>
    %and3A_1053 = arith.andi %and3A_1048, %lt3A_1052 : vector<16xi1>
    %sub3A_1054 = vector.broadcast %mul3A_32 : i32 to vector<16xi32>
    %sub3A_1055 = arith.subi %get3A_1039, %sub3A_1054 : vector<16xi32>
    %jit3A_1056 = arith.constant 8192 : i32
    %broadcast_in_dim3A_1057 = vector.broadcast %jit3A_1056 : i32 to vector<16xi32>
    %select_n3A_1058 = arith.select %and3A_1053, %sub3A_1055, %broadcast_in_dim3A_1057 : vector<16xi1>, vector<16xi32>
    %swap3A_1059 = arith.constant 624 : index
    %swap3A_1060 = tpu.vector_load %arg14[%swap3A_1059] {strides = array<i32>} : memref<1024xi32, #tpu.memory_space<vmem>>, vector<16xi32>,
    %swap3A_1061 = vector.shape_cast %swap3A_1060 : vector<16xi32> to vector<16xi32>
    %swap3A_1062 = vector.shape_cast %select_n3A_1058 : vector<16xi32> to vector<16xi32>
    tpu.vector_store %arg14[%swap3A_1059], %swap3A_1062 {strides = array<i32>} : memref<1024xi32, #tpu.memory_space<vmem>>, vector<16xi32>,
    %get3A_1063 = arith.constant 640 : index
    %get3A_1064 = tpu.vector_load %arg10[%get3A_1063] {strides = array<i32>} : memref<1024xi32, #tpu.memory_space<vmem>>, vector<16xi32>,
    %get3A_1065 = vector.shape_cast %get3A_1064 : vector<16xi32> to vector<16xi32>
    %get3A_1066 = arith.constant 640 : index
    %get3A_1067 = tpu.vector_load %arg13[%get3A_1066] {strides = array<i32>} : memref<1024xi32, #tpu.memory_space<vmem>>, vector<16xi32>,
    %get3A_1068 = vector.shape_cast %get3A_1067 : vector<16xi32> to vector<16xi32>
    %le3A_1069 = arith.constant 0 : i32
    %le3A_1070 = vector.broadcast %le3A_1069 : i32 to vector<16xi32>
    %le3A_1071 = arith.cmpi sle, %get3A_1068, %le3A_1070 : vector<16xi32>
    %ge3A_1072 = vector.broadcast %mul3A_32 : i32 to vector<16xi32>
    %ge3A_1073 = arith.cmpi sge, %get3A_1065, %ge3A_1072 : vector<16xi32>
    %and3A_1074 = arith.andi %le3A_1071, %ge3A_1073 : vector<16xi1>
    %add3A_1075 = arith.constant 8192 : i32
    %add3A_1076 = arith.addi %mul3A_32, %add3A_1075 : i32
    %lt3A_1077 = vector.broadcast %add3A_1076 : i32 to vector<16xi32>
    %lt3A_1078 = arith.cmpi slt, %get3A_1065, %lt3A_1077 : vector<16xi32>
    %and3A_1079 = arith.andi %and3A_1074, %lt3A_1078 : vector<16xi1>
    %sub3A_1080 = vector.broadcast %mul3A_32 : i32 to vector<16xi32>
    %sub3A_1081 = arith.subi %get3A_1065, %sub3A_1080 : vector<16xi32>
    %jit3A_1082 = arith.constant 8192 : i32
    %broadcast_in_dim3A_1083 = vector.broadcast %jit3A_1082 : i32 to vector<16xi32>
    %select_n3A_1084 = arith.select %and3A_1079, %sub3A_1081, %broadcast_in_dim3A_1083 : vector<16xi1>, vector<16xi32>
    %swap3A_1085 = arith.constant 640 : index
    %swap3A_1086 = tpu.vector_load %arg14[%swap3A_1085] {strides = array<i32>} : memref<1024xi32, #tpu.memory_space<vmem>>, vector<16xi32>,
    %swap3A_1087 = vector.shape_cast %swap3A_1086 : vector<16xi32> to vector<16xi32>
    %swap3A_1088 = vector.shape_cast %select_n3A_1084 : vector<16xi32> to vector<16xi32>
    tpu.vector_store %arg14[%swap3A_1085], %swap3A_1088 {strides = array<i32>} : memref<1024xi32, #tpu.memory_space<vmem>>, vector<16xi32>,
    %get3A_1089 = arith.constant 656 : index
    %get3A_1090 = tpu.vector_load %arg10[%get3A_1089] {strides = array<i32>} : memref<1024xi32, #tpu.memory_space<vmem>>, vector<16xi32>,
    %get3A_1091 = vector.shape_cast %get3A_1090 : vector<16xi32> to vector<16xi32>
    %get3A_1092 = arith.constant 656 : index
    %get3A_1093 = tpu.vector_load %arg13[%get3A_1092] {strides = array<i32>} : memref<1024xi32, #tpu.memory_space<vmem>>, vector<16xi32>,
    %get3A_1094 = vector.shape_cast %get3A_1093 : vector<16xi32> to vector<16xi32>
    %le3A_1095 = arith.constant 0 : i32
    %le3A_1096 = vector.broadcast %le3A_1095 : i32 to vector<16xi32>
    %le3A_1097 = arith.cmpi sle, %get3A_1094, %le3A_1096 : vector<16xi32>
    %ge3A_1098 = vector.broadcast %mul3A_32 : i32 to vector<16xi32>
    %ge3A_1099 = arith.cmpi sge, %get3A_1091, %ge3A_1098 : vector<16xi32>
    %and3A_1100 = arith.andi %le3A_1097, %ge3A_1099 : vector<16xi1>
    %add3A_1101 = arith.constant 8192 : i32
    %add3A_1102 = arith.addi %mul3A_32, %add3A_1101 : i32
    %lt3A_1103 = vector.broadcast %add3A_1102 : i32 to vector<16xi32>
    %lt3A_1104 = arith.cmpi slt, %get3A_1091, %lt3A_1103 : vector<16xi32>
    %and3A_1105 = arith.andi %and3A_1100, %lt3A_1104 : vector<16xi1>
    %sub3A_1106 = vector.broadcast %mul3A_32 : i32 to vector<16xi32>
    %sub3A_1107 = arith.subi %get3A_1091, %sub3A_1106 : vector<16xi32>
    %jit3A_1108 = arith.constant 8192 : i32
    %broadcast_in_dim3A_1109 = vector.broadcast %jit3A_1108 : i32 to vector<16xi32>
    %select_n3A_1110 = arith.select %and3A_1105, %sub3A_1107, %broadcast_in_dim3A_1109 : vector<16xi1>, vector<16xi32>
    %swap3A_1111 = arith.constant 656 : index
    %swap3A_1112 = tpu.vector_load %arg14[%swap3A_1111] {strides = array<i32>} : memref<1024xi32, #tpu.memory_space<vmem>>, vector<16xi32>,
    %swap3A_1113 = vector.shape_cast %swap3A_1112 : vector<16xi32> to vector<16xi32>
    %swap3A_1114 = vector.shape_cast %select_n3A_1110 : vector<16xi32> to vector<16xi32>
    tpu.vector_store %arg14[%swap3A_1111], %swap3A_1114 {strides = array<i32>} : memref<1024xi32, #tpu.memory_space<vmem>>, vector<16xi32>,
    %get3A_1115 = arith.constant 672 : index
    %get3A_1116 = tpu.vector_load %arg10[%get3A_1115] {strides = array<i32>} : memref<1024xi32, #tpu.memory_space<vmem>>, vector<16xi32>,
    %get3A_1117 = vector.shape_cast %get3A_1116 : vector<16xi32> to vector<16xi32>
    %get3A_1118 = arith.constant 672 : index
    %get3A_1119 = tpu.vector_load %arg13[%get3A_1118] {strides = array<i32>} : memref<1024xi32, #tpu.memory_space<vmem>>, vector<16xi32>,
    %get3A_1120 = vector.shape_cast %get3A_1119 : vector<16xi32> to vector<16xi32>
    %le3A_1121 = arith.constant 0 : i32
    %le3A_1122 = vector.broadcast %le3A_1121 : i32 to vector<16xi32>
    %le3A_1123 = arith.cmpi sle, %get3A_1120, %le3A_1122 : vector<16xi32>
    %ge3A_1124 = vector.broadcast %mul3A_32 : i32 to vector<16xi32>
    %ge3A_1125 = arith.cmpi sge, %get3A_1117, %ge3A_1124 : vector<16xi32>
    %and3A_1126 = arith.andi %le3A_1123, %ge3A_1125 : vector<16xi1>
    %add3A_1127 = arith.constant 8192 : i32
    %add3A_1128 = arith.addi %mul3A_32, %add3A_1127 : i32
    %lt3A_1129 = vector.broadcast %add3A_1128 : i32 to vector<16xi32>
    %lt3A_1130 = arith.cmpi slt, %get3A_1117, %lt3A_1129 : vector<16xi32>
    %and3A_1131 = arith.andi %and3A_1126, %lt3A_1130 : vector<16xi1>
    %sub3A_1132 = vector.broadcast %mul3A_32 : i32 to vector<16xi32>
    %sub3A_1133 = arith.subi %get3A_1117, %sub3A_1132 : vector<16xi32>
    %jit3A_1134 = arith.constant 8192 : i32
    %broadcast_in_dim3A_1135 = vector.broadcast %jit3A_1134 : i32 to vector<16xi32>
    %select_n3A_1136 = arith.select %and3A_1131, %sub3A_1133, %broadcast_in_dim3A_1135 : vector<16xi1>, vector<16xi32>
    %swap3A_1137 = arith.constant 672 : index
    %swap3A_1138 = tpu.vector_load %arg14[%swap3A_1137] {strides = array<i32>} : memref<1024xi32, #tpu.memory_space<vmem>>, vector<16xi32>,
    %swap3A_1139 = vector.shape_cast %swap3A_1138 : vector<16xi32> to vector<16xi32>
    %swap3A_1140 = vector.shape_cast %select_n3A_1136 : vector<16xi32> to vector<16xi32>
    tpu.vector_store %arg14[%swap3A_1137], %swap3A_1140 {strides = array<i32>} : memref<1024xi32, #tpu.memory_space<vmem>>, vector<16xi32>,
    %get3A_1141 = arith.constant 688 : index
    %get3A_1142 = tpu.vector_load %arg10[%get3A_1141] {strides = array<i32>} : memref<1024xi32, #tpu.memory_space<vmem>>, vector<16xi32>,
    %get3A_1143 = vector.shape_cast %get3A_1142 : vector<16xi32> to vector<16xi32>
    %get3A_1144 = arith.constant 688 : index
    %get3A_1145 = tpu.vector_load %arg13[%get3A_1144] {strides = array<i32>} : memref<1024xi32, #tpu.memory_space<vmem>>, vector<16xi32>,
    %get3A_1146 = vector.shape_cast %get3A_1145 : vector<16xi32> to vector<16xi32>
    %le3A_1147 = arith.constant 0 : i32
    %le3A_1148 = vector.broadcast %le3A_1147 : i32 to vector<16xi32>
    %le3A_1149 = arith.cmpi sle, %get3A_1146, %le3A_1148 : vector<16xi32>
    %ge3A_1150 = vector.broadcast %mul3A_32 : i32 to vector<16xi32>
    %ge3A_1151 = arith.cmpi sge, %get3A_1143, %ge3A_1150 : vector<16xi32>
    %and3A_1152 = arith.andi %le3A_1149, %ge3A_1151 : vector<16xi1>
    %add3A_1153 = arith.constant 8192 : i32
    %add3A_1154 = arith.addi %mul3A_32, %add3A_1153 : i32
    %lt3A_1155 = vector.broadcast %add3A_1154 : i32 to vector<16xi32>
    %lt3A_1156 = arith.cmpi slt, %get3A_1143, %lt3A_1155 : vector<16xi32>
    %and3A_1157 = arith.andi %and3A_1152, %lt3A_1156 : vector<16xi1>
    %sub3A_1158 = vector.broadcast %mul3A_32 : i32 to vector<16xi32>
    %sub3A_1159 = arith.subi %get3A_1143, %sub3A_1158 : vector<16xi32>
    %jit3A_1160 = arith.constant 8192 : i32
    %broadcast_in_dim3A_1161 = vector.broadcast %jit3A_1160 : i32 to vector<16xi32>
    %select_n3A_1162 = arith.select %and3A_1157, %sub3A_1159, %broadcast_in_dim3A_1161 : vector<16xi1>, vector<16xi32>
    %swap3A_1163 = arith.constant 688 : index
    %swap3A_1164 = tpu.vector_load %arg14[%swap3A_1163] {strides = array<i32>} : memref<1024xi32, #tpu.memory_space<vmem>>, vector<16xi32>,
    %swap3A_1165 = vector.shape_cast %swap3A_1164 : vector<16xi32> to vector<16xi32>
    %swap3A_1166 = vector.shape_cast %select_n3A_1162 : vector<16xi32> to vector<16xi32>
    tpu.vector_store %arg14[%swap3A_1163], %swap3A_1166 {strides = array<i32>} : memref<1024xi32, #tpu.memory_space<vmem>>, vector<16xi32>,
    %get3A_1167 = arith.constant 704 : index
    %get3A_1168 = tpu.vector_load %arg10[%get3A_1167] {strides = array<i32>} : memref<1024xi32, #tpu.memory_space<vmem>>, vector<16xi32>,
    %get3A_1169 = vector.shape_cast %get3A_1168 : vector<16xi32> to vector<16xi32>
    %get3A_1170 = arith.constant 704 : index
    %get3A_1171 = tpu.vector_load %arg13[%get3A_1170] {strides = array<i32>} : memref<1024xi32, #tpu.memory_space<vmem>>, vector<16xi32>,
    %get3A_1172 = vector.shape_cast %get3A_1171 : vector<16xi32> to vector<16xi32>
    %le3A_1173 = arith.constant 0 : i32
    %le3A_1174 = vector.broadcast %le3A_1173 : i32 to vector<16xi32>
    %le3A_1175 = arith.cmpi sle, %get3A_1172, %le3A_1174 : vector<16xi32>
    %ge3A_1176 = vector.broadcast %mul3A_32 : i32 to vector<16xi32>
    %ge3A_1177 = arith.cmpi sge, %get3A_1169, %ge3A_1176 : vector<16xi32>
    %and3A_1178 = arith.andi %le3A_1175, %ge3A_1177 : vector<16xi1>
    %add3A_1179 = arith.constant 8192 : i32
    %add3A_1180 = arith.addi %mul3A_32, %add3A_1179 : i32
    %lt3A_1181 = vector.broadcast %add3A_1180 : i32 to vector<16xi32>
    %lt3A_1182 = arith.cmpi slt, %get3A_1169, %lt3A_1181 : vector<16xi32>
    %and3A_1183 = arith.andi %and3A_1178, %lt3A_1182 : vector<16xi1>
    %sub3A_1184 = vector.broadcast %mul3A_32 : i32 to vector<16xi32>
    %sub3A_1185 = arith.subi %get3A_1169, %sub3A_1184 : vector<16xi32>
    %jit3A_1186 = arith.constant 8192 : i32
    %broadcast_in_dim3A_1187 = vector.broadcast %jit3A_1186 : i32 to vector<16xi32>
    %select_n3A_1188 = arith.select %and3A_1183, %sub3A_1185, %broadcast_in_dim3A_1187 : vector<16xi1>, vector<16xi32>
    %swap3A_1189 = arith.constant 704 : index
    %swap3A_1190 = tpu.vector_load %arg14[%swap3A_1189] {strides = array<i32>} : memref<1024xi32, #tpu.memory_space<vmem>>, vector<16xi32>,
    %swap3A_1191 = vector.shape_cast %swap3A_1190 : vector<16xi32> to vector<16xi32>
    %swap3A_1192 = vector.shape_cast %select_n3A_1188 : vector<16xi32> to vector<16xi32>
    tpu.vector_store %arg14[%swap3A_1189], %swap3A_1192 {strides = array<i32>} : memref<1024xi32, #tpu.memory_space<vmem>>, vector<16xi32>,
    %get3A_1193 = arith.constant 720 : index
    %get3A_1194 = tpu.vector_load %arg10[%get3A_1193] {strides = array<i32>} : memref<1024xi32, #tpu.memory_space<vmem>>, vector<16xi32>,
    %get3A_1195 = vector.shape_cast %get3A_1194 : vector<16xi32> to vector<16xi32>
    %get3A_1196 = arith.constant 720 : index
    %get3A_1197 = tpu.vector_load %arg13[%get3A_1196] {strides = array<i32>} : memref<1024xi32, #tpu.memory_space<vmem>>, vector<16xi32>,
    %get3A_1198 = vector.shape_cast %get3A_1197 : vector<16xi32> to vector<16xi32>
    %le3A_1199 = arith.constant 0 : i32
    %le3A_1200 = vector.broadcast %le3A_1199 : i32 to vector<16xi32>
    %le3A_1201 = arith.cmpi sle, %get3A_1198, %le3A_1200 : vector<16xi32>
    %ge3A_1202 = vector.broadcast %mul3A_32 : i32 to vector<16xi32>
    %ge3A_1203 = arith.cmpi sge, %get3A_1195, %ge3A_1202 : vector<16xi32>
    %and3A_1204 = arith.andi %le3A_1201, %ge3A_1203 : vector<16xi1>
    %add3A_1205 = arith.constant 8192 : i32
    %add3A_1206 = arith.addi %mul3A_32, %add3A_1205 : i32
    %lt3A_1207 = vector.broadcast %add3A_1206 : i32 to vector<16xi32>
    %lt3A_1208 = arith.cmpi slt, %get3A_1195, %lt3A_1207 : vector<16xi32>
    %and3A_1209 = arith.andi %and3A_1204, %lt3A_1208 : vector<16xi1>
    %sub3A_1210 = vector.broadcast %mul3A_32 : i32 to vector<16xi32>
    %sub3A_1211 = arith.subi %get3A_1195, %sub3A_1210 : vector<16xi32>
    %jit3A_1212 = arith.constant 8192 : i32
    %broadcast_in_dim3A_1213 = vector.broadcast %jit3A_1212 : i32 to vector<16xi32>
    %select_n3A_1214 = arith.select %and3A_1209, %sub3A_1211, %broadcast_in_dim3A_1213 : vector<16xi1>, vector<16xi32>
    %swap3A_1215 = arith.constant 720 : index
    %swap3A_1216 = tpu.vector_load %arg14[%swap3A_1215] {strides = array<i32>} : memref<1024xi32, #tpu.memory_space<vmem>>, vector<16xi32>,
    %swap3A_1217 = vector.shape_cast %swap3A_1216 : vector<16xi32> to vector<16xi32>
    %swap3A_1218 = vector.shape_cast %select_n3A_1214 : vector<16xi32> to vector<16xi32>
    tpu.vector_store %arg14[%swap3A_1215], %swap3A_1218 {strides = array<i32>} : memref<1024xi32, #tpu.memory_space<vmem>>, vector<16xi32>,
    %get3A_1219 = arith.constant 736 : index
    %get3A_1220 = tpu.vector_load %arg10[%get3A_1219] {strides = array<i32>} : memref<1024xi32, #tpu.memory_space<vmem>>, vector<16xi32>,
    %get3A_1221 = vector.shape_cast %get3A_1220 : vector<16xi32> to vector<16xi32>
    %get3A_1222 = arith.constant 736 : index
    %get3A_1223 = tpu.vector_load %arg13[%get3A_1222] {strides = array<i32>} : memref<1024xi32, #tpu.memory_space<vmem>>, vector<16xi32>,
    %get3A_1224 = vector.shape_cast %get3A_1223 : vector<16xi32> to vector<16xi32>
    %le3A_1225 = arith.constant 0 : i32
    %le3A_1226 = vector.broadcast %le3A_1225 : i32 to vector<16xi32>
    %le3A_1227 = arith.cmpi sle, %get3A_1224, %le3A_1226 : vector<16xi32>
    %ge3A_1228 = vector.broadcast %mul3A_32 : i32 to vector<16xi32>
    %ge3A_1229 = arith.cmpi sge, %get3A_1221, %ge3A_1228 : vector<16xi32>
    %and3A_1230 = arith.andi %le3A_1227, %ge3A_1229 : vector<16xi1>
    %add3A_1231 = arith.constant 8192 : i32
    %add3A_1232 = arith.addi %mul3A_32, %add3A_1231 : i32
    %lt3A_1233 = vector.broadcast %add3A_1232 : i32 to vector<16xi32>
    %lt3A_1234 = arith.cmpi slt, %get3A_1221, %lt3A_1233 : vector<16xi32>
    %and3A_1235 = arith.andi %and3A_1230, %lt3A_1234 : vector<16xi1>
    %sub3A_1236 = vector.broadcast %mul3A_32 : i32 to vector<16xi32>
    %sub3A_1237 = arith.subi %get3A_1221, %sub3A_1236 : vector<16xi32>
    %jit3A_1238 = arith.constant 8192 : i32
    %broadcast_in_dim3A_1239 = vector.broadcast %jit3A_1238 : i32 to vector<16xi32>
    %select_n3A_1240 = arith.select %and3A_1235, %sub3A_1237, %broadcast_in_dim3A_1239 : vector<16xi1>, vector<16xi32>
    %swap3A_1241 = arith.constant 736 : index
    %swap3A_1242 = tpu.vector_load %arg14[%swap3A_1241] {strides = array<i32>} : memref<1024xi32, #tpu.memory_space<vmem>>, vector<16xi32>,
    %swap3A_1243 = vector.shape_cast %swap3A_1242 : vector<16xi32> to vector<16xi32>
    %swap3A_1244 = vector.shape_cast %select_n3A_1240 : vector<16xi32> to vector<16xi32>
    tpu.vector_store %arg14[%swap3A_1241], %swap3A_1244 {strides = array<i32>} : memref<1024xi32, #tpu.memory_space<vmem>>, vector<16xi32>,
    %get3A_1245 = arith.constant 752 : index
    %get3A_1246 = tpu.vector_load %arg10[%get3A_1245] {strides = array<i32>} : memref<1024xi32, #tpu.memory_space<vmem>>, vector<16xi32>,
    %get3A_1247 = vector.shape_cast %get3A_1246 : vector<16xi32> to vector<16xi32>
    %get3A_1248 = arith.constant 752 : index
    %get3A_1249 = tpu.vector_load %arg13[%get3A_1248] {strides = array<i32>} : memref<1024xi32, #tpu.memory_space<vmem>>, vector<16xi32>,
    %get3A_1250 = vector.shape_cast %get3A_1249 : vector<16xi32> to vector<16xi32>
    %le3A_1251 = arith.constant 0 : i32
    %le3A_1252 = vector.broadcast %le3A_1251 : i32 to vector<16xi32>
    %le3A_1253 = arith.cmpi sle, %get3A_1250, %le3A_1252 : vector<16xi32>
    %ge3A_1254 = vector.broadcast %mul3A_32 : i32 to vector<16xi32>
    %ge3A_1255 = arith.cmpi sge, %get3A_1247, %ge3A_1254 : vector<16xi32>
    %and3A_1256 = arith.andi %le3A_1253, %ge3A_1255 : vector<16xi1>
    %add3A_1257 = arith.constant 8192 : i32
    %add3A_1258 = arith.addi %mul3A_32, %add3A_1257 : i32
    %lt3A_1259 = vector.broadcast %add3A_1258 : i32 to vector<16xi32>
    %lt3A_1260 = arith.cmpi slt, %get3A_1247, %lt3A_1259 : vector<16xi32>
    %and3A_1261 = arith.andi %and3A_1256, %lt3A_1260 : vector<16xi1>
    %sub3A_1262 = vector.broadcast %mul3A_32 : i32 to vector<16xi32>
    %sub3A_1263 = arith.subi %get3A_1247, %sub3A_1262 : vector<16xi32>
    %jit3A_1264 = arith.constant 8192 : i32
    %broadcast_in_dim3A_1265 = vector.broadcast %jit3A_1264 : i32 to vector<16xi32>
    %select_n3A_1266 = arith.select %and3A_1261, %sub3A_1263, %broadcast_in_dim3A_1265 : vector<16xi1>, vector<16xi32>
    %swap3A_1267 = arith.constant 752 : index
    %swap3A_1268 = tpu.vector_load %arg14[%swap3A_1267] {strides = array<i32>} : memref<1024xi32, #tpu.memory_space<vmem>>, vector<16xi32>,
    %swap3A_1269 = vector.shape_cast %swap3A_1268 : vector<16xi32> to vector<16xi32>
    %swap3A_1270 = vector.shape_cast %select_n3A_1266 : vector<16xi32> to vector<16xi32>
    tpu.vector_store %arg14[%swap3A_1267], %swap3A_1270 {strides = array<i32>} : memref<1024xi32, #tpu.memory_space<vmem>>, vector<16xi32>,
    %get3A_1271 = arith.constant 768 : index
    %get3A_1272 = tpu.vector_load %arg10[%get3A_1271] {strides = array<i32>} : memref<1024xi32, #tpu.memory_space<vmem>>, vector<16xi32>,
    %get3A_1273 = vector.shape_cast %get3A_1272 : vector<16xi32> to vector<16xi32>
    %get3A_1274 = arith.constant 768 : index
    %get3A_1275 = tpu.vector_load %arg13[%get3A_1274] {strides = array<i32>} : memref<1024xi32, #tpu.memory_space<vmem>>, vector<16xi32>,
    %get3A_1276 = vector.shape_cast %get3A_1275 : vector<16xi32> to vector<16xi32>
    %le3A_1277 = arith.constant 0 : i32
    %le3A_1278 = vector.broadcast %le3A_1277 : i32 to vector<16xi32>
    %le3A_1279 = arith.cmpi sle, %get3A_1276, %le3A_1278 : vector<16xi32>
    %ge3A_1280 = vector.broadcast %mul3A_32 : i32 to vector<16xi32>
    %ge3A_1281 = arith.cmpi sge, %get3A_1273, %ge3A_1280 : vector<16xi32>
    %and3A_1282 = arith.andi %le3A_1279, %ge3A_1281 : vector<16xi1>
    %add3A_1283 = arith.constant 8192 : i32
    %add3A_1284 = arith.addi %mul3A_32, %add3A_1283 : i32
    %lt3A_1285 = vector.broadcast %add3A_1284 : i32 to vector<16xi32>
    %lt3A_1286 = arith.cmpi slt, %get3A_1273, %lt3A_1285 : vector<16xi32>
    %and3A_1287 = arith.andi %and3A_1282, %lt3A_1286 : vector<16xi1>
    %sub3A_1288 = vector.broadcast %mul3A_32 : i32 to vector<16xi32>
    %sub3A_1289 = arith.subi %get3A_1273, %sub3A_1288 : vector<16xi32>
    %jit3A_1290 = arith.constant 8192 : i32
    %broadcast_in_dim3A_1291 = vector.broadcast %jit3A_1290 : i32 to vector<16xi32>
    %select_n3A_1292 = arith.select %and3A_1287, %sub3A_1289, %broadcast_in_dim3A_1291 : vector<16xi1>, vector<16xi32>
    %swap3A_1293 = arith.constant 768 : index
    %swap3A_1294 = tpu.vector_load %arg14[%swap3A_1293] {strides = array<i32>} : memref<1024xi32, #tpu.memory_space<vmem>>, vector<16xi32>,
    %swap3A_1295 = vector.shape_cast %swap3A_1294 : vector<16xi32> to vector<16xi32>
    %swap3A_1296 = vector.shape_cast %select_n3A_1292 : vector<16xi32> to vector<16xi32>
    tpu.vector_store %arg14[%swap3A_1293], %swap3A_1296 {strides = array<i32>} : memref<1024xi32, #tpu.memory_space<vmem>>, vector<16xi32>,
    %get3A_1297 = arith.constant 784 : index
    %get3A_1298 = tpu.vector_load %arg10[%get3A_1297] {strides = array<i32>} : memref<1024xi32, #tpu.memory_space<vmem>>, vector<16xi32>,
    %get3A_1299 = vector.shape_cast %get3A_1298 : vector<16xi32> to vector<16xi32>
    %get3A_1300 = arith.constant 784 : index
    %get3A_1301 = tpu.vector_load %arg13[%get3A_1300] {strides = array<i32>} : memref<1024xi32, #tpu.memory_space<vmem>>, vector<16xi32>,
    %get3A_1302 = vector.shape_cast %get3A_1301 : vector<16xi32> to vector<16xi32>
    %le3A_1303 = arith.constant 0 : i32
    %le3A_1304 = vector.broadcast %le3A_1303 : i32 to vector<16xi32>
    %le3A_1305 = arith.cmpi sle, %get3A_1302, %le3A_1304 : vector<16xi32>
    %ge3A_1306 = vector.broadcast %mul3A_32 : i32 to vector<16xi32>
    %ge3A_1307 = arith.cmpi sge, %get3A_1299, %ge3A_1306 : vector<16xi32>
    %and3A_1308 = arith.andi %le3A_1305, %ge3A_1307 : vector<16xi1>
    %add3A_1309 = arith.constant 8192 : i32
    %add3A_1310 = arith.addi %mul3A_32, %add3A_1309 : i32
    %lt3A_1311 = vector.broadcast %add3A_1310 : i32 to vector<16xi32>
    %lt3A_1312 = arith.cmpi slt, %get3A_1299, %lt3A_1311 : vector<16xi32>
    %and3A_1313 = arith.andi %and3A_1308, %lt3A_1312 : vector<16xi1>
    %sub3A_1314 = vector.broadcast %mul3A_32 : i32 to vector<16xi32>
    %sub3A_1315 = arith.subi %get3A_1299, %sub3A_1314 : vector<16xi32>
    %jit3A_1316 = arith.constant 8192 : i32
    %broadcast_in_dim3A_1317 = vector.broadcast %jit3A_1316 : i32 to vector<16xi32>
    %select_n3A_1318 = arith.select %and3A_1313, %sub3A_1315, %broadcast_in_dim3A_1317 : vector<16xi1>, vector<16xi32>
    %swap3A_1319 = arith.constant 784 : index
    %swap3A_1320 = tpu.vector_load %arg14[%swap3A_1319] {strides = array<i32>} : memref<1024xi32, #tpu.memory_space<vmem>>, vector<16xi32>,
    %swap3A_1321 = vector.shape_cast %swap3A_1320 : vector<16xi32> to vector<16xi32>
    %swap3A_1322 = vector.shape_cast %select_n3A_1318 : vector<16xi32> to vector<16xi32>
    tpu.vector_store %arg14[%swap3A_1319], %swap3A_1322 {strides = array<i32>} : memref<1024xi32, #tpu.memory_space<vmem>>, vector<16xi32>,
    %get3A_1323 = arith.constant 800 : index
    %get3A_1324 = tpu.vector_load %arg10[%get3A_1323] {strides = array<i32>} : memref<1024xi32, #tpu.memory_space<vmem>>, vector<16xi32>,
    %get3A_1325 = vector.shape_cast %get3A_1324 : vector<16xi32> to vector<16xi32>
    %get3A_1326 = arith.constant 800 : index
    %get3A_1327 = tpu.vector_load %arg13[%get3A_1326] {strides = array<i32>} : memref<1024xi32, #tpu.memory_space<vmem>>, vector<16xi32>,
    %get3A_1328 = vector.shape_cast %get3A_1327 : vector<16xi32> to vector<16xi32>
    %le3A_1329 = arith.constant 0 : i32
    %le3A_1330 = vector.broadcast %le3A_1329 : i32 to vector<16xi32>
    %le3A_1331 = arith.cmpi sle, %get3A_1328, %le3A_1330 : vector<16xi32>
    %ge3A_1332 = vector.broadcast %mul3A_32 : i32 to vector<16xi32>
    %ge3A_1333 = arith.cmpi sge, %get3A_1325, %ge3A_1332 : vector<16xi32>
    %and3A_1334 = arith.andi %le3A_1331, %ge3A_1333 : vector<16xi1>
    %add3A_1335 = arith.constant 8192 : i32
    %add3A_1336 = arith.addi %mul3A_32, %add3A_1335 : i32
    %lt3A_1337 = vector.broadcast %add3A_1336 : i32 to vector<16xi32>
    %lt3A_1338 = arith.cmpi slt, %get3A_1325, %lt3A_1337 : vector<16xi32>
    %and3A_1339 = arith.andi %and3A_1334, %lt3A_1338 : vector<16xi1>
    %sub3A_1340 = vector.broadcast %mul3A_32 : i32 to vector<16xi32>
    %sub3A_1341 = arith.subi %get3A_1325, %sub3A_1340 : vector<16xi32>
    %jit3A_1342 = arith.constant 8192 : i32
    %broadcast_in_dim3A_1343 = vector.broadcast %jit3A_1342 : i32 to vector<16xi32>
    %select_n3A_1344 = arith.select %and3A_1339, %sub3A_1341, %broadcast_in_dim3A_1343 : vector<16xi1>, vector<16xi32>
    %swap3A_1345 = arith.constant 800 : index
    %swap3A_1346 = tpu.vector_load %arg14[%swap3A_1345] {strides = array<i32>} : memref<1024xi32, #tpu.memory_space<vmem>>, vector<16xi32>,
    %swap3A_1347 = vector.shape_cast %swap3A_1346 : vector<16xi32> to vector<16xi32>
    %swap3A_1348 = vector.shape_cast %select_n3A_1344 : vector<16xi32> to vector<16xi32>
    tpu.vector_store %arg14[%swap3A_1345], %swap3A_1348 {strides = array<i32>} : memref<1024xi32, #tpu.memory_space<vmem>>, vector<16xi32>,
    %get3A_1349 = arith.constant 816 : index
    %get3A_1350 = tpu.vector_load %arg10[%get3A_1349] {strides = array<i32>} : memref<1024xi32, #tpu.memory_space<vmem>>, vector<16xi32>,
    %get3A_1351 = vector.shape_cast %get3A_1350 : vector<16xi32> to vector<16xi32>
    %get3A_1352 = arith.constant 816 : index
    %get3A_1353 = tpu.vector_load %arg13[%get3A_1352] {strides = array<i32>} : memref<1024xi32, #tpu.memory_space<vmem>>, vector<16xi32>,
    %get3A_1354 = vector.shape_cast %get3A_1353 : vector<16xi32> to vector<16xi32>
    %le3A_1355 = arith.constant 0 : i32
    %le3A_1356 = vector.broadcast %le3A_1355 : i32 to vector<16xi32>
    %le3A_1357 = arith.cmpi sle, %get3A_1354, %le3A_1356 : vector<16xi32>
    %ge3A_1358 = vector.broadcast %mul3A_32 : i32 to vector<16xi32>
    %ge3A_1359 = arith.cmpi sge, %get3A_1351, %ge3A_1358 : vector<16xi32>
    %and3A_1360 = arith.andi %le3A_1357, %ge3A_1359 : vector<16xi1>
    %add3A_1361 = arith.constant 8192 : i32
    %add3A_1362 = arith.addi %mul3A_32, %add3A_1361 : i32
    %lt3A_1363 = vector.broadcast %add3A_1362 : i32 to vector<16xi32>
    %lt3A_1364 = arith.cmpi slt, %get3A_1351, %lt3A_1363 : vector<16xi32>
    %and3A_1365 = arith.andi %and3A_1360, %lt3A_1364 : vector<16xi1>
    %sub3A_1366 = vector.broadcast %mul3A_32 : i32 to vector<16xi32>
    %sub3A_1367 = arith.subi %get3A_1351, %sub3A_1366 : vector<16xi32>
    %jit3A_1368 = arith.constant 8192 : i32
    %broadcast_in_dim3A_1369 = vector.broadcast %jit3A_1368 : i32 to vector<16xi32>
    %select_n3A_1370 = arith.select %and3A_1365, %sub3A_1367, %broadcast_in_dim3A_1369 : vector<16xi1>, vector<16xi32>
    %swap3A_1371 = arith.constant 816 : index
    %swap3A_1372 = tpu.vector_load %arg14[%swap3A_1371] {strides = array<i32>} : memref<1024xi32, #tpu.memory_space<vmem>>, vector<16xi32>,
    %swap3A_1373 = vector.shape_cast %swap3A_1372 : vector<16xi32> to vector<16xi32>
    %swap3A_1374 = vector.shape_cast %select_n3A_1370 : vector<16xi32> to vector<16xi32>
    tpu.vector_store %arg14[%swap3A_1371], %swap3A_1374 {strides = array<i32>} : memref<1024xi32, #tpu.memory_space<vmem>>, vector<16xi32>,
    %get3A_1375 = arith.constant 832 : index
    %get3A_1376 = tpu.vector_load %arg10[%get3A_1375] {strides = array<i32>} : memref<1024xi32, #tpu.memory_space<vmem>>, vector<16xi32>,
    %get3A_1377 = vector.shape_cast %get3A_1376 : vector<16xi32> to vector<16xi32>
    %get3A_1378 = arith.constant 832 : index
    %get3A_1379 = tpu.vector_load %arg13[%get3A_1378] {strides = array<i32>} : memref<1024xi32, #tpu.memory_space<vmem>>, vector<16xi32>,
    %get3A_1380 = vector.shape_cast %get3A_1379 : vector<16xi32> to vector<16xi32>
    %le3A_1381 = arith.constant 0 : i32
    %le3A_1382 = vector.broadcast %le3A_1381 : i32 to vector<16xi32>
    %le3A_1383 = arith.cmpi sle, %get3A_1380, %le3A_1382 : vector<16xi32>
    %ge3A_1384 = vector.broadcast %mul3A_32 : i32 to vector<16xi32>
    %ge3A_1385 = arith.cmpi sge, %get3A_1377, %ge3A_1384 : vector<16xi32>
    %and3A_1386 = arith.andi %le3A_1383, %ge3A_1385 : vector<16xi1>
    %add3A_1387 = arith.constant 8192 : i32
    %add3A_1388 = arith.addi %mul3A_32, %add3A_1387 : i32
    %lt3A_1389 = vector.broadcast %add3A_1388 : i32 to vector<16xi32>
    %lt3A_1390 = arith.cmpi slt, %get3A_1377, %lt3A_1389 : vector<16xi32>
    %and3A_1391 = arith.andi %and3A_1386, %lt3A_1390 : vector<16xi1>
    %sub3A_1392 = vector.broadcast %mul3A_32 : i32 to vector<16xi32>
    %sub3A_1393 = arith.subi %get3A_1377, %sub3A_1392 : vector<16xi32>
    %jit3A_1394 = arith.constant 8192 : i32
    %broadcast_in_dim3A_1395 = vector.broadcast %jit3A_1394 : i32 to vector<16xi32>
    %select_n3A_1396 = arith.select %and3A_1391, %sub3A_1393, %broadcast_in_dim3A_1395 : vector<16xi1>, vector<16xi32>
    %swap3A_1397 = arith.constant 832 : index
    %swap3A_1398 = tpu.vector_load %arg14[%swap3A_1397] {strides = array<i32>} : memref<1024xi32, #tpu.memory_space<vmem>>, vector<16xi32>,
    %swap3A_1399 = vector.shape_cast %swap3A_1398 : vector<16xi32> to vector<16xi32>
    %swap3A_1400 = vector.shape_cast %select_n3A_1396 : vector<16xi32> to vector<16xi32>
    tpu.vector_store %arg14[%swap3A_1397], %swap3A_1400 {strides = array<i32>} : memref<1024xi32, #tpu.memory_space<vmem>>, vector<16xi32>,
    %get3A_1401 = arith.constant 848 : index
    %get3A_1402 = tpu.vector_load %arg10[%get3A_1401] {strides = array<i32>} : memref<1024xi32, #tpu.memory_space<vmem>>, vector<16xi32>,
    %get3A_1403 = vector.shape_cast %get3A_1402 : vector<16xi32> to vector<16xi32>
    %get3A_1404 = arith.constant 848 : index
    %get3A_1405 = tpu.vector_load %arg13[%get3A_1404] {strides = array<i32>} : memref<1024xi32, #tpu.memory_space<vmem>>, vector<16xi32>,
    %get3A_1406 = vector.shape_cast %get3A_1405 : vector<16xi32> to vector<16xi32>
    %le3A_1407 = arith.constant 0 : i32
    %le3A_1408 = vector.broadcast %le3A_1407 : i32 to vector<16xi32>
    %le3A_1409 = arith.cmpi sle, %get3A_1406, %le3A_1408 : vector<16xi32>
    %ge3A_1410 = vector.broadcast %mul3A_32 : i32 to vector<16xi32>
    %ge3A_1411 = arith.cmpi sge, %get3A_1403, %ge3A_1410 : vector<16xi32>
    %and3A_1412 = arith.andi %le3A_1409, %ge3A_1411 : vector<16xi1>
    %add3A_1413 = arith.constant 8192 : i32
    %add3A_1414 = arith.addi %mul3A_32, %add3A_1413 : i32
    %lt3A_1415 = vector.broadcast %add3A_1414 : i32 to vector<16xi32>
    %lt3A_1416 = arith.cmpi slt, %get3A_1403, %lt3A_1415 : vector<16xi32>
    %and3A_1417 = arith.andi %and3A_1412, %lt3A_1416 : vector<16xi1>
    %sub3A_1418 = vector.broadcast %mul3A_32 : i32 to vector<16xi32>
    %sub3A_1419 = arith.subi %get3A_1403, %sub3A_1418 : vector<16xi32>
    %jit3A_1420 = arith.constant 8192 : i32
    %broadcast_in_dim3A_1421 = vector.broadcast %jit3A_1420 : i32 to vector<16xi32>
    %select_n3A_1422 = arith.select %and3A_1417, %sub3A_1419, %broadcast_in_dim3A_1421 : vector<16xi1>, vector<16xi32>
    %swap3A_1423 = arith.constant 848 : index
    %swap3A_1424 = tpu.vector_load %arg14[%swap3A_1423] {strides = array<i32>} : memref<1024xi32, #tpu.memory_space<vmem>>, vector<16xi32>,
    %swap3A_1425 = vector.shape_cast %swap3A_1424 : vector<16xi32> to vector<16xi32>
    %swap3A_1426 = vector.shape_cast %select_n3A_1422 : vector<16xi32> to vector<16xi32>
    tpu.vector_store %arg14[%swap3A_1423], %swap3A_1426 {strides = array<i32>} : memref<1024xi32, #tpu.memory_space<vmem>>, vector<16xi32>,
    %get3A_1427 = arith.constant 864 : index
    %get3A_1428 = tpu.vector_load %arg10[%get3A_1427] {strides = array<i32>} : memref<1024xi32, #tpu.memory_space<vmem>>, vector<16xi32>,
    %get3A_1429 = vector.shape_cast %get3A_1428 : vector<16xi32> to vector<16xi32>
    %get3A_1430 = arith.constant 864 : index
    %get3A_1431 = tpu.vector_load %arg13[%get3A_1430] {strides = array<i32>} : memref<1024xi32, #tpu.memory_space<vmem>>, vector<16xi32>,
    %get3A_1432 = vector.shape_cast %get3A_1431 : vector<16xi32> to vector<16xi32>
    %le3A_1433 = arith.constant 0 : i32
    %le3A_1434 = vector.broadcast %le3A_1433 : i32 to vector<16xi32>
    %le3A_1435 = arith.cmpi sle, %get3A_1432, %le3A_1434 : vector<16xi32>
    %ge3A_1436 = vector.broadcast %mul3A_32 : i32 to vector<16xi32>
    %ge3A_1437 = arith.cmpi sge, %get3A_1429, %ge3A_1436 : vector<16xi32>
    %and3A_1438 = arith.andi %le3A_1435, %ge3A_1437 : vector<16xi1>
    %add3A_1439 = arith.constant 8192 : i32
    %add3A_1440 = arith.addi %mul3A_32, %add3A_1439 : i32
    %lt3A_1441 = vector.broadcast %add3A_1440 : i32 to vector<16xi32>
    %lt3A_1442 = arith.cmpi slt, %get3A_1429, %lt3A_1441 : vector<16xi32>
    %and3A_1443 = arith.andi %and3A_1438, %lt3A_1442 : vector<16xi1>
    %sub3A_1444 = vector.broadcast %mul3A_32 : i32 to vector<16xi32>
    %sub3A_1445 = arith.subi %get3A_1429, %sub3A_1444 : vector<16xi32>
    %jit3A_1446 = arith.constant 8192 : i32
    %broadcast_in_dim3A_1447 = vector.broadcast %jit3A_1446 : i32 to vector<16xi32>
    %select_n3A_1448 = arith.select %and3A_1443, %sub3A_1445, %broadcast_in_dim3A_1447 : vector<16xi1>, vector<16xi32>
    %swap3A_1449 = arith.constant 864 : index
    %swap3A_1450 = tpu.vector_load %arg14[%swap3A_1449] {strides = array<i32>} : memref<1024xi32, #tpu.memory_space<vmem>>, vector<16xi32>,
    %swap3A_1451 = vector.shape_cast %swap3A_1450 : vector<16xi32> to vector<16xi32>
    %swap3A_1452 = vector.shape_cast %select_n3A_1448 : vector<16xi32> to vector<16xi32>
    tpu.vector_store %arg14[%swap3A_1449], %swap3A_1452 {strides = array<i32>} : memref<1024xi32, #tpu.memory_space<vmem>>, vector<16xi32>,
    %get3A_1453 = arith.constant 880 : index
    %get3A_1454 = tpu.vector_load %arg10[%get3A_1453] {strides = array<i32>} : memref<1024xi32, #tpu.memory_space<vmem>>, vector<16xi32>,
    %get3A_1455 = vector.shape_cast %get3A_1454 : vector<16xi32> to vector<16xi32>
    %get3A_1456 = arith.constant 880 : index
    %get3A_1457 = tpu.vector_load %arg13[%get3A_1456] {strides = array<i32>} : memref<1024xi32, #tpu.memory_space<vmem>>, vector<16xi32>,
    %get3A_1458 = vector.shape_cast %get3A_1457 : vector<16xi32> to vector<16xi32>
    %le3A_1459 = arith.constant 0 : i32
    %le3A_1460 = vector.broadcast %le3A_1459 : i32 to vector<16xi32>
    %le3A_1461 = arith.cmpi sle, %get3A_1458, %le3A_1460 : vector<16xi32>
    %ge3A_1462 = vector.broadcast %mul3A_32 : i32 to vector<16xi32>
    %ge3A_1463 = arith.cmpi sge, %get3A_1455, %ge3A_1462 : vector<16xi32>
    %and3A_1464 = arith.andi %le3A_1461, %ge3A_1463 : vector<16xi1>
    %add3A_1465 = arith.constant 8192 : i32
    %add3A_1466 = arith.addi %mul3A_32, %add3A_1465 : i32
    %lt3A_1467 = vector.broadcast %add3A_1466 : i32 to vector<16xi32>
    %lt3A_1468 = arith.cmpi slt, %get3A_1455, %lt3A_1467 : vector<16xi32>
    %and3A_1469 = arith.andi %and3A_1464, %lt3A_1468 : vector<16xi1>
    %sub3A_1470 = vector.broadcast %mul3A_32 : i32 to vector<16xi32>
    %sub3A_1471 = arith.subi %get3A_1455, %sub3A_1470 : vector<16xi32>
    %jit3A_1472 = arith.constant 8192 : i32
    %broadcast_in_dim3A_1473 = vector.broadcast %jit3A_1472 : i32 to vector<16xi32>
    %select_n3A_1474 = arith.select %and3A_1469, %sub3A_1471, %broadcast_in_dim3A_1473 : vector<16xi1>, vector<16xi32>
    %swap3A_1475 = arith.constant 880 : index
    %swap3A_1476 = tpu.vector_load %arg14[%swap3A_1475] {strides = array<i32>} : memref<1024xi32, #tpu.memory_space<vmem>>, vector<16xi32>,
    %swap3A_1477 = vector.shape_cast %swap3A_1476 : vector<16xi32> to vector<16xi32>
    %swap3A_1478 = vector.shape_cast %select_n3A_1474 : vector<16xi32> to vector<16xi32>
    tpu.vector_store %arg14[%swap3A_1475], %swap3A_1478 {strides = array<i32>} : memref<1024xi32, #tpu.memory_space<vmem>>, vector<16xi32>,
    %get3A_1479 = arith.constant 896 : index
    %get3A_1480 = tpu.vector_load %arg10[%get3A_1479] {strides = array<i32>} : memref<1024xi32, #tpu.memory_space<vmem>>, vector<16xi32>,
    %get3A_1481 = vector.shape_cast %get3A_1480 : vector<16xi32> to vector<16xi32>
    %get3A_1482 = arith.constant 896 : index
    %get3A_1483 = tpu.vector_load %arg13[%get3A_1482] {strides = array<i32>} : memref<1024xi32, #tpu.memory_space<vmem>>, vector<16xi32>,
    %get3A_1484 = vector.shape_cast %get3A_1483 : vector<16xi32> to vector<16xi32>
    %le3A_1485 = arith.constant 0 : i32
    %le3A_1486 = vector.broadcast %le3A_1485 : i32 to vector<16xi32>
    %le3A_1487 = arith.cmpi sle, %get3A_1484, %le3A_1486 : vector<16xi32>
    %ge3A_1488 = vector.broadcast %mul3A_32 : i32 to vector<16xi32>
    %ge3A_1489 = arith.cmpi sge, %get3A_1481, %ge3A_1488 : vector<16xi32>
    %and3A_1490 = arith.andi %le3A_1487, %ge3A_1489 : vector<16xi1>
    %add3A_1491 = arith.constant 8192 : i32
    %add3A_1492 = arith.addi %mul3A_32, %add3A_1491 : i32
    %lt3A_1493 = vector.broadcast %add3A_1492 : i32 to vector<16xi32>
    %lt3A_1494 = arith.cmpi slt, %get3A_1481, %lt3A_1493 : vector<16xi32>
    %and3A_1495 = arith.andi %and3A_1490, %lt3A_1494 : vector<16xi1>
    %sub3A_1496 = vector.broadcast %mul3A_32 : i32 to vector<16xi32>
    %sub3A_1497 = arith.subi %get3A_1481, %sub3A_1496 : vector<16xi32>
    %jit3A_1498 = arith.constant 8192 : i32
    %broadcast_in_dim3A_1499 = vector.broadcast %jit3A_1498 : i32 to vector<16xi32>
    %select_n3A_1500 = arith.select %and3A_1495, %sub3A_1497, %broadcast_in_dim3A_1499 : vector<16xi1>, vector<16xi32>
    %swap3A_1501 = arith.constant 896 : index
    %swap3A_1502 = tpu.vector_load %arg14[%swap3A_1501] {strides = array<i32>} : memref<1024xi32, #tpu.memory_space<vmem>>, vector<16xi32>,
    %swap3A_1503 = vector.shape_cast %swap3A_1502 : vector<16xi32> to vector<16xi32>
    %swap3A_1504 = vector.shape_cast %select_n3A_1500 : vector<16xi32> to vector<16xi32>
    tpu.vector_store %arg14[%swap3A_1501], %swap3A_1504 {strides = array<i32>} : memref<1024xi32, #tpu.memory_space<vmem>>, vector<16xi32>,
    %get3A_1505 = arith.constant 912 : index
    %get3A_1506 = tpu.vector_load %arg10[%get3A_1505] {strides = array<i32>} : memref<1024xi32, #tpu.memory_space<vmem>>, vector<16xi32>,
    %get3A_1507 = vector.shape_cast %get3A_1506 : vector<16xi32> to vector<16xi32>
    %get3A_1508 = arith.constant 912 : index
    %get3A_1509 = tpu.vector_load %arg13[%get3A_1508] {strides = array<i32>} : memref<1024xi32, #tpu.memory_space<vmem>>, vector<16xi32>,
    %get3A_1510 = vector.shape_cast %get3A_1509 : vector<16xi32> to vector<16xi32>
    %le3A_1511 = arith.constant 0 : i32
    %le3A_1512 = vector.broadcast %le3A_1511 : i32 to vector<16xi32>
    %le3A_1513 = arith.cmpi sle, %get3A_1510, %le3A_1512 : vector<16xi32>
    %ge3A_1514 = vector.broadcast %mul3A_32 : i32 to vector<16xi32>
    %ge3A_1515 = arith.cmpi sge, %get3A_1507, %ge3A_1514 : vector<16xi32>
    %and3A_1516 = arith.andi %le3A_1513, %ge3A_1515 : vector<16xi1>
    %add3A_1517 = arith.constant 8192 : i32
    %add3A_1518 = arith.addi %mul3A_32, %add3A_1517 : i32
    %lt3A_1519 = vector.broadcast %add3A_1518 : i32 to vector<16xi32>
    %lt3A_1520 = arith.cmpi slt, %get3A_1507, %lt3A_1519 : vector<16xi32>
    %and3A_1521 = arith.andi %and3A_1516, %lt3A_1520 : vector<16xi1>
    %sub3A_1522 = vector.broadcast %mul3A_32 : i32 to vector<16xi32>
    %sub3A_1523 = arith.subi %get3A_1507, %sub3A_1522 : vector<16xi32>
    %jit3A_1524 = arith.constant 8192 : i32
    %broadcast_in_dim3A_1525 = vector.broadcast %jit3A_1524 : i32 to vector<16xi32>
    %select_n3A_1526 = arith.select %and3A_1521, %sub3A_1523, %broadcast_in_dim3A_1525 : vector<16xi1>, vector<16xi32>
    %swap3A_1527 = arith.constant 912 : index
    %swap3A_1528 = tpu.vector_load %arg14[%swap3A_1527] {strides = array<i32>} : memref<1024xi32, #tpu.memory_space<vmem>>, vector<16xi32>,
    %swap3A_1529 = vector.shape_cast %swap3A_1528 : vector<16xi32> to vector<16xi32>
    %swap3A_1530 = vector.shape_cast %select_n3A_1526 : vector<16xi32> to vector<16xi32>
    tpu.vector_store %arg14[%swap3A_1527], %swap3A_1530 {strides = array<i32>} : memref<1024xi32, #tpu.memory_space<vmem>>, vector<16xi32>,
    %get3A_1531 = arith.constant 928 : index
    %get3A_1532 = tpu.vector_load %arg10[%get3A_1531] {strides = array<i32>} : memref<1024xi32, #tpu.memory_space<vmem>>, vector<16xi32>,
    %get3A_1533 = vector.shape_cast %get3A_1532 : vector<16xi32> to vector<16xi32>
    %get3A_1534 = arith.constant 928 : index
    %get3A_1535 = tpu.vector_load %arg13[%get3A_1534] {strides = array<i32>} : memref<1024xi32, #tpu.memory_space<vmem>>, vector<16xi32>,
    %get3A_1536 = vector.shape_cast %get3A_1535 : vector<16xi32> to vector<16xi32>
    %le3A_1537 = arith.constant 0 : i32
    %le3A_1538 = vector.broadcast %le3A_1537 : i32 to vector<16xi32>
    %le3A_1539 = arith.cmpi sle, %get3A_1536, %le3A_1538 : vector<16xi32>
    %ge3A_1540 = vector.broadcast %mul3A_32 : i32 to vector<16xi32>
    %ge3A_1541 = arith.cmpi sge, %get3A_1533, %ge3A_1540 : vector<16xi32>
    %and3A_1542 = arith.andi %le3A_1539, %ge3A_1541 : vector<16xi1>
    %add3A_1543 = arith.constant 8192 : i32
    %add3A_1544 = arith.addi %mul3A_32, %add3A_1543 : i32
    %lt3A_1545 = vector.broadcast %add3A_1544 : i32 to vector<16xi32>
    %lt3A_1546 = arith.cmpi slt, %get3A_1533, %lt3A_1545 : vector<16xi32>
    %and3A_1547 = arith.andi %and3A_1542, %lt3A_1546 : vector<16xi1>
    %sub3A_1548 = vector.broadcast %mul3A_32 : i32 to vector<16xi32>
    %sub3A_1549 = arith.subi %get3A_1533, %sub3A_1548 : vector<16xi32>
    %jit3A_1550 = arith.constant 8192 : i32
    %broadcast_in_dim3A_1551 = vector.broadcast %jit3A_1550 : i32 to vector<16xi32>
    %select_n3A_1552 = arith.select %and3A_1547, %sub3A_1549, %broadcast_in_dim3A_1551 : vector<16xi1>, vector<16xi32>
    %swap3A_1553 = arith.constant 928 : index
    %swap3A_1554 = tpu.vector_load %arg14[%swap3A_1553] {strides = array<i32>} : memref<1024xi32, #tpu.memory_space<vmem>>, vector<16xi32>,
    %swap3A_1555 = vector.shape_cast %swap3A_1554 : vector<16xi32> to vector<16xi32>
    %swap3A_1556 = vector.shape_cast %select_n3A_1552 : vector<16xi32> to vector<16xi32>
    tpu.vector_store %arg14[%swap3A_1553], %swap3A_1556 {strides = array<i32>} : memref<1024xi32, #tpu.memory_space<vmem>>, vector<16xi32>,
    %get3A_1557 = arith.constant 944 : index
    %get3A_1558 = tpu.vector_load %arg10[%get3A_1557] {strides = array<i32>} : memref<1024xi32, #tpu.memory_space<vmem>>, vector<16xi32>,
    %get3A_1559 = vector.shape_cast %get3A_1558 : vector<16xi32> to vector<16xi32>
    %get3A_1560 = arith.constant 944 : index
    %get3A_1561 = tpu.vector_load %arg13[%get3A_1560] {strides = array<i32>} : memref<1024xi32, #tpu.memory_space<vmem>>, vector<16xi32>,
    %get3A_1562 = vector.shape_cast %get3A_1561 : vector<16xi32> to vector<16xi32>
    %le3A_1563 = arith.constant 0 : i32
    %le3A_1564 = vector.broadcast %le3A_1563 : i32 to vector<16xi32>
    %le3A_1565 = arith.cmpi sle, %get3A_1562, %le3A_1564 : vector<16xi32>
    %ge3A_1566 = vector.broadcast %mul3A_32 : i32 to vector<16xi32>
    %ge3A_1567 = arith.cmpi sge, %get3A_1559, %ge3A_1566 : vector<16xi32>
    %and3A_1568 = arith.andi %le3A_1565, %ge3A_1567 : vector<16xi1>
    %add3A_1569 = arith.constant 8192 : i32
    %add3A_1570 = arith.addi %mul3A_32, %add3A_1569 : i32
    %lt3A_1571 = vector.broadcast %add3A_1570 : i32 to vector<16xi32>
    %lt3A_1572 = arith.cmpi slt, %get3A_1559, %lt3A_1571 : vector<16xi32>
    %and3A_1573 = arith.andi %and3A_1568, %lt3A_1572 : vector<16xi1>
    %sub3A_1574 = vector.broadcast %mul3A_32 : i32 to vector<16xi32>
    %sub3A_1575 = arith.subi %get3A_1559, %sub3A_1574 : vector<16xi32>
    %jit3A_1576 = arith.constant 8192 : i32
    %broadcast_in_dim3A_1577 = vector.broadcast %jit3A_1576 : i32 to vector<16xi32>
    %select_n3A_1578 = arith.select %and3A_1573, %sub3A_1575, %broadcast_in_dim3A_1577 : vector<16xi1>, vector<16xi32>
    %swap3A_1579 = arith.constant 944 : index
    %swap3A_1580 = tpu.vector_load %arg14[%swap3A_1579] {strides = array<i32>} : memref<1024xi32, #tpu.memory_space<vmem>>, vector<16xi32>,
    %swap3A_1581 = vector.shape_cast %swap3A_1580 : vector<16xi32> to vector<16xi32>
    %swap3A_1582 = vector.shape_cast %select_n3A_1578 : vector<16xi32> to vector<16xi32>
    tpu.vector_store %arg14[%swap3A_1579], %swap3A_1582 {strides = array<i32>} : memref<1024xi32, #tpu.memory_space<vmem>>, vector<16xi32>,
    %get3A_1583 = arith.constant 960 : index
    %get3A_1584 = tpu.vector_load %arg10[%get3A_1583] {strides = array<i32>} : memref<1024xi32, #tpu.memory_space<vmem>>, vector<16xi32>,
    %get3A_1585 = vector.shape_cast %get3A_1584 : vector<16xi32> to vector<16xi32>
    %get3A_1586 = arith.constant 960 : index
    %get3A_1587 = tpu.vector_load %arg13[%get3A_1586] {strides = array<i32>} : memref<1024xi32, #tpu.memory_space<vmem>>, vector<16xi32>,
    %get3A_1588 = vector.shape_cast %get3A_1587 : vector<16xi32> to vector<16xi32>
    %le3A_1589 = arith.constant 0 : i32
    %le3A_1590 = vector.broadcast %le3A_1589 : i32 to vector<16xi32>
    %le3A_1591 = arith.cmpi sle, %get3A_1588, %le3A_1590 : vector<16xi32>
    %ge3A_1592 = vector.broadcast %mul3A_32 : i32 to vector<16xi32>
    %ge3A_1593 = arith.cmpi sge, %get3A_1585, %ge3A_1592 : vector<16xi32>
    %and3A_1594 = arith.andi %le3A_1591, %ge3A_1593 : vector<16xi1>
    %add3A_1595 = arith.constant 8192 : i32
    %add3A_1596 = arith.addi %mul3A_32, %add3A_1595 : i32
    %lt3A_1597 = vector.broadcast %add3A_1596 : i32 to vector<16xi32>
    %lt3A_1598 = arith.cmpi slt, %get3A_1585, %lt3A_1597 : vector<16xi32>
    %and3A_1599 = arith.andi %and3A_1594, %lt3A_1598 : vector<16xi1>
    %sub3A_1600 = vector.broadcast %mul3A_32 : i32 to vector<16xi32>
    %sub3A_1601 = arith.subi %get3A_1585, %sub3A_1600 : vector<16xi32>
    %jit3A_1602 = arith.constant 8192 : i32
    %broadcast_in_dim3A_1603 = vector.broadcast %jit3A_1602 : i32 to vector<16xi32>
    %select_n3A_1604 = arith.select %and3A_1599, %sub3A_1601, %broadcast_in_dim3A_1603 : vector<16xi1>, vector<16xi32>
    %swap3A_1605 = arith.constant 960 : index
    %swap3A_1606 = tpu.vector_load %arg14[%swap3A_1605] {strides = array<i32>} : memref<1024xi32, #tpu.memory_space<vmem>>, vector<16xi32>,
    %swap3A_1607 = vector.shape_cast %swap3A_1606 : vector<16xi32> to vector<16xi32>
    %swap3A_1608 = vector.shape_cast %select_n3A_1604 : vector<16xi32> to vector<16xi32>
    tpu.vector_store %arg14[%swap3A_1605], %swap3A_1608 {strides = array<i32>} : memref<1024xi32, #tpu.memory_space<vmem>>, vector<16xi32>,
    %get3A_1609 = arith.constant 976 : index
    %get3A_1610 = tpu.vector_load %arg10[%get3A_1609] {strides = array<i32>} : memref<1024xi32, #tpu.memory_space<vmem>>, vector<16xi32>,
    %get3A_1611 = vector.shape_cast %get3A_1610 : vector<16xi32> to vector<16xi32>
    %get3A_1612 = arith.constant 976 : index
    %get3A_1613 = tpu.vector_load %arg13[%get3A_1612] {strides = array<i32>} : memref<1024xi32, #tpu.memory_space<vmem>>, vector<16xi32>,
    %get3A_1614 = vector.shape_cast %get3A_1613 : vector<16xi32> to vector<16xi32>
    %le3A_1615 = arith.constant 0 : i32
    %le3A_1616 = vector.broadcast %le3A_1615 : i32 to vector<16xi32>
    %le3A_1617 = arith.cmpi sle, %get3A_1614, %le3A_1616 : vector<16xi32>
    %ge3A_1618 = vector.broadcast %mul3A_32 : i32 to vector<16xi32>
    %ge3A_1619 = arith.cmpi sge, %get3A_1611, %ge3A_1618 : vector<16xi32>
    %and3A_1620 = arith.andi %le3A_1617, %ge3A_1619 : vector<16xi1>
    %add3A_1621 = arith.constant 8192 : i32
    %add3A_1622 = arith.addi %mul3A_32, %add3A_1621 : i32
    %lt3A_1623 = vector.broadcast %add3A_1622 : i32 to vector<16xi32>
    %lt3A_1624 = arith.cmpi slt, %get3A_1611, %lt3A_1623 : vector<16xi32>
    %and3A_1625 = arith.andi %and3A_1620, %lt3A_1624 : vector<16xi1>
    %sub3A_1626 = vector.broadcast %mul3A_32 : i32 to vector<16xi32>
    %sub3A_1627 = arith.subi %get3A_1611, %sub3A_1626 : vector<16xi32>
    %jit3A_1628 = arith.constant 8192 : i32
    %broadcast_in_dim3A_1629 = vector.broadcast %jit3A_1628 : i32 to vector<16xi32>
    %select_n3A_1630 = arith.select %and3A_1625, %sub3A_1627, %broadcast_in_dim3A_1629 : vector<16xi1>, vector<16xi32>
    %swap3A_1631 = arith.constant 976 : index
    %swap3A_1632 = tpu.vector_load %arg14[%swap3A_1631] {strides = array<i32>} : memref<1024xi32, #tpu.memory_space<vmem>>, vector<16xi32>,
    %swap3A_1633 = vector.shape_cast %swap3A_1632 : vector<16xi32> to vector<16xi32>
    %swap3A_1634 = vector.shape_cast %select_n3A_1630 : vector<16xi32> to vector<16xi32>
    tpu.vector_store %arg14[%swap3A_1631], %swap3A_1634 {strides = array<i32>} : memref<1024xi32, #tpu.memory_space<vmem>>, vector<16xi32>,
    %get3A_1635 = arith.constant 992 : index
    %get3A_1636 = tpu.vector_load %arg10[%get3A_1635] {strides = array<i32>} : memref<1024xi32, #tpu.memory_space<vmem>>, vector<16xi32>,
    %get3A_1637 = vector.shape_cast %get3A_1636 : vector<16xi32> to vector<16xi32>
    %get3A_1638 = arith.constant 992 : index
    %get3A_1639 = tpu.vector_load %arg13[%get3A_1638] {strides = array<i32>} : memref<1024xi32, #tpu.memory_space<vmem>>, vector<16xi32>,
    %get3A_1640 = vector.shape_cast %get3A_1639 : vector<16xi32> to vector<16xi32>
    %le3A_1641 = arith.constant 0 : i32
    %le3A_1642 = vector.broadcast %le3A_1641 : i32 to vector<16xi32>
    %le3A_1643 = arith.cmpi sle, %get3A_1640, %le3A_1642 : vector<16xi32>
    %ge3A_1644 = vector.broadcast %mul3A_32 : i32 to vector<16xi32>
    %ge3A_1645 = arith.cmpi sge, %get3A_1637, %ge3A_1644 : vector<16xi32>
    %and3A_1646 = arith.andi %le3A_1643, %ge3A_1645 : vector<16xi1>
    %add3A_1647 = arith.constant 8192 : i32
    %add3A_1648 = arith.addi %mul3A_32, %add3A_1647 : i32
    %lt3A_1649 = vector.broadcast %add3A_1648 : i32 to vector<16xi32>
    %lt3A_1650 = arith.cmpi slt, %get3A_1637, %lt3A_1649 : vector<16xi32>
    %and3A_1651 = arith.andi %and3A_1646, %lt3A_1650 : vector<16xi1>
    %sub3A_1652 = vector.broadcast %mul3A_32 : i32 to vector<16xi32>
    %sub3A_1653 = arith.subi %get3A_1637, %sub3A_1652 : vector<16xi32>
    %jit3A_1654 = arith.constant 8192 : i32
    %broadcast_in_dim3A_1655 = vector.broadcast %jit3A_1654 : i32 to vector<16xi32>
    %select_n3A_1656 = arith.select %and3A_1651, %sub3A_1653, %broadcast_in_dim3A_1655 : vector<16xi1>, vector<16xi32>
    %swap3A_1657 = arith.constant 992 : index
    %swap3A_1658 = tpu.vector_load %arg14[%swap3A_1657] {strides = array<i32>} : memref<1024xi32, #tpu.memory_space<vmem>>, vector<16xi32>,
    %swap3A_1659 = vector.shape_cast %swap3A_1658 : vector<16xi32> to vector<16xi32>
    %swap3A_1660 = vector.shape_cast %select_n3A_1656 : vector<16xi32> to vector<16xi32>
    tpu.vector_store %arg14[%swap3A_1657], %swap3A_1660 {strides = array<i32>} : memref<1024xi32, #tpu.memory_space<vmem>>, vector<16xi32>,
    %get3A_1661 = arith.constant 1008 : index
    %get3A_1662 = tpu.vector_load %arg10[%get3A_1661] {strides = array<i32>} : memref<1024xi32, #tpu.memory_space<vmem>>, vector<16xi32>,
    %get3A_1663 = vector.shape_cast %get3A_1662 : vector<16xi32> to vector<16xi32>
    %get3A_1664 = arith.constant 1008 : index
    %get3A_1665 = tpu.vector_load %arg13[%get3A_1664] {strides = array<i32>} : memref<1024xi32, #tpu.memory_space<vmem>>, vector<16xi32>,
    %get3A_1666 = vector.shape_cast %get3A_1665 : vector<16xi32> to vector<16xi32>
    %le3A_1667 = arith.constant 0 : i32
    %le3A_1668 = vector.broadcast %le3A_1667 : i32 to vector<16xi32>
    %le3A_1669 = arith.cmpi sle, %get3A_1666, %le3A_1668 : vector<16xi32>
    %ge3A_1670 = vector.broadcast %mul3A_32 : i32 to vector<16xi32>
    %ge3A_1671 = arith.cmpi sge, %get3A_1663, %ge3A_1670 : vector<16xi32>
    %and3A_1672 = arith.andi %le3A_1669, %ge3A_1671 : vector<16xi1>
    %add3A_1673 = arith.constant 8192 : i32
    %add3A_1674 = arith.addi %mul3A_32, %add3A_1673 : i32
    %lt3A_1675 = vector.broadcast %add3A_1674 : i32 to vector<16xi32>
    %lt3A_1676 = arith.cmpi slt, %get3A_1663, %lt3A_1675 : vector<16xi32>
    %and3A_1677 = arith.andi %and3A_1672, %lt3A_1676 : vector<16xi1>
    %sub3A_1678 = vector.broadcast %mul3A_32 : i32 to vector<16xi32>
    %sub3A_1679 = arith.subi %get3A_1663, %sub3A_1678 : vector<16xi32>
    %jit3A_1680 = arith.constant 8192 : i32
    %broadcast_in_dim3A_1681 = vector.broadcast %jit3A_1680 : i32 to vector<16xi32>
    %select_n3A_1682 = arith.select %and3A_1677, %sub3A_1679, %broadcast_in_dim3A_1681 : vector<16xi1>, vector<16xi32>
    %swap3A_1683 = arith.constant 1008 : index
    %swap3A_1684 = tpu.vector_load %arg14[%swap3A_1683] {strides = array<i32>} : memref<1024xi32, #tpu.memory_space<vmem>>, vector<16xi32>,
    %swap3A_1685 = vector.shape_cast %swap3A_1684 : vector<16xi32> to vector<16xi32>
    %swap3A_1686 = vector.shape_cast %select_n3A_1682 : vector<16xi32> to vector<16xi32>
    tpu.vector_store %arg14[%swap3A_1683], %swap3A_1686 {strides = array<i32>} : memref<1024xi32, #tpu.memory_space<vmem>>, vector<16xi32>,
    %barrier3A = arith.constant 0 : index
    tpu.barrier barrier_id(%barrier3A)
    %dma_start3A_1687 = arith.constant 0 : i32
    %dma_start3A_1688 = tpu.memref_slice %arg15[%dma_start3A_1687] : memref<8256xf32, #tpu.memory_space<vmem_shared>> -> memref<8256xf32, #tpu.memory_space<vmem_shared>>
    tpu.enqueue_indirect_dma source(%arg11 : memref<1024xf32, #tpu.memory_space<vmem>>) target(%dma_start3A_1688 : memref<8256xf32, #tpu.memory_space<vmem_shared>>) offsets(%arg14 : memref<1024xi32, #tpu.memory_space<vmem>>) semaphore(%arg17 : memref<!tpu.dma_semaphore, #tpu.memory_space<semaphore_mem>>)
    %dma_start3A_1689 = arith.constant 0 : i32
    %dma_start3A_1690 = tpu.memref_slice %arg16[%dma_start3A_1689] : memref<8256xf32, #tpu.memory_space<vmem_shared>> -> memref<8256xf32, #tpu.memory_space<vmem_shared>>
    tpu.enqueue_indirect_dma source(%arg12 : memref<1024xf32, #tpu.memory_space<vmem>>) target(%dma_start3A_1690 : memref<8256xf32, #tpu.memory_space<vmem_shared>>) offsets(%arg14 : memref<1024xi32, #tpu.memory_space<vmem>>) semaphore(%arg17 : memref<!tpu.dma_semaphore, #tpu.memory_space<semaphore_mem>>)
    %dma_wait3A_1691 = arith.constant 0 : i32
    %dma_wait3A_1692 = tpu.memref_slice %arg15[%dma_wait3A_1691] : memref<8256xf32, #tpu.memory_space<vmem_shared>> -> memref<8256xf32, #tpu.memory_space<vmem_shared>>
    tpu.wait_indirect_dma semaphore(%arg17 : memref<!tpu.dma_semaphore, #tpu.memory_space<semaphore_mem>>) src(%arg11 : memref<1024xf32, #tpu.memory_space<vmem>>) dst(%dma_wait3A_1692 : memref<8256xf32, #tpu.memory_space<vmem_shared>>)
    %dma_wait3A_1693 = arith.constant 0 : i32
    %dma_wait3A_1694 = tpu.memref_slice %arg16[%dma_wait3A_1693] : memref<8256xf32, #tpu.memory_space<vmem_shared>> -> memref<8256xf32, #tpu.memory_space<vmem_shared>>
    tpu.wait_indirect_dma semaphore(%arg17 : memref<!tpu.dma_semaphore, #tpu.memory_space<semaphore_mem>>) src(%arg12 : memref<1024xf32, #tpu.memory_space<vmem>>) dst(%dma_wait3A_1694 : memref<8256xf32, #tpu.memory_space<vmem_shared>>)
    %barrier3A_1695 = arith.constant 0 : index
    tpu.barrier barrier_id(%barrier3A_1695)
    %mul3A_1696 = arith.constant 512 : i32
    %mul3A_1697 = arith.muli %arg1, %mul3A_1696 : i32
    %dma_start3A_1698 = tpu.memref_slice %arg6[%add3A] : memref<1000000xf32, #tpu.memory_space<hbm>> -> memref<512xf32, #tpu.memory_space<hbm>>
    %dma_start3A_1699 = tpu.memref_slice %arg15[%mul3A_1697] : memref<8256xf32, #tpu.memory_space<vmem_shared>> -> memref<512xf32, #tpu.memory_space<vmem_shared>>
    tpu.enqueue_dma source(%dma_start3A_1699 : memref<512xf32, #tpu.memory_space<vmem_shared>>) target(%dma_start3A_1698 : memref<512xf32, #tpu.memory_space<hbm>>) target_semaphore(%arg17 : memref<!tpu.dma_semaphore, #tpu.memory_space<semaphore_mem>>)
    %mul3A_1700 = arith.constant 512 : i32
    %mul3A_1701 = arith.muli %arg1, %mul3A_1700 : i32
    %dma_start3A_1702 = tpu.memref_slice %arg7[%add3A] : memref<1000000xf32, #tpu.memory_space<hbm>> -> memref<512xf32, #tpu.memory_space<hbm>>
    %dma_start3A_1703 = tpu.memref_slice %arg16[%mul3A_1701] : memref<8256xf32, #tpu.memory_space<vmem_shared>> -> memref<512xf32, #tpu.memory_space<vmem_shared>>
    tpu.enqueue_dma source(%dma_start3A_1703 : memref<512xf32, #tpu.memory_space<vmem_shared>>) target(%dma_start3A_1702 : memref<512xf32, #tpu.memory_space<hbm>>) target_semaphore(%arg17 : memref<!tpu.dma_semaphore, #tpu.memory_space<semaphore_mem>>)
    %dma_wait3A_1704 = tpu.memref_slice %arg6[%add3A] : memref<1000000xf32, #tpu.memory_space<hbm>> -> memref<512xf32, #tpu.memory_space<hbm>>
    %dma_wait3A_1705 = tpu.memref_slice %arg15[%mul3A_1697] : memref<8256xf32, #tpu.memory_space<vmem_shared>> -> memref<512xf32, #tpu.memory_space<vmem_shared>>
    tpu.wait_dma2 semaphore(%arg17 : memref<!tpu.dma_semaphore, #tpu.memory_space<semaphore_mem>>) src(%dma_wait3A_1705 : memref<512xf32, #tpu.memory_space<vmem_shared>>) dst(%dma_wait3A_1704 : memref<512xf32, #tpu.memory_space<hbm>>)
    %dma_wait3A_1706 = tpu.memref_slice %arg7[%add3A] : memref<1000000xf32, #tpu.memory_space<hbm>> -> memref<512xf32, #tpu.memory_space<hbm>>
    %dma_wait3A_1707 = tpu.memref_slice %arg16[%mul3A_1701] : memref<8256xf32, #tpu.memory_space<vmem_shared>> -> memref<512xf32, #tpu.memory_space<vmem_shared>>
    tpu.wait_dma2 semaphore(%arg17 : memref<!tpu.dma_semaphore, #tpu.memory_space<semaphore_mem>>) src(%dma_wait3A_1707 : memref<512xf32, #tpu.memory_space<vmem_shared>>) dst(%dma_wait3A_1706 : memref<512xf32, #tpu.memory_space<hbm>>)
    return
  }
}

module attributes {stable_mosaic.version = 14 : i64} {
  func.func @_tc_body(%arg0: i32, %arg1: memref<1024x128xf32, #tpu.memory_space<vmem>>, %arg2: memref<1024x128xf32, #tpu.memory_space<vmem>>, %arg3: memref<1x128xf32, #tpu.memory_space<vmem>>, %arg4: memref<1x128xf32, #tpu.memory_space<vmem>>, %arg5: memref<1x1xf32, #tpu.memory_space<vmem>>, %arg6: memref<128x128xi32, #tpu.memory_space<vmem>>, %arg7: memref<1x1024xf32, #tpu.memory_space<vmem>>, %arg8: memref<128x128xi32, #tpu.memory_space<vmem>>) attributes {dimension_semantics = [#tpu.dimension_semantics<arbitrary>], iteration_bounds = array<i64: 16>, scalar_prefetch = 0 : i64, scratch_operands = 0 : i64, tpu.core_type = #tpu.core_type<tc>, window_params = [{transform_indices = @transform_0, window_bounds = array<i64: 1024, 128>}, {transform_indices = @transform_1, window_bounds = array<i64: 1024, 128>}, {pipeline_mode = #tpu.pipeline_mode<synchronous>, transform_indices = @transform_2, window_bounds = array<i64: 1, 128>}, {pipeline_mode = #tpu.pipeline_mode<synchronous>, transform_indices = @transform_3, window_bounds = array<i64: 1, 128>}, {pipeline_mode = #tpu.pipeline_mode<synchronous>, transform_indices = @transform_4, window_bounds = array<i64: 1, 1>}, {pipeline_mode = #tpu.pipeline_mode<synchronous>, transform_indices = @transform_5, window_bounds = array<i64: 128, 128>}, {transform_indices = @transform_6, window_bounds = array<i64: 1, 1024>}, {pipeline_mode = #tpu.pipeline_mode<synchronous>, transform_indices = @transform_7, window_bounds = array<i64: 128, 128>}]} {
    %get3A = arith.constant 0 : index
    %get3A_0 = arith.constant 0 : index
    %get3A_1 = vector.load %arg1[%get3A, %get3A_0] : memref<1024x128xf32, #tpu.memory_space<vmem>>, vector<1024x128xf32>
    %get3A_2 = arith.constant 0 : index
    %get3A_3 = arith.constant 0 : index
    %get3A_4 = vector.load %arg2[%get3A_2, %get3A_3] : memref<1024x128xf32, #tpu.memory_space<vmem>>, vector<1024x128xf32>
    %broadcast_in_dim3A = arith.constant 1.000000e+00 : f32
    %broadcast_in_dim3A_5 = vector.broadcast %broadcast_in_dim3A : f32 to vector<1x128xf32>
    %get3A_6 = arith.constant 0 : index
    %get3A_7 = arith.constant 0 : index
    %get3A_8 = vector.load %arg3[%get3A_6, %get3A_7] : memref<1x128xf32, #tpu.memory_space<vmem>>, vector<1x128xf32>
    %dot_general3A = arith.constant dense<0.000000e+00> : vector<1x1024xf32>
    %dot_general3A_9 = tpu.matmul %get3A_8, %get3A_1, %dot_general3A {dimension_numbers = #tpu.dot_dimension_numbers<[1], [1], [0], [0], [0, 0, 1, 0], [], []>, transpose_lhs_hint = false} : vector<1x128xf32>, vector<1024x128xf32>, vector<1x1024xf32> -> vector<1x1024xf32>
    %mul3A = arith.mulf %get3A_1, %get3A_1 : vector<1024x128xf32>
    %dot_general3A_10 = arith.constant dense<0.000000e+00> : vector<1x1024xf32>
    %dot_general3A_11 = tpu.matmul %broadcast_in_dim3A_5, %mul3A, %dot_general3A_10 {dimension_numbers = #tpu.dot_dimension_numbers<[1], [1], [0], [0], [0, 0, 1, 0], [], []>, transpose_lhs_hint = false} : vector<1x128xf32>, vector<1024x128xf32>, vector<1x1024xf32> -> vector<1x1024xf32>
    %get3A_12 = arith.constant 0 : index
    %get3A_13 = arith.constant 0 : index
    %get3A_14 = vector.load %arg4[%get3A_12, %get3A_13] : memref<1x128xf32, #tpu.memory_space<vmem>>, vector<1x128xf32>
    %dot_general3A_15 = arith.constant dense<0.000000e+00> : vector<1x1024xf32>
    %dot_general3A_16 = tpu.matmul %get3A_14, %get3A_4, %dot_general3A_15 {dimension_numbers = #tpu.dot_dimension_numbers<[1], [1], [0], [0], [0, 0, 1, 0], [], []>, transpose_lhs_hint = false} : vector<1x128xf32>, vector<1024x128xf32>, vector<1x1024xf32> -> vector<1x1024xf32>
    %mul3A_17 = arith.mulf %get3A_4, %get3A_4 : vector<1024x128xf32>
    %dot_general3A_18 = arith.constant dense<0.000000e+00> : vector<1x1024xf32>
    %dot_general3A_19 = tpu.matmul %broadcast_in_dim3A_5, %mul3A_17, %dot_general3A_18 {dimension_numbers = #tpu.dot_dimension_numbers<[1], [1], [0], [0], [0, 0, 1, 0], [], []>, transpose_lhs_hint = false} : vector<1x128xf32>, vector<1024x128xf32>, vector<1x1024xf32> -> vector<1x1024xf32>
    %sqrt3A = math.sqrt %dot_general3A_11 : vector<1x1024xf32>
    %max3A = arith.constant 9.99999996E-13 : f32
    %max3A_20 = vector.broadcast %max3A : f32 to vector<1x1024xf32>
    %max3A_21 = arith.maximumf %sqrt3A, %max3A_20 : vector<1x1024xf32>
    %sqrt3A_22 = math.sqrt %dot_general3A_19 : vector<1x1024xf32>
    %max3A_23 = arith.constant 9.99999996E-13 : f32
    %max3A_24 = vector.broadcast %max3A_23 : f32 to vector<1x1024xf32>
    %max3A_25 = arith.maximumf %sqrt3A_22, %max3A_24 : vector<1x1024xf32>
    %div3A = arith.divf %dot_general3A_9, %max3A_21 : vector<1x1024xf32>
    %div3A_26 = arith.divf %dot_general3A_16, %max3A_25 : vector<1x1024xf32>
    %add3A = arith.addf %div3A, %div3A_26 : vector<1x1024xf32>
    %get3A_27 = arith.constant 0 : index
    %get3A_28 = arith.constant 0 : index
    %get3A_29 = vector.load %arg5[%get3A_27, %get3A_28] : memref<1x1xf32, #tpu.memory_space<vmem>>, vector<1x1xf32>
    %get3A_30 = vector.extract %get3A_29[0, 0] : f32 from vector<1x1xf32>
    %add3A_31 = vector.broadcast %get3A_30 : f32 to vector<1x1024xf32>
    %add3A_32 = arith.addf %add3A, %add3A_31 : vector<1x1024xf32>
    %swap3A = arith.constant 0 : index
    %swap3A_33 = arith.constant 0 : index
    %swap3A_34 = vector.load %arg7[%swap3A, %swap3A_33] : memref<1x1024xf32, #tpu.memory_space<vmem>>, vector<1x1024xf32>
    tpu.vector_store %arg7[%swap3A, %swap3A_33], %add3A_32 {strides = array<i32>} : memref<1x1024xf32, #tpu.memory_space<vmem>>, vector<1x1024xf32>,
    %eq3A = arith.constant 0 : i32
    %eq3A_35 = arith.cmpi eq, %arg0, %eq3A : i32
    %convert_element_type3A = arith.extui %eq3A_35 : i1 to i32
    %cond3A = arith.constant 0 : i32
    %cond3A_36 = arith.cmpi ne, %convert_element_type3A, %cond3A : i32
    scf.if %cond3A_36 {
      %get3A_37 = arith.constant 0 : index
      %get3A_38 = arith.constant 0 : index
      %get3A_39 = vector.load %arg6[%get3A_37, %get3A_38] : memref<128x128xi32, #tpu.memory_space<vmem>>, vector<128x128xi32>
      %le3A = arith.constant 0 : i32
      %le3A_40 = vector.broadcast %le3A : i32 to vector<128x128xi32>
      %le3A_41 = arith.cmpi sle, %get3A_39, %le3A_40 : vector<128x128xi32>
      %convert_element_type3A_42 = arith.extui %le3A_41 : vector<128x128xi1> to vector<128x128xi32>
      %broadcast_in_dim3A_43 = arith.constant 0 : i32
      %broadcast_in_dim3A_44 = vector.broadcast %broadcast_in_dim3A_43 : i32 to vector<128x1xi32>
      %slice3A = vector.extract_strided_slice %convert_element_type3A_42 {offsets = [0, 0], sizes = [128, 127], strides = [1, 1]} : vector<128x128xi32> to vector<128x127xi32>
      %concatenate3A = tpu.concatenate %broadcast_in_dim3A_44, %slice3A in 1 : vector<128x1xi32>, vector<128x127xi32> -> vector<128x128xi32>
      %add3A_45 = arith.addi %convert_element_type3A_42, %concatenate3A : vector<128x128xi32>
      %broadcast_in_dim3A_46 = arith.constant 0 : i32
      %broadcast_in_dim3A_47 = vector.broadcast %broadcast_in_dim3A_46 : i32 to vector<128x2xi32>
      %slice3A_48 = vector.extract_strided_slice %add3A_45 {offsets = [0, 0], sizes = [128, 126], strides = [1, 1]} : vector<128x128xi32> to vector<128x126xi32>
      %concatenate3A_49 = tpu.concatenate %broadcast_in_dim3A_47, %slice3A_48 in 1 : vector<128x2xi32>, vector<128x126xi32> -> vector<128x128xi32>
      %add3A_50 = arith.addi %add3A_45, %concatenate3A_49 : vector<128x128xi32>
      %broadcast_in_dim3A_51 = arith.constant 0 : i32
      %broadcast_in_dim3A_52 = vector.broadcast %broadcast_in_dim3A_51 : i32 to vector<128x4xi32>
      %slice3A_53 = vector.extract_strided_slice %add3A_50 {offsets = [0, 0], sizes = [128, 124], strides = [1, 1]} : vector<128x128xi32> to vector<128x124xi32>
      %concatenate3A_54 = tpu.concatenate %broadcast_in_dim3A_52, %slice3A_53 in 1 : vector<128x4xi32>, vector<128x124xi32> -> vector<128x128xi32>
      %add3A_55 = arith.addi %add3A_50, %concatenate3A_54 : vector<128x128xi32>
      %broadcast_in_dim3A_56 = arith.constant 0 : i32
      %broadcast_in_dim3A_57 = vector.broadcast %broadcast_in_dim3A_56 : i32 to vector<128x8xi32>
      %slice3A_58 = vector.extract_strided_slice %add3A_55 {offsets = [0, 0], sizes = [128, 120], strides = [1, 1]} : vector<128x128xi32> to vector<128x120xi32>
      %concatenate3A_59 = tpu.concatenate %broadcast_in_dim3A_57, %slice3A_58 in 1 : vector<128x8xi32>, vector<128x120xi32> -> vector<128x128xi32>
      %add3A_60 = arith.addi %add3A_55, %concatenate3A_59 : vector<128x128xi32>
      %broadcast_in_dim3A_61 = arith.constant 0 : i32
      %broadcast_in_dim3A_62 = vector.broadcast %broadcast_in_dim3A_61 : i32 to vector<128x16xi32>
      %slice3A_63 = vector.extract_strided_slice %add3A_60 {offsets = [0, 0], sizes = [128, 112], strides = [1, 1]} : vector<128x128xi32> to vector<128x112xi32>
      %concatenate3A_64 = tpu.concatenate %broadcast_in_dim3A_62, %slice3A_63 in 1 : vector<128x16xi32>, vector<128x112xi32> -> vector<128x128xi32>
      %add3A_65 = arith.addi %add3A_60, %concatenate3A_64 : vector<128x128xi32>
      %broadcast_in_dim3A_66 = arith.constant 0 : i32
      %broadcast_in_dim3A_67 = vector.broadcast %broadcast_in_dim3A_66 : i32 to vector<128x32xi32>
      %slice3A_68 = vector.extract_strided_slice %add3A_65 {offsets = [0, 0], sizes = [128, 96], strides = [1, 1]} : vector<128x128xi32> to vector<128x96xi32>
      %concatenate3A_69 = tpu.concatenate %broadcast_in_dim3A_67, %slice3A_68 in 1 : vector<128x32xi32>, vector<128x96xi32> -> vector<128x128xi32>
      %add3A_70 = arith.addi %add3A_65, %concatenate3A_69 : vector<128x128xi32>
      %broadcast_in_dim3A_71 = arith.constant 0 : i32
      %broadcast_in_dim3A_72 = vector.broadcast %broadcast_in_dim3A_71 : i32 to vector<128x64xi32>
      %slice3A_73 = vector.extract_strided_slice %add3A_70 {offsets = [0, 0], sizes = [128, 64], strides = [1, 1]} : vector<128x128xi32> to vector<128x64xi32>
      %concatenate3A_74 = tpu.concatenate %broadcast_in_dim3A_72, %slice3A_73 in 1 : vector<128x64xi32>, vector<128x64xi32> -> vector<128x128xi32>
      %add3A_75 = arith.addi %add3A_70, %concatenate3A_74 : vector<128x128xi32>
      %slice3A_76 = vector.extract_strided_slice %add3A_75 {offsets = [0, 127], sizes = [128, 1], strides = [1, 1]} : vector<128x128xi32> to vector<128x1xi32>
      %broadcast_in_dim3A_77 = arith.constant 0 : i32
      %broadcast_in_dim3A_78 = vector.broadcast %broadcast_in_dim3A_77 : i32 to vector<1x1xi32>
      %slice3A_79 = vector.extract_strided_slice %slice3A_76 {offsets = [0, 0], sizes = [127, 1], strides = [1, 1]} : vector<128x1xi32> to vector<127x1xi32>
      %concatenate3A_80 = tpu.concatenate %broadcast_in_dim3A_78, %slice3A_79 in 0 : vector<1x1xi32>, vector<127x1xi32> -> vector<128x1xi32>
      %add3A_81 = arith.addi %slice3A_76, %concatenate3A_80 : vector<128x1xi32>
      %broadcast_in_dim3A_82 = arith.constant 0 : i32
      %broadcast_in_dim3A_83 = vector.broadcast %broadcast_in_dim3A_82 : i32 to vector<2x1xi32>
      %slice3A_84 = vector.extract_strided_slice %add3A_81 {offsets = [0, 0], sizes = [126, 1], strides = [1, 1]} : vector<128x1xi32> to vector<126x1xi32>
      %concatenate3A_85 = tpu.concatenate %broadcast_in_dim3A_83, %slice3A_84 in 0 : vector<2x1xi32>, vector<126x1xi32> -> vector<128x1xi32>
      %add3A_86 = arith.addi %add3A_81, %concatenate3A_85 : vector<128x1xi32>
      %broadcast_in_dim3A_87 = arith.constant 0 : i32
      %broadcast_in_dim3A_88 = vector.broadcast %broadcast_in_dim3A_87 : i32 to vector<4x1xi32>
      %slice3A_89 = vector.extract_strided_slice %add3A_86 {offsets = [0, 0], sizes = [124, 1], strides = [1, 1]} : vector<128x1xi32> to vector<124x1xi32>
      %concatenate3A_90 = tpu.concatenate %broadcast_in_dim3A_88, %slice3A_89 in 0 : vector<4x1xi32>, vector<124x1xi32> -> vector<128x1xi32>
      %add3A_91 = arith.addi %add3A_86, %concatenate3A_90 : vector<128x1xi32>
      %broadcast_in_dim3A_92 = arith.constant 0 : i32
      %broadcast_in_dim3A_93 = vector.broadcast %broadcast_in_dim3A_92 : i32 to vector<8x1xi32>
      %slice3A_94 = vector.extract_strided_slice %add3A_91 {offsets = [0, 0], sizes = [120, 1], strides = [1, 1]} : vector<128x1xi32> to vector<120x1xi32>
      %concatenate3A_95 = tpu.concatenate %broadcast_in_dim3A_93, %slice3A_94 in 0 : vector<8x1xi32>, vector<120x1xi32> -> vector<128x1xi32>
      %add3A_96 = arith.addi %add3A_91, %concatenate3A_95 : vector<128x1xi32>
      %broadcast_in_dim3A_97 = arith.constant 0 : i32
      %broadcast_in_dim3A_98 = vector.broadcast %broadcast_in_dim3A_97 : i32 to vector<16x1xi32>
      %slice3A_99 = vector.extract_strided_slice %add3A_96 {offsets = [0, 0], sizes = [112, 1], strides = [1, 1]} : vector<128x1xi32> to vector<112x1xi32>
      %concatenate3A_100 = tpu.concatenate %broadcast_in_dim3A_98, %slice3A_99 in 0 : vector<16x1xi32>, vector<112x1xi32> -> vector<128x1xi32>
      %add3A_101 = arith.addi %add3A_96, %concatenate3A_100 : vector<128x1xi32>
      %broadcast_in_dim3A_102 = arith.constant 0 : i32
      %broadcast_in_dim3A_103 = vector.broadcast %broadcast_in_dim3A_102 : i32 to vector<32x1xi32>
      %slice3A_104 = vector.extract_strided_slice %add3A_101 {offsets = [0, 0], sizes = [96, 1], strides = [1, 1]} : vector<128x1xi32> to vector<96x1xi32>
      %concatenate3A_105 = tpu.concatenate %broadcast_in_dim3A_103, %slice3A_104 in 0 : vector<32x1xi32>, vector<96x1xi32> -> vector<128x1xi32>
      %add3A_106 = arith.addi %add3A_101, %concatenate3A_105 : vector<128x1xi32>
      %broadcast_in_dim3A_107 = arith.constant 0 : i32
      %broadcast_in_dim3A_108 = vector.broadcast %broadcast_in_dim3A_107 : i32 to vector<64x1xi32>
      %slice3A_109 = vector.extract_strided_slice %add3A_106 {offsets = [0, 0], sizes = [64, 1], strides = [1, 1]} : vector<128x1xi32> to vector<64x1xi32>
      %concatenate3A_110 = tpu.concatenate %broadcast_in_dim3A_108, %slice3A_109 in 0 : vector<64x1xi32>, vector<64x1xi32> -> vector<128x1xi32>
      %add3A_111 = arith.addi %add3A_106, %concatenate3A_110 : vector<128x1xi32>
      %sub3A = arith.subi %add3A_111, %slice3A_76 : vector<128x1xi32>
      %slice3A_112 = vector.extract_strided_slice %add3A_111 {offsets = [127, 0], sizes = [1, 1], strides = [1, 1]} : vector<128x1xi32> to vector<1x1xi32>
      %sub3A_113 = arith.constant 1 : i32
      %sub3A_114 = vector.broadcast %sub3A_113 : i32 to vector<128x128xi32>
      %sub3A_115 = arith.subi %sub3A_114, %convert_element_type3A_42 : vector<128x128xi32>
      %broadcast_in_dim3A_116 = arith.constant 0 : i32
      %broadcast_in_dim3A_117 = vector.broadcast %broadcast_in_dim3A_116 : i32 to vector<128x1xi32>
      %slice3A_118 = vector.extract_strided_slice %sub3A_115 {offsets = [0, 0], sizes = [128, 127], strides = [1, 1]} : vector<128x128xi32> to vector<128x127xi32>
      %concatenate3A_119 = tpu.concatenate %broadcast_in_dim3A_117, %slice3A_118 in 1 : vector<128x1xi32>, vector<128x127xi32> -> vector<128x128xi32>
      %add3A_120 = arith.addi %sub3A_115, %concatenate3A_119 : vector<128x128xi32>
      %broadcast_in_dim3A_121 = arith.constant 0 : i32
      %broadcast_in_dim3A_122 = vector.broadcast %broadcast_in_dim3A_121 : i32 to vector<128x2xi32>
      %slice3A_123 = vector.extract_strided_slice %add3A_120 {offsets = [0, 0], sizes = [128, 126], strides = [1, 1]} : vector<128x128xi32> to vector<128x126xi32>
      %concatenate3A_124 = tpu.concatenate %broadcast_in_dim3A_122, %slice3A_123 in 1 : vector<128x2xi32>, vector<128x126xi32> -> vector<128x128xi32>
      %add3A_125 = arith.addi %add3A_120, %concatenate3A_124 : vector<128x128xi32>
      %broadcast_in_dim3A_126 = arith.constant 0 : i32
      %broadcast_in_dim3A_127 = vector.broadcast %broadcast_in_dim3A_126 : i32 to vector<128x4xi32>
      %slice3A_128 = vector.extract_strided_slice %add3A_125 {offsets = [0, 0], sizes = [128, 124], strides = [1, 1]} : vector<128x128xi32> to vector<128x124xi32>
      %concatenate3A_129 = tpu.concatenate %broadcast_in_dim3A_127, %slice3A_128 in 1 : vector<128x4xi32>, vector<128x124xi32> -> vector<128x128xi32>
      %add3A_130 = arith.addi %add3A_125, %concatenate3A_129 : vector<128x128xi32>
      %broadcast_in_dim3A_131 = arith.constant 0 : i32
      %broadcast_in_dim3A_132 = vector.broadcast %broadcast_in_dim3A_131 : i32 to vector<128x8xi32>
      %slice3A_133 = vector.extract_strided_slice %add3A_130 {offsets = [0, 0], sizes = [128, 120], strides = [1, 1]} : vector<128x128xi32> to vector<128x120xi32>
      %concatenate3A_134 = tpu.concatenate %broadcast_in_dim3A_132, %slice3A_133 in 1 : vector<128x8xi32>, vector<128x120xi32> -> vector<128x128xi32>
      %add3A_135 = arith.addi %add3A_130, %concatenate3A_134 : vector<128x128xi32>
      %broadcast_in_dim3A_136 = arith.constant 0 : i32
      %broadcast_in_dim3A_137 = vector.broadcast %broadcast_in_dim3A_136 : i32 to vector<128x16xi32>
      %slice3A_138 = vector.extract_strided_slice %add3A_135 {offsets = [0, 0], sizes = [128, 112], strides = [1, 1]} : vector<128x128xi32> to vector<128x112xi32>
      %concatenate3A_139 = tpu.concatenate %broadcast_in_dim3A_137, %slice3A_138 in 1 : vector<128x16xi32>, vector<128x112xi32> -> vector<128x128xi32>
      %add3A_140 = arith.addi %add3A_135, %concatenate3A_139 : vector<128x128xi32>
      %broadcast_in_dim3A_141 = arith.constant 0 : i32
      %broadcast_in_dim3A_142 = vector.broadcast %broadcast_in_dim3A_141 : i32 to vector<128x32xi32>
      %slice3A_143 = vector.extract_strided_slice %add3A_140 {offsets = [0, 0], sizes = [128, 96], strides = [1, 1]} : vector<128x128xi32> to vector<128x96xi32>
      %concatenate3A_144 = tpu.concatenate %broadcast_in_dim3A_142, %slice3A_143 in 1 : vector<128x32xi32>, vector<128x96xi32> -> vector<128x128xi32>
      %add3A_145 = arith.addi %add3A_140, %concatenate3A_144 : vector<128x128xi32>
      %broadcast_in_dim3A_146 = arith.constant 0 : i32
      %broadcast_in_dim3A_147 = vector.broadcast %broadcast_in_dim3A_146 : i32 to vector<128x64xi32>
      %slice3A_148 = vector.extract_strided_slice %add3A_145 {offsets = [0, 0], sizes = [128, 64], strides = [1, 1]} : vector<128x128xi32> to vector<128x64xi32>
      %concatenate3A_149 = tpu.concatenate %broadcast_in_dim3A_147, %slice3A_148 in 1 : vector<128x64xi32>, vector<128x64xi32> -> vector<128x128xi32>
      %add3A_150 = arith.addi %add3A_145, %concatenate3A_149 : vector<128x128xi32>
      %slice3A_151 = vector.extract_strided_slice %add3A_150 {offsets = [0, 127], sizes = [128, 1], strides = [1, 1]} : vector<128x128xi32> to vector<128x1xi32>
      %broadcast_in_dim3A_152 = arith.constant 0 : i32
      %broadcast_in_dim3A_153 = vector.broadcast %broadcast_in_dim3A_152 : i32 to vector<1x1xi32>
      %slice3A_154 = vector.extract_strided_slice %slice3A_151 {offsets = [0, 0], sizes = [127, 1], strides = [1, 1]} : vector<128x1xi32> to vector<127x1xi32>
      %concatenate3A_155 = tpu.concatenate %broadcast_in_dim3A_153, %slice3A_154 in 0 : vector<1x1xi32>, vector<127x1xi32> -> vector<128x1xi32>
      %add3A_156 = arith.addi %slice3A_151, %concatenate3A_155 : vector<128x1xi32>
      %broadcast_in_dim3A_157 = arith.constant 0 : i32
      %broadcast_in_dim3A_158 = vector.broadcast %broadcast_in_dim3A_157 : i32 to vector<2x1xi32>
      %slice3A_159 = vector.extract_strided_slice %add3A_156 {offsets = [0, 0], sizes = [126, 1], strides = [1, 1]} : vector<128x1xi32> to vector<126x1xi32>
      %concatenate3A_160 = tpu.concatenate %broadcast_in_dim3A_158, %slice3A_159 in 0 : vector<2x1xi32>, vector<126x1xi32> -> vector<128x1xi32>
      %add3A_161 = arith.addi %add3A_156, %concatenate3A_160 : vector<128x1xi32>
      %broadcast_in_dim3A_162 = arith.constant 0 : i32
      %broadcast_in_dim3A_163 = vector.broadcast %broadcast_in_dim3A_162 : i32 to vector<4x1xi32>
      %slice3A_164 = vector.extract_strided_slice %add3A_161 {offsets = [0, 0], sizes = [124, 1], strides = [1, 1]} : vector<128x1xi32> to vector<124x1xi32>
      %concatenate3A_165 = tpu.concatenate %broadcast_in_dim3A_163, %slice3A_164 in 0 : vector<4x1xi32>, vector<124x1xi32> -> vector<128x1xi32>
      %add3A_166 = arith.addi %add3A_161, %concatenate3A_165 : vector<128x1xi32>
      %broadcast_in_dim3A_167 = arith.constant 0 : i32
      %broadcast_in_dim3A_168 = vector.broadcast %broadcast_in_dim3A_167 : i32 to vector<8x1xi32>
      %slice3A_169 = vector.extract_strided_slice %add3A_166 {offsets = [0, 0], sizes = [120, 1], strides = [1, 1]} : vector<128x1xi32> to vector<120x1xi32>
      %concatenate3A_170 = tpu.concatenate %broadcast_in_dim3A_168, %slice3A_169 in 0 : vector<8x1xi32>, vector<120x1xi32> -> vector<128x1xi32>
      %add3A_171 = arith.addi %add3A_166, %concatenate3A_170 : vector<128x1xi32>
      %broadcast_in_dim3A_172 = arith.constant 0 : i32
      %broadcast_in_dim3A_173 = vector.broadcast %broadcast_in_dim3A_172 : i32 to vector<16x1xi32>
      %slice3A_174 = vector.extract_strided_slice %add3A_171 {offsets = [0, 0], sizes = [112, 1], strides = [1, 1]} : vector<128x1xi32> to vector<112x1xi32>
      %concatenate3A_175 = tpu.concatenate %broadcast_in_dim3A_173, %slice3A_174 in 0 : vector<16x1xi32>, vector<112x1xi32> -> vector<128x1xi32>
      %add3A_176 = arith.addi %add3A_171, %concatenate3A_175 : vector<128x1xi32>
      %broadcast_in_dim3A_177 = arith.constant 0 : i32
      %broadcast_in_dim3A_178 = vector.broadcast %broadcast_in_dim3A_177 : i32 to vector<32x1xi32>
      %slice3A_179 = vector.extract_strided_slice %add3A_176 {offsets = [0, 0], sizes = [96, 1], strides = [1, 1]} : vector<128x1xi32> to vector<96x1xi32>
      %concatenate3A_180 = tpu.concatenate %broadcast_in_dim3A_178, %slice3A_179 in 0 : vector<32x1xi32>, vector<96x1xi32> -> vector<128x1xi32>
      %add3A_181 = arith.addi %add3A_176, %concatenate3A_180 : vector<128x1xi32>
      %broadcast_in_dim3A_182 = arith.constant 0 : i32
      %broadcast_in_dim3A_183 = vector.broadcast %broadcast_in_dim3A_182 : i32 to vector<64x1xi32>
      %slice3A_184 = vector.extract_strided_slice %add3A_181 {offsets = [0, 0], sizes = [64, 1], strides = [1, 1]} : vector<128x1xi32> to vector<64x1xi32>
      %concatenate3A_185 = tpu.concatenate %broadcast_in_dim3A_183, %slice3A_184 in 0 : vector<64x1xi32>, vector<64x1xi32> -> vector<128x1xi32>
      %add3A_186 = arith.addi %add3A_181, %concatenate3A_185 : vector<128x1xi32>
      %sub3A_187 = arith.subi %add3A_186, %slice3A_151 : vector<128x1xi32>
      %eq3A_188 = arith.constant 1 : i32
      %eq3A_189 = vector.broadcast %eq3A_188 : i32 to vector<128x128xi32>
      %eq3A_190 = arith.cmpi eq, %convert_element_type3A_42, %eq3A_189 : vector<128x128xi32>
      %add3A_191 = vector.broadcast %sub3A : vector<128x1xi32> to vector<128x128xi32>
      %add3A_192 = arith.addi %add3A_191, %add3A_75 : vector<128x128xi32>
      %sub3A_193 = arith.constant 1 : i32
      %sub3A_194 = vector.broadcast %sub3A_193 : i32 to vector<128x128xi32>
      %sub3A_195 = arith.subi %add3A_192, %sub3A_194 : vector<128x128xi32>
      %add3A_196 = vector.broadcast %slice3A_112 : vector<1x1xi32> to vector<128x1xi32>
      %add3A_197 = arith.addi %add3A_196, %sub3A_187 : vector<128x1xi32>
      %add3A_198 = vector.broadcast %add3A_197 : vector<128x1xi32> to vector<128x128xi32>
      %add3A_199 = arith.addi %add3A_198, %add3A_150 : vector<128x128xi32>
      %sub3A_200 = arith.constant 1 : i32
      %sub3A_201 = vector.broadcast %sub3A_200 : i32 to vector<128x128xi32>
      %sub3A_202 = arith.subi %add3A_199, %sub3A_201 : vector<128x128xi32>
      %select_n3A = arith.select %eq3A_190, %sub3A_195, %sub3A_202 : vector<128x128xi1>, vector<128x128xi32>
      %swap3A_203 = arith.constant 0 : index
      %swap3A_204 = arith.constant 0 : index
      %swap3A_205 = vector.load %arg8[%swap3A_203, %swap3A_204] : memref<128x128xi32, #tpu.memory_space<vmem>>, vector<128x128xi32>
      tpu.vector_store %arg8[%swap3A_203, %swap3A_204], %select_n3A {strides = array<i32>} : memref<128x128xi32, #tpu.memory_space<vmem>>, vector<128x128xi32>,
    } else {
    }
    return
  }
  func.func @transform_0(%arg0: i32) -> (i32, i32) {
    %c0_i32 = arith.constant 0 : i32
    %c0_i32_0 = arith.constant 0 : i32
    return %arg0, %c0_i32 : i32, i32
  }
  func.func @transform_1(%arg0: i32) -> (i32, i32) {
    %c0_i32 = arith.constant 0 : i32
    %c0_i32_0 = arith.constant 0 : i32
    return %arg0, %c0_i32 : i32, i32
  }
  func.func @transform_2(%arg0: i32) -> (i32, i32) {
    %c0_i32 = arith.constant 0 : i32
    %c0_i32_0 = arith.constant 0 : i32
    %c0_i32_1 = arith.constant 0 : i32
    return %c0_i32, %c0_i32_0 : i32, i32
  }
  func.func @transform_3(%arg0: i32) -> (i32, i32) {
    %c0_i32 = arith.constant 0 : i32
    %c0_i32_0 = arith.constant 0 : i32
    %c0_i32_1 = arith.constant 0 : i32
    return %c0_i32, %c0_i32_0 : i32, i32
  }
  func.func @transform_4(%arg0: i32) -> (i32, i32) {
    %c0_i32 = arith.constant 0 : i32
    %c0_i32_0 = arith.constant 0 : i32
    %c0_i32_1 = arith.constant 0 : i32
    return %c0_i32, %c0_i32_0 : i32, i32
  }
  func.func @transform_5(%arg0: i32) -> (i32, i32) {
    %c0_i32 = arith.constant 0 : i32
    %c0_i32_0 = arith.constant 0 : i32
    %c0_i32_1 = arith.constant 0 : i32
    return %c0_i32, %c0_i32_0 : i32, i32
  }
  func.func @transform_6(%arg0: i32) -> (i32, i32) {
    %c0_i32 = arith.constant 0 : i32
    %c0_i32_0 = arith.constant 0 : i32
    return %c0_i32, %arg0 : i32, i32
  }
  func.func @transform_7(%arg0: i32) -> (i32, i32) {
    %c0_i32 = arith.constant 0 : i32
    %c0_i32_0 = arith.constant 0 : i32
    %c0_i32_1 = arith.constant 0 : i32
    return %c0_i32, %c0_i32_0 : i32, i32
  }
}

</mosaic_0001>

<sc_bundles>
// kernel: kernel.4.cloned.1.call-start
scs
__scs_entry_jumppad:
0x0: {  	(pc) =	sbr.rel $0x88, $3  }
0x1: {  	(tag) =	ssettag $0x0;
	lr =	simm.s32 $0x1  }
0x2: {  	[smem:$0x3F97] =	sst lr;
	_ =	strace $0xD0000000  }
0x3: {  	_ = 	snop  }
0x4: {  	_ = 	snop  }
0x5: {  	_ = 	snop  }
0x6: {  	_ = 	snop  }
0x7: {  	_ = 	snop  }
__scs_overlays_trampoline_lowered:
0x8: {  	[smem:$0x3FA6] =	sst s0  }
0x9: {  	[smem:$0x3FA7] =	sst s1  }
0xa: {  	[smem:$0x3FA8] =	sst s2  }
0xb: {  	[smem:$0x3FA9] =	sst s3  }
0xc: {  	[smem:$0x3FAA] =	sst s4  }
0xd: {  	[smem:$0x3FAB] =	sst s5  }
0xe: {  	[smem:$0x3FAC] =	sst s6  }
0xf: {  	[smem:$0x3FAD] =	sst s7  }
0x10: {  	[smem:$0x3FAE] =	sst s8  }
0x11: {  	[smem:$0x3FAF] =	sst s9;
	s0 =	simm.s32 @!p0 $0x0  }
0x12: {  	s1 =	sld [smem:$0x3F95];
	s0 =	simm.s32 @p0 $0x1  }
0x13: {  	[smem:$0x3FB0] =	sst s0;
	s0 =	simm.s32 @!p1 $0x0  }
0x14: {  	s2 =	sld [smem:$0x3F94];
	s0 =	simm.s32 @p1 $0x1  }
0x15: {  	[smem:$0x3FB1] =	sst s0;
	s0 =	simm.s32 @!p2 $0x0  }
0x16: {  	s3 =	sld [smem:$0x3FDB];
	s0 =	simm.s32 @p2 $0x1  }
0x17: {  	s4 =	simm.s32 $0x1BF5;
	[smem:$0x3FB3] =	sst s0  }
0x18: {  	s0 =	sld [smem:$0x3F96];
	_ =	swait.ge [sflag:s4], $0x0  }
0x19: {  	s7 =	sld [smem:$0x3F97]  }
0x1a: {  	s8 =	sadd.s32 $0xFFFFE003, lr  }
0x1b: {  	s9 =	sadd.s32 $0xFFFFFEF7, lr;
	s5 =	simm.s32 $0xFFFFFFFF;
	p2 =	slt.u32 s8, $0xFFFFF086  }
0x1c: {  	p1 =	slt.u32 s9, $0xF7A;
	s5 =	simm.s32 @!p2 $0x0  }
0x1d: {  	s5 =	simm.s32 @p1 $0x1;
	p0 =	seq.s32 s7, s2  }
0x1e: {  	s7 =	smul.u32 @!p0 $0xF7A, s2;
	p2 =	seq.s32 @!p0 s5, $0x0  }
0x1f: {  	s9 =	smul.u32 $0xF7A, s1;
	s8 =	simm.s32 @!p0 $0x1BF5;
	p2 =	por !p2, p0  }
0x20: {  	[sflag:s8] =	ssyncset.s32 @!p0 $0xFFFFF086;
	s6 =	sadd.s32 @!p0 s3, s7;
	s7 =	simm.s32 @!p0 $0x108  }
0x21: {  	s3 =	sadd.s32 s3, s9;
	s6 =	sadd.s32 @!p0 $0x88, s6;
	s7 =	simm.s32 @p2 $0x1082  }
0x22: {  	[simem:s7], [sflag:s8] =	dma.local @!p0 [hbm:s6], $0xF7A  }
0x23: {  	s9 =	sor.u32 $0xD0000000, s2;
	s6 =	simm.s32 $0x108;
	_ =	swait.ge @!p0 [sflag:s8], $0x0  }
0x24: {  	s3 =	sadd.s32 $0x88, s3;
	s6 =	simm.s32 @!p1 $0x1082;
	[sflag:s4] =	ssyncset.s32 $0xFFFFF086  }
0x25: {  	[simem:s6], [sflag:s4] =	dma.local [hbm:s3], $0xF7A  }
0x26: {  	[smem:$0x3F97] =	sst s1;
	(tag) =	ssettag s2;
	_ =	strace s9  }
0x27: {  	s1 =	sld [smem:$0x3FA7]  }
0x28: {  	s2 =	sld [smem:$0x3FA8]  }
0x29: {  	s4 =	sld [smem:$0x3FAA]  }
0x2a: {  	p0 =	seq.s32 s5, $0x0;
	s5 =	sld [smem:$0x3FAB]  }
0x2b: {  	s6 =	sld [smem:$0x3FAC]  }
0x2c: {  	s7 =	sld [smem:$0x3FAD]  }
0x2d: {  	s3 =	simm.s32 $0x108;
	s8 =	sld [smem:$0x3FAE]  }
0x2e: {  	s3 =	simm.s32 @!p0 $0x1082;
	s9 =	sld [smem:$0x3FAF]  }
0x2f: {  	lr =	sadd.s32 s0, s3;
	s0 =	sld [smem:$0x3FA6]  }
0x30: {  	s3 =	sld [smem:$0x3FA9]  }
0x31: {  	[smem:$0x3FB2] =	sst s10  }
0x32: {  	s10 =	sld [smem:$0x3FB0];
	_ =	sdelay $0x3  }
0x33: {  	p0 =	seq.s32 s10, $0x1;
	s10 =	sld [smem:$0x3FB2];
	_ =	sdelay $0x3  }
0x34: {  	[smem:$0x3FB2] =	sst s10  }
0x35: {  	s10 =	sld [smem:$0x3FB1];
	_ =	sdelay $0x3  }
0x36: {  	p1 =	seq.s32 s10, $0x1;
	s10 =	sld [smem:$0x3FB2];
	_ =	sdelay $0x3  }
0x37: {  	[smem:$0x3FB2] =	sst s10  }
0x38: {  	s10 =	sld [smem:$0x3FB3]  }
0x39: {  	_ = 	snop;
	(pc) =	sbr.ind lr, $3  }
0x3a: {  	_ = 	snop  }
0x3b: {  	_ = 	snop  }
0x3c: {  	p2 =	seq.s32 s10, $0x1;
	s10 =	sld [smem:$0x3FB2]  }
0x3d: {  	_ =	shalt  }
0x3e: {  	_ =	shalt  }
0x3f: {  	_ =	shalt  }
0x40: {  	_ =	shalt  }
0x41: {  	_ =	shalt  }
0x42: {  	_ =	shalt  }
0x43: {  	_ =	shalt  }
0x44: {  	_ =	shalt  }
0x45: {  	_ =	shalt  }
0x46: {  	_ =	shalt  }
0x47: {  	_ =	shalt  }
0x48: {  	_ =	shalt  }
0x49: {  	_ =	shalt  }
0x4a: {  	_ =	shalt  }
0x4b: {  	_ =	shalt  }
0x4c: {  	_ =	shalt  }
0x4d: {  	_ =	shalt  }
0x4e: {  	_ =	shalt  }
0x4f: {  	_ =	shalt  }
0x50: {  	_ =	shalt  }
0x51: {  	_ =	shalt  }
0x52: {  	_ =	shalt  }
0x53: {  	_ =	shalt  }
0x54: {  	_ =	shalt  }
0x55: {  	_ =	shalt  }
0x56: {  	_ =	shalt  }
0x57: {  	_ =	shalt  }
0x58: {  	_ =	shalt  }
0x59: {  	_ =	shalt  }
0x5a: {  	_ =	shalt  }
0x5b: {  	_ =	shalt  }
0x5c: {  	_ =	shalt  }
0x5d: {  	_ =	shalt  }
0x5e: {  	_ =	shalt  }
0x5f: {  	_ =	shalt  }
0x60: {  	_ =	shalt  }
0x61: {  	_ =	shalt  }
0x62: {  	_ =	shalt  }
0x63: {  	_ =	shalt  }
0x64: {  	_ =	shalt  }
0x65: {  	_ =	shalt  }
0x66: {  	_ =	shalt  }
0x67: {  	_ =	shalt  }
0x68: {  	_ =	shalt  }
0x69: {  	_ =	shalt  }
0x6a: {  	_ =	shalt  }
0x6b: {  	_ =	shalt  }
0x6c: {  	_ =	shalt  }
0x6d: {  	_ =	shalt  }
0x6e: {  	_ =	shalt  }
0x6f: {  	_ =	shalt  }
0x70: {  	_ =	shalt  }
0x71: {  	_ =	shalt  }
0x72: {  	_ =	shalt  }
0x73: {  	_ =	shalt  }
0x74: {  	_ =	shalt  }
0x75: {  	_ =	shalt  }
0x76: {  	_ =	shalt  }
0x77: {  	_ =	shalt  }
0x78: {  	_ =	shalt  }
0x79: {  	_ =	shalt  }
0x7a: {  	_ =	shalt  }
0x7b: {  	_ =	shalt  }
0x7c: {  	_ =	shalt  }
0x7d: {  	_ =	shalt  }
0x7e: {  	_ =	shalt  }
0x7f: {  	_ =	shalt  }
0x80: {  	_ =	shalt  }
0x81: {  	_ =	shalt  }
0x82: {  	_ =	shalt  }
0x83: {  	_ =	shalt  }
0x84: {  	_ =	shalt  }
0x85: {  	_ =	shalt  }
0x86: {  	_ =	shalt  }
0x87: {  	_ =	shalt  }
.Lfunc_end0:
.L_simem_size_0:
called_computation_lowered:
.L_overlay_start_0:
0x88: {  	s2 =	sld [smem:$0x3FD9]  }
0x89: {  	s3 =	sld [smem:$0x3FFE];
	_ =	sdelay $0x1  }
0x8a: {  	s1 =	srdreg.scid  }
0x8b: {  	s0 =	sand.u32 $0x1, s1  }
0x8c: {  	s14 =	sshll.u32 s0, $0xA;
	s2 =	sadd.s32 s3, s2  }
0x8d: {  	s2 =	sadd.s32 s2, s14  }
0x8e: {  	[smem:$0x3FBE] =	sst s2  }
0x8f: {  	_ = 	snop  }
0x90: {  	s2 =	sld [smem:$0x3FD0];
	_ =	sdelay $0x1  }
0x91: {  	s15 =	sld [smem:$0x3FC7]  }
0x92: {  	s5 =	simm.s32 $0xA;
	s6 =	simm.s32 $0x10;
	s4 =	sld [smem:$0x3FC6]  }
0x93: {  	[smem:s6], [sflag:s5] =	dma.local [hbm:s2], $0x1  }
0x94: {  	_ =	swait.eq [sflag:s5], $0x1  }
0x95: {  	s16 =	sld [smem:$0x10];
	[sflag:s5] =	ssyncset.done $0x0  }
0x96: {  	s17 =	sld [smem:$0x11];
	[sflag:s5] =	ssyncadd.s32 $0xFFFFFFFF  }
0x97: {  	s18 =	sld [smem:$0x12];
	(tm) =	ssettm $0x1  }
0x98: {  	s7 =	sld [smem:$0x3FFB];
	_ =	sdelay $0x3  }
0x99: {  	_ =	strace s7  }
0x9a: {  	s7 =	sld [smem:$0x3FFC];
	_ =	sdelay $0x3  }
0x9b: {  	_ =	strace s7  }
0x9c: {  	s7 =	sld [smem:$0x3FFD];
	_ =	sdelay $0x3  }
0x9d: {  	_ =	strace s7  }
0x9e: {  	_ =	strace $0x8FFFFFFF  }
0x9f: {  	s19 =	sld [smem:$0x3FDB];
	_ =	sdelay $0x1  }
0xa0: {  	s8 =	simm.s32 $_scs_section_size  }
0xa1: {  	s9 =	simm.s32 $_size__tile_overlayer_lowered;
	s10 =	simm.s32 $_tile_overlayer_lowered  }
0xa2: {  	s22 =	simm.s32 $0x1BFF;
	s21 =	sshll.u32 s10, $0x1;
	s7 =	sadd.s32 s8, s19  }
0xa3: {  	s11 =	simm.s32 $0x0;
	s20 =	sshll.u32 s9, $0x1;
	s9 =	sadd.s32 s21, s7  }
0xa4: {  	[timem:s11], [sflag:s22] =	dma.local [hbm:s9], s20  }
0xa5: {  	_ =	swait.ge [sflag:s22], s20  }
0xa6: {  	s8 =	ssub.s32 $0x0, s20;
	[sflag:s22] =	ssyncset.done $0x0  }
0xa7: {  	[sflag:s22] =	ssyncadd.s32 s8;
	_ =	sdelay $0x1  }
0xa8: {  	s23 =	simm.s32 $0x1B8B  }
0xa9: {  	_ =	swait.ge [sflag:s23], $0x1  }
0xaa: {  	[sflag:s23] =	ssyncset.done $0x0  }
0xab: {  	s25 =	simm.s32 $0x1B8E;
	s24 =	sld [smem:$0x3FFE];
	[sflag:s23] =	ssyncadd.s32 $0xFFFFFFFF  }
0xac: {  	s26 =	simm.s32 $execute0_lowered;
	[smem:$0x3FD2] =	sst s25  }
0xad: {  	s9 =	sshll.u32 s26, $0x1;
	_ =	strace $0x80000046;
	[dreg:$0x1] =	wrdreg $0xFFFFFFFF  }
0xae: {  	s28 =	simm.s32 $_size_execute0_lowered;
	s7 =	sadd.s32 s7, s9;
	[dreg:$0x0] =	wrdreg $0x0  }
0xaf: {  	s9 =	sshll.u32 s28, $0x1;
	[dreg:$0x2] =	wrdreg s7  }
0xb0: {  	[dreg:$0x3] =	wrdreg s9  }
0xb1: {  	[dreg:$0x4] =	wrdreg $0xC0  }
0xb2: {  	_ =	task [dreg:s11], $0x5FFFF  }
0xb3: {  	[dreg:$0x1] =	wrdreg $0xFFFFFFFF  }
0xb4: {  	[dreg:$0x0] =	wrdreg $0x60  }
0xb5: {  	[dreg:$0x2] =	wrdreg s24  }
0xb6: {  	[dreg:$0x3] =	wrdreg s16  }
0xb7: {  	[dreg:$0x4] =	wrdreg s15  }
0xb8: {  	[dreg:$0x5] =	wrdreg s4  }
0xb9: {  	[dreg:$0x6] =	wrdreg s17  }
0xba: {  	[dreg:$0x7] =	wrdreg s18  }
0xbb: {  	[dreg:$0x8] =	wrdreg $0x14000  }
0xbc: {  	[dreg:$0x9] =	wrdreg $0x16080  }
0xbd: {  	[dreg:$0xa] =	wrdreg $0x9  }
0xbe: {  	_ =	task.clear_ibuf [dreg:s11], $0xBFFFF;
	_ =	strace $0x90000046  }
0xbf: {  	s29 =	simm.s32 $0x9;
	_ =	strace $0x80000048  }
0xc0: {  	_ =	swait.ge [sflag:s29], $0x1  }
0xc1: {  	[sflag:s29] =	ssyncadd.s32 $0xFFFFFFFF  }
0xc2: {  	_ =	strace $0x90000048  }
0xc3: {  	_ =	sfence  }
0xc4: {  	s30 =	sld [smem:$0x0];
	_ =	sdelay $0x2  }
0xc5: {  	s31 =	sshll.u32 s1, $0xD;
	s1 =	sshrl.u32 s1, $0x2  }
0xc6: {  	s3 =	sand.u32 $0x4000, s31;
	s1 =	sadd.s32 s1, s30  }
0xc7: {  	s0 =	sor.u32 s3, s0;
	s1 =	sshll.u32 s1, $0x11  }
0xc8: {  	s0 =	sor.u32 s1, s0  }
0xc9: {  	s0 =	sadd.s32 $0x8F2B, s0  }
0xca: {  	[sflag:s0] =	ssyncadd.remote.s32 $0x1  }
0xcb: {  	_ =	sfence.sel $0xFFFF  }
0xcc: {  	[dreg:$0x0] =	wrdreg $0xFFFFFFFF;
	(pc) =	sbr.abs _section_cstart, $3  }
0xcd: {  	[dreg:$0x1] =	wrdreg $0xFFFFFFFF  }
0xce: {  	_ =	task.clear_ibuf [dreg:s11], $0x2FFFF;
	_ =	strace $0x9FFFFFFF  }
0xcf: {  	(tm) =	ssettm $0x7FFFFFFF  }
tec
execute0_lowered:
.L_overlay_start_1:
0x0: {  	(tag) =	ssettag $0x1  }
0x1: {  	s5 =	rddreg [dreg:$0x0]  }
0x2: {  	s6 =	rddreg [dreg:$0x1]  }
0x3: {  	s7 =	rddreg [dreg:$0x2]  }
0x4: {  	s8 =	rddreg [dreg:$0x3]  }
0x5: {  	s9 =	rddreg [dreg:$0x4]  }
0x6: {  	s11 =	rddreg [dreg:$0x5]  }
0x7: {  	s1 =	rddreg [dreg:$0x6]  }
0x8: {  	s3 =	rddreg [dreg:$0x7]  }
0x9: {  	s0 =	rddreg [dreg:$0x8];
	s10 =	srdreg.scid  }
0xa: {  	s4 =	simm.s32 $0x0;
	s2 =	stileid.u32;
	s15 =	simm.s32 $0xC00  }
0xb: {  	s10 =	sand.u32 $0x1, s10;
	[smem:$0x7FF] =	sst s4;
	s12 =	sshll.u32 s2, $0x7  }
0xc: {  	s29 =	sshll.u32 s2, $0x9;
	s31 =	sshll.u32 s2, $0x6;
	s13 =	ssub.s32 $0x2, s10  }
0xd: {  	_ =	strace $0x80000047;
	s5 =	sadd.s32 s12, s5;
	s17 =	sshll.u32 s10, $0xD  }
0xe: {  	s6 =	sadd.s32 s6, s12;
	s7 =	sadd.s32 s7, s12;
	s8 =	sadd.s32 s8, s12  }
0xf: {  	s16 =	sadd.s32 s29, s1;
	s18 =	sadd.s32 s29, s3;
	s14 =	sshrl.u32 s13, $0x1  }
0x10: {  	s10 =	sor.u32 s29, s17;
	s5 =	sadd.s32 $0x1C00, s5;
	s19 =	sadd.s32 $0x2000, s17  }
0x11: {  	s16 =	sshrl.u32 s16, $0x3;
	v0 =	vmov s17;
	s17 =	sshrl.u32 s18, $0x3;
	s18 =	simm.s32 $0x1  }
0x12: {  	s13 =	ssub.s32 s13, s14;
	s30 =	sshrl.u32 s10, $0x3;
	s10 =	sor.u32 $0x1C01, s31  }
0x13: {  	s14 =	simm.s32 $0x800;
	v1 =	vmov s19;
	s19 =	simm.s32 $0x1000;
	s9 =	sadd.s32 s9, s30  }
0x14: {  	s11 =	sadd.s32 s11, s30;
	s12 =	smax.u32 s13, $0x1;
	s13 =	simm.s32 $0x400  }
.LBB2_1:
0x15: {  	[tilespmem:s4], [sflag:$0x1] =	stream.linear.gather [hbm4b:s5+s4], $0x400, $0x38;
	[tilespmem:$0x1810] =	vst v63  }
0x16: {  	_ = 	snop  }
0x17: {  	[tilespmem:s13], [sflag:$0x1] =	stream.linear.gather [hbm4b:s6+s4], $0x400, $0x38;
	[tilespmem:$0x1810] =	vst v63  }
0x18: {  	_ = 	snop  }
0x19: {  	[tilespmem:s14], [sflag:$0x1] =	stream.linear.gather [hbm4b:s7+s4], $0x400, $0x38;
	[tilespmem:$0x1810] =	vst v63  }
0x1a: {  	_ = 	snop  }
0x1b: {  	[tilespmem:s15], [sflag:$0x1] =	stream.linear.gather [hbm4b:s8+s4], $0x400, $0x38;
	[tilespmem:$0x1810] =	vst v63  }
0x1c: {  	[spmem:s16], [sflag:s10] =	dma.local [hbm:s9], $0x40  }
0x1d: {  	[spmem:s17], [sflag:s10] =	dma.local [hbm:s11], $0x40  }
0x1e: {  	_ =	swait.ge [sflag:s18], $0x400  }
0x1f: {  	[sflag:s18] =	ssyncset.done $0x0  }
0x20: {  	[sflag:s18] =	ssyncadd.s32 $0xFFFFFC00  }
0x21: {  	_ =	swait.ge [sflag:s18], $0x400  }
0x22: {  	[sflag:s18] =	ssyncset.done $0x0  }
0x23: {  	[sflag:s18] =	ssyncadd.s32 $0xFFFFFC00  }
0x24: {  	_ =	swait.ge [sflag:s18], $0x400  }
0x25: {  	[sflag:s18] =	ssyncset.done $0x0  }
0x26: {  	[sflag:s18] =	ssyncadd.s32 $0xFFFFFC00  }
0x27: {  	_ =	swait.ge [sflag:s18], $0x400  }
0x28: {  	[sflag:s18] =	ssyncset.done $0x0  }
0x29: {  	[sflag:s18] =	ssyncadd.s32 $0xFFFFFC00  }
0x2a: {  	_ =	swait.ge [sflag:s18], $0x40  }
0x2b: {  	[sflag:s18] =	ssyncset.done $0x0  }
0x2c: {  	[sflag:s18] =	ssyncadd.s32 $0xFFFFFFC0  }
0x2d: {  	_ =	swait.ge [sflag:s18], $0x40  }
0x2e: {  	[sflag:s18] =	ssyncset.done $0x0  }
0x2f: {  	[sflag:s18] =	ssyncadd.s32 $0xFFFFFFC0  }
0x30: {  	v2 =	vld [tilespmem:$0x0]  }
0x31: {  	v3 =	vld [tilespmem:$0xC00]  }
0x32: {  	v4 =	vld [tilespmem:$0x10]  }
0x33: {  	v5 =	vld [tilespmem:$0xC10]  }
0x34: {  	v6 =	vld [tilespmem:$0x20]  }
0x35: {  	v7 =	vld [tilespmem:$0x30]  }
0x36: {  	v61 =	vld [tilespmem:$0xC30]  }
0x37: {  	v9 =	vld [tilespmem:$0xC40]  }
0x38: {  	v10 =	vld [tilespmem:$0x50]  }
0x39: {  	v11 =	vld [tilespmem:$0x60];
	vm0 =	vlt.s32 v3, $0x1;
	vm1 =	vlt.s32 v2, v1;
	vm2 =	vge.s32 v2, v0  }
0x3a: {  	v13 =	vld [tilespmem:$0x80];
	vm8 =	vlt.s32 v5, $0x1;
	vm9 =	vlt.s32 v4, v1;
	v2 =	vsub.s32 v2, v0  }
0x3b: {  	v8 =	vld [tilespmem:$0x40];
	vm3 =	vge.s32 v4, v0;
	v4 =	vsub.s32 v4, v0;
	vm12 =	vlt.s32 v6, v1  }
0x3c: {  	v12 =	vld [tilespmem:$0x70];
	vm13 =	vge.s32 v6, v0;
	vm14 =	vlt.s32 v61, $0x1;
	vm15 =	vlt.s32 v7, v1  }
0x3d: {  	v17 =	vld [tilespmem:$0xC70];
	v63 =	vsub.s32 v6, v0;
	vm6 =	vge.s32 v7, v0;
	vm7 =	vlt.s32 v9, $0x1  }
0x3e: {  	v3 =	vld [tilespmem:$0xC20];
	v7 =	vsub.s32 v7, v0;
	v19 =	vsub.s32 v10, v0;
	v21 =	vsub.s32 v11, v0  }
0x3f: {  	v22 =	vld [tilespmem:$0xA0];
	v24 =	vsub.s32 v13, v0;
	vm0 =	vmand vm0, vm1;
	vm1 =	vmand vm8, vm9  }
0x40: {  	v15 =	vld [tilespmem:$0xCA0];
	vm8 =	vlt.s32 v8, v1;
	vm9 =	vge.s32 v8, v0;
	v8 =	vsub.s32 v8, v0  }
0x41: {  	v62 =	vld [tilespmem:$0xC50];
	vm0 =	vmand vm0, vm2;
	vm10 =	vmand vm1, vm3;
	vm2 =	vmand vm7, vm8  }
0x42: {  	vm7 =	vlt.s32 v17, $0x1;
	vm8 =	vlt.s32 v12, v1;
	v2 =	vnsel vm0, $0x2000, v2  }
0x43: {  	v59 =	vld [tilespmem:$0x260];
	vm11 =	vlt.s32 v3, $0x1;
	v3 =	vnsel vm10, $0x2000, v4;
	vm10 =	vmand vm2, vm9  }
0x44: {  	v16 =	vld [tilespmem:$0xC60];
	vm2 =	vmand vm7, vm8;
	vm9 =	vge.s32 v12, v0;
	v12 =	vsub.s32 v12, v0  }
0x45: {  	v20 =	vld [tilespmem:$0x90];
	vm7 =	vlt.s32 v15, $0x1;
	vm8 =	vlt.s32 v22, v1;
	vm1 =	vmand vm11, vm12  }
0x46: {  	v17 =	vld [tilespmem:$0xD0];
	vm11 =	vlt.s32 v62, $0x1;
	vm12 =	vlt.s32 v10, v1;
	v5 =	vnsel vm10, $0x2000, v8  }
0x47: {  	vm10 =	vmand vm2, vm9;
	vm2 =	vmand vm7, vm8;
	vm9 =	vge.s32 v22, v0  }
0x48: {  	[tilespmem:$0x1010] =	vst v3;
	v3 =	vsub.s32 v59, v0;
	vm0 =	vmand vm1, vm13;
	vm1 =	vmand vm14, vm15  }
0x49: {  	v18 =	vld [tilespmem:$0xC80];
	vm13 =	vge.s32 v10, v0;
	vm14 =	vlt.s32 v16, $0x1;
	vm15 =	vlt.s32 v11, v1  }
0x4a: {  	v14 =	vld [tilespmem:$0xC90];
	v8 =	vnsel vm10, $0x2000, v12;
	v10 =	vsub.s32 v20, v0;
	vm10 =	vmand vm2, vm9  }
0x4b: {  	v25 =	vld [tilespmem:$0xC0];
	vm8 =	vlt.s32 v17, v1;
	vm9 =	vge.s32 v17, v0;
	v17 =	vsub.s32 v17, v0  }
0x4c: {  	v23 =	vld [tilespmem:$0xCB0];
	vm1 =	vmand vm1, vm6;
	v6 =	vnsel vm0, $0x2000, v63;
	vm6 =	vge.s32 v11, v0  }
0x4d: {  	v26 =	vld [tilespmem:$0xCC0];
	v11 =	vsub.s32 v22, v0;
	v4 =	vnsel vm1, $0x2000, v7;
	vm1 =	vmand vm11, vm12  }
0x4e: {  	v16 =	vld [tilespmem:$0xB0];
	vm11 =	vlt.s32 v18, $0x1;
	vm12 =	vlt.s32 v13, v1;
	v11 =	vnsel vm10, $0x2000, v11  }
0x4f: {  	v29 =	vld [tilespmem:$0xF0];
	vm0 =	vmand vm1, vm13;
	vm1 =	vmand vm14, vm15;
	vm13 =	vge.s32 v13, v0  }
0x50: {  	v22 =	vld [tilespmem:$0x110];
	vm14 =	vlt.s32 v14, $0x1;
	vm15 =	vlt.s32 v20, v1;
	v13 =	vsub.s32 v25, v0  }
0x51: {  	vm1 =	vmand vm1, vm6;
	v9 =	vnsel vm0, $0x2000, v19;
	vm6 =	vge.s32 v20, v0  }
0x52: {  	v18 =	vld [tilespmem:$0xCD0];
	v7 =	vnsel vm1, $0x2000, v21;
	vm1 =	vmand vm11, vm12;
	vm11 =	vlt.s32 v23, $0x1  }
0x53: {  	v27 =	vld [tilespmem:$0xCE0];
	vm12 =	vlt.s32 v16, v1;
	v28 =	vsub.s32 v16, v0;
	vm0 =	vmand vm1, vm13  }
0x54: {  	v19 =	vld [tilespmem:$0xE0];
	vm1 =	vmand vm14, vm15;
	vm13 =	vge.s32 v16, v0;
	vm14 =	vlt.s32 v26, $0x1  }
0x55: {  	v30 =	vld [tilespmem:$0xCF0];
	vm15 =	vlt.s32 v25, v1;
	v16 =	vsub.s32 v29, v0;
	v36 =	vsub.s32 v22, v0  }
0x56: {  	v20 =	vld [tilespmem:$0x100];
	vm1 =	vmand vm1, vm6;
	v12 =	vnsel vm0, $0x2000, v24;
	vm6 =	vge.s32 v25, v0  }
0x57: {  	v33 =	vld [tilespmem:$0x120];
	vm7 =	vlt.s32 v18, $0x1;
	v10 =	vnsel vm1, $0x2000, v10;
	vm1 =	vmand vm11, vm12  }
0x58: {  	v31 =	vld [tilespmem:$0xD10];
	vm2 =	vmand vm7, vm8;
	vm11 =	vlt.s32 v27, $0x1;
	vm0 =	vmand vm1, vm13  }
0x59: {  	v21 =	vld [tilespmem:$0xD00];
	vm1 =	vmand vm14, vm15;
	vm10 =	vmand vm2, vm9;
	vm12 =	vlt.s32 v19, v1  }
0x5a: {  	v34 =	vld [tilespmem:$0xD20];
	vm13 =	vge.s32 v19, v0;
	vm14 =	vlt.s32 v30, $0x1;
	vm15 =	vlt.s32 v29, v1  }
0x5b: {  	v23 =	vld [tilespmem:$0x130];
	v32 =	vsub.s32 v19, v0;
	vm8 =	vlt.s32 v20, v1;
	vm9 =	vge.s32 v20, v0  }
0x5c: {  	v37 =	vld [tilespmem:$0x150];
	v20 =	vsub.s32 v20, v0;
	v19 =	vsub.s32 v33, v0;
	vm1 =	vmand vm1, vm6  }
0x5d: {  	v24 =	vld [tilespmem:$0xD30];
	v15 =	vnsel vm0, $0x2000, v28;
	v14 =	vnsel vm10, $0x2000, v17;
	vm6 =	vge.s32 v29, v0  }
0x5e: {  	v25 =	vld [tilespmem:$0x140];
	vm7 =	vlt.s32 v21, $0x1;
	v13 =	vnsel vm1, $0x2000, v13;
	vm1 =	vmand vm11, vm12  }
0x5f: {  	vm2 =	vmand vm7, vm8;
	vm11 =	vlt.s32 v31, $0x1;
	vm12 =	vlt.s32 v22, v1  }
0x60: {  	v27 =	vld [tilespmem:$0xD60];
	vm8 =	vlt.s32 v23, v1;
	vm0 =	vmand vm1, vm13;
	vm1 =	vmand vm14, vm15  }
0x61: {  	v26 =	vld [tilespmem:$0x160];
	vm10 =	vmand vm2, vm9;
	vm13 =	vge.s32 v22, v0;
	vm14 =	vlt.s32 v34, $0x1  }
0x62: {  	v35 =	vld [tilespmem:$0xD40];
	vm15 =	vlt.s32 v33, v1;
	vm7 =	vlt.s32 v24, $0x1;
	vm9 =	vge.s32 v23, v0  }
0x63: {  	v38 =	vld [tilespmem:$0xD50];
	v23 =	vsub.s32 v23, v0;
	v40 =	vsub.s32 v25, v0;
	v22 =	vsub.s32 v37, v0  }
0x64: {  	v30 =	vld [tilespmem:$0xD90];
	vm1 =	vmand vm1, vm6;
	v18 =	vnsel vm0, $0x2000, v32;
	v17 =	vnsel vm10, $0x2000, v20  }
0x65: {  	v41 =	vld [tilespmem:$0x180];
	vm6 =	vge.s32 v33, v0;
	vm2 =	vmand vm7, vm8;
	vm7 =	vlt.s32 v27, $0x1  }
0x66: {  	v28 =	vld [tilespmem:$0x170];
	vm8 =	vlt.s32 v26, v1;
	v16 =	vnsel vm1, $0x2000, v16;
	vm1 =	vmand vm11, vm12  }
0x67: {  	v29 =	vld [tilespmem:$0x190];
	vm10 =	vmand vm2, vm9;
	vm11 =	vlt.s32 v35, $0x1;
	vm12 =	vlt.s32 v25, v1  }
0x68: {  	vm2 =	vmand vm7, vm8;
	vm9 =	vge.s32 v26, v0;
	v26 =	vsub.s32 v26, v0  }
0x69: {  	v39 =	vld [tilespmem:$0xD70];
	vm7 =	vlt.s32 v30, $0x1;
	vm0 =	vmand vm1, vm13;
	vm1 =	vmand vm14, vm15  }
0x6a: {  	v31 =	vld [tilespmem:$0x1A0];
	v20 =	vnsel vm10, $0x2000, v23;
	vm13 =	vge.s32 v25, v0;
	vm14 =	vlt.s32 v38, $0x1  }
0x6b: {  	v42 =	vld [tilespmem:$0xD80];
	vm15 =	vlt.s32 v37, v1;
	vm10 =	vmand vm2, vm9;
	v44 =	vsub.s32 v28, v0  }
0x6c: {  	v34 =	vld [tilespmem:$0x1D0];
	vm8 =	vlt.s32 v29, v1;
	v25 =	vsub.s32 v41, v0;
	vm9 =	vge.s32 v29, v0  }
0x6d: {  	v32 =	vld [tilespmem:$0x1C0];
	v29 =	vsub.s32 v29, v0;
	vm1 =	vmand vm1, vm6;
	v21 =	vnsel vm0, $0x2000, v36  }
0x6e: {  	v33 =	vld [tilespmem:$0xDC0];
	vm6 =	vge.s32 v37, v0;
	v23 =	vnsel vm10, $0x2000, v26;
	vm2 =	vmand vm7, vm8  }
0x6f: {  	v45 =	vld [tilespmem:$0x1B0];
	v48 =	vsub.s32 v31, v0;
	v19 =	vnsel vm1, $0x2000, v19;
	vm1 =	vmand vm11, vm12  }
0x70: {  	vm11 =	vlt.s32 v39, $0x1;
	vm12 =	vlt.s32 v28, v1;
	vm10 =	vmand vm2, vm9  }
0x71: {  	v35 =	vld [tilespmem:$0x1F0];
	v52 =	vsub.s32 v34, v0;
	vm0 =	vmand vm1, vm13;
	vm1 =	vmand vm14, vm15  }
0x72: {  	v43 =	vld [tilespmem:$0xDA0];
	vm13 =	vge.s32 v28, v0;
	vm14 =	vlt.s32 v42, $0x1;
	vm15 =	vlt.s32 v41, v1  }
0x73: {  	v46 =	vld [tilespmem:$0xDB0];
	v26 =	vnsel vm10, $0x2000, v29;
	vm7 =	vlt.s32 v33, $0x1;
	vm8 =	vlt.s32 v32, v1  }
0x74: {  	v49 =	vld [tilespmem:$0x1E0];
	v28 =	vsub.s32 v45, v0;
	vm9 =	vge.s32 v32, v0;
	v32 =	vsub.s32 v32, v0  }
0x75: {  	v36 =	vld [tilespmem:$0xDF0];
	vm1 =	vmand vm1, vm6;
	v24 =	vnsel vm0, $0x2000, v40;
	vm6 =	vge.s32 v41, v0  }
0x76: {  	v37 =	vld [tilespmem:$0x200];
	vm2 =	vmand vm7, vm8;
	vm8 =	vlt.s32 v35, v1;
	v22 =	vnsel vm1, $0x2000, v22  }
0x77: {  	v38 =	vld [tilespmem:$0x220];
	vm1 =	vmand vm11, vm12;
	vm11 =	vlt.s32 v43, $0x1;
	vm12 =	vlt.s32 v31, v1  }
0x78: {  	v39 =	vld [tilespmem:$0xE20];
	vm10 =	vmand vm2, vm9;
	vm9 =	vge.s32 v35, v0;
	v35 =	vsub.s32 v35, v0  }
0x79: {  	v47 =	vld [tilespmem:$0xDD0];
	vm0 =	vmand vm1, vm13;
	vm1 =	vmand vm14, vm15;
	vm13 =	vge.s32 v31, v0  }
0x7a: {  	v50 =	vld [tilespmem:$0xDE0];
	vm14 =	vlt.s32 v46, $0x1;
	vm15 =	vlt.s32 v45, v1;
	v29 =	vnsel vm10, $0x2000, v32  }
0x7b: {  	v42 =	vld [tilespmem:$0xE50];
	vm7 =	vlt.s32 v36, $0x1;
	v31 =	vsub.s32 v49, v0;
	v56 =	vsub.s32 v37, v0  }
0x7c: {  	v53 =	vld [tilespmem:$0x210];
	vm1 =	vmand vm1, vm6;
	v27 =	vnsel vm0, $0x2000, v44;
	vm6 =	vge.s32 v45, v0  }
0x7d: {  	v40 =	vld [tilespmem:$0x230];
	vm2 =	vmand vm7, vm8;
	vm7 =	vlt.s32 v39, $0x1;
	vm8 =	vlt.s32 v38, v1  }
0x7e: {  	v41 =	vld [tilespmem:$0x250];
	v25 =	vnsel vm1, $0x2000, v25;
	vm1 =	vmand vm11, vm12;
	vm11 =	vlt.s32 v47, $0x1  }
0x7f: {  	[tilespmem:$0x1190] =	vst v26;
	v26 =	vld [tilespmem:$0x330];
	vm12 =	vlt.s32 v34, v1;
	vm10 =	vmand vm2, vm9;
	vm2 =	vmand vm7, vm8  }
0x80: {  	v51 =	vld [tilespmem:$0xE00];
	vm9 =	vge.s32 v38, v0;
	v38 =	vsub.s32 v38, v0;
	vm8 =	vlt.s32 v42, $0x1  }
0x81: {  	v61 =	vld [tilespmem:$0x270];
	vm0 =	vmand vm1, vm13;
	vm1 =	vmand vm14, vm15;
	vm13 =	vge.s32 v34, v0  }
0x82: {  	v54 =	vld [tilespmem:$0xE10];
	[tilespmem:$0x1000] =	vst v2;
	vm14 =	vlt.s32 v50, $0x1;
	vm15 =	vlt.s32 v49, v1;
	v32 =	vnsel vm10, $0x2000, v35  }
0x83: {  	[tilespmem:$0x1150] =	vst v22;
	v22 =	vld [tilespmem:$0x310];
	v34 =	vsub.s32 v53, v0;
	vm10 =	vmand vm2, vm9;
	v60 =	vsub.s32 v40, v0  }
0x84: {  	v57 =	vld [tilespmem:$0x240];
	[tilespmem:$0x10E0] =	vst v18;
	vm9 =	vlt.s32 v41, v1;
	v2 =	vsub.s32 v41, v0;
	v18 =	vsub.s32 v26, v0  }
0x85: {  	v45 =	vld [tilespmem:$0x290];
	vm1 =	vmand vm1, vm6;
	v30 =	vnsel vm0, $0x2000, v48;
	vm6 =	vge.s32 v49, v0  }
0x86: {  	v55 =	vld [tilespmem:$0xE30];
	v35 =	vnsel vm10, $0x2000, v38;
	vm10 =	vge.s32 v41, v0;
	v49 =	vsub.s32 v61, v0  }
0x87: {  	v62 =	vld [tilespmem:$0x280];
	[tilespmem:$0x10F0] =	vst v16;
	v28 =	vnsel vm1, $0x2000, v28;
	vm1 =	vmand vm11, vm12;
	vm11 =	vlt.s32 v51, $0x1  }
0x88: {  	[tilespmem:$0x1180] =	vst v25;
	v25 =	vld [tilespmem:$0x320];
	vm12 =	vlt.s32 v37, v1;
	v16 =	vsub.s32 v22, v0;
	vm0 =	vmand vm1, vm13  }
0x89: {  	v58 =	vld [tilespmem:$0xE40];
	vm1 =	vmand vm14, vm15;
	vm13 =	vge.s32 v37, v0;
	vm14 =	vlt.s32 v54, $0x1  }
0x8a: {  	[tilespmem:$0x1020] =	vst v6;
	v43 =	vld [tilespmem:$0xE60];
	vm15 =	vlt.s32 v53, v1;
	v37 =	vsub.s32 v57, v0;
	v6 =	vsub.s32 v45, v0  }
0x8b: {  	v47 =	vld [tilespmem:$0x2A0];
	vm1 =	vmand vm1, vm6;
	v33 =	vnsel vm0, $0x2000, v52;
	vm6 =	vge.s32 v53, v0  }
0x8c: {  	[tilespmem:$0x1090] =	vst v10;
	v51 =	vld [tilespmem:$0x2B0];
	v52 =	vsub.s32 v62, v0;
	v31 =	vnsel vm1, $0x2000, v31;
	vm1 =	vmand vm11, vm12  }
0x8d: {  	[tilespmem:$0x11B0] =	vst v28;
	v28 =	vld [tilespmem:$0x340];
	vm11 =	vlt.s32 v55, $0x1;
	vm12 =	vlt.s32 v40, v1;
	v10 =	vsub.s32 v25, v0  }
0x8e: {  	vm0 =	vmand vm1, vm13;
	vm1 =	vmand vm14, vm15;
	vm13 =	vge.s32 v40, v0  }
0x8f: {  	v44 =	vld [tilespmem:$0xE70];
	vm14 =	vlt.s32 v58, $0x1;
	vm15 =	vlt.s32 v57, v1;
	vm1 =	vmand vm1, vm6  }
0x90: {  	v36 =	vnsel vm0, $0x2000, v56;
	vm6 =	vge.s32 v57, v0;
	v57 =	vsub.s32 v47, v0  }
0x91: {  	[tilespmem:$0x1070] =	vst v8;
	v46 =	vld [tilespmem:$0xE90];
	v8 =	vsub.s32 v51, v0;
	v34 =	vnsel vm1, $0x2000, v34;
	vm1 =	vmand vm11, vm12  }
0x92: {  	[tilespmem:$0x10C0] =	vst v13;
	v55 =	vld [tilespmem:$0x2C0];
	vm11 =	vlt.s32 v43, $0x1;
	vm12 =	vlt.s32 v59, v1;
	v13 =	vsub.s32 v28, v0  }
0x93: {  	v63 =	vld [tilespmem:$0xE80];
	vm0 =	vmand vm1, vm13;
	vm1 =	vmand vm14, vm15;
	vm13 =	vge.s32 v59, v0  }
0x94: {  	v48 =	vld [tilespmem:$0xEA0];
	vm14 =	vlt.s32 v44, $0x1;
	vm15 =	vlt.s32 v61, v1;
	v38 =	vnsel vm0, $0x2000, v60  }
0x95: {  	v53 =	vld [tilespmem:$0xEB0];
	vm7 =	vmand vm1, vm6;
	vm0 =	vmand vm8, vm9;
	vm1 =	vmand vm11, vm12  }
0x96: {  	v56 =	vld [tilespmem:$0x2D0];
	vm6 =	vge.s32 v61, v0;
	vm8 =	vlt.s32 v62, v1;
	vm9 =	vge.s32 v62, v0  }
0x97: {  	[tilespmem:$0x1050] =	vst v9;
	v42 =	vld [tilespmem:$0x370];
	vm11 =	vlt.s32 v46, $0x1;
	vm12 =	vlt.s32 v45, v1;
	v9 =	vsub.s32 v55, v0  }
0x98: {  	v40 =	vld [tilespmem:$0x360];
	v37 =	vnsel vm7, $0x2000, v37;
	vm0 =	vmand vm0, vm10;
	vm7 =	vlt.s32 v63, $0x1  }
0x99: {  	v54 =	vld [tilespmem:$0xEC0];
	v2 =	vnsel vm0, $0x2000, v2;
	vm0 =	vmand vm1, vm13;
	vm1 =	vmand vm14, vm15  }
0x9a: {  	[tilespmem:$0x11D0] =	vst v33;
	v33 =	vld [tilespmem:$0x350];
	vm2 =	vmand vm7, vm8;
	vm13 =	vge.s32 v45, v0;
	vm14 =	vlt.s32 v48, $0x1  }
0x9b: {  	[tilespmem:$0x10A0] =	vst v11;
	v59 =	vld [tilespmem:$0x2E0];
	vm15 =	vlt.s32 v47, v1;
	vm8 =	vlt.s32 v53, $0x1;
	v11 =	vsub.s32 v56, v0  }
0x9c: {  	v58 =	vld [tilespmem:$0xED0];
	vm1 =	vmand vm1, vm6;
	v50 =	vnsel vm0, $0x2000, v3;
	vm10 =	vmand vm2, vm9  }
0x9d: {  	v61 =	vld [tilespmem:$0x2F0];
	vm6 =	vge.s32 v47, v0;
	vm9 =	vlt.s32 v51, v1;
	v47 =	vsub.s32 v40, v0  }
0x9e: {  	[tilespmem:$0x1040] =	vst v5;
	v60 =	vld [tilespmem:$0xEE0];
	v3 =	vnsel vm1, $0x2000, v49;
	v5 =	vnsel vm10, $0x2000, v52;
	vm1 =	vmand vm11, vm12  }
0x9f: {  	v62 =	vld [tilespmem:$0xEF0];
	vm10 =	vge.s32 v51, v0;
	vm11 =	vlt.s32 v54, $0x1;
	vm12 =	vlt.s32 v55, v1  }
0xa0: {  	[tilespmem:$0x1080] =	vst v12;
	v46 =	vld [tilespmem:$0x390];
	v12 =	vsub.s32 v59, v0;
	v51 =	vsub.s32 v42, v0;
	vm0 =	vmand vm1, vm13  }
0xa1: {  	[tilespmem:$0x10D0] =	vst v14;
	v63 =	vld [tilespmem:$0x300];
	vm1 =	vmand vm14, vm15;
	vm13 =	vge.s32 v55, v0;
	vm14 =	vlt.s32 v58, $0x1  }
0xa2: {  	v45 =	vld [tilespmem:$0x380];
	vm15 =	vlt.s32 v56, v1;
	v14 =	vsub.s32 v61, v0;
	[tilespmem:$0x1270] =	vst v3;
	v3 =	vsub.s32 v33, v0  }
0xa3: {  	[tilespmem:$0x1060] =	vst v7;
	v6 =	vnsel vm0, $0x2000, v6;
	vm7 =	vmand vm1, vm6;
	vm0 =	vmand vm8, vm9  }
0xa4: {  	[tilespmem:$0x1110] =	vst v21;
	v21 =	vld [tilespmem:$0xF00];
	vm1 =	vmand vm11, vm12;
	vm6 =	vge.s32 v56, v0;
	vm8 =	vlt.s32 v59, v1  }
0xa5: {  	[tilespmem:$0x1160] =	vst v23;
	v23 =	vld [tilespmem:$0xF10];
	vm9 =	vge.s32 v59, v0;
	vm11 =	vlt.s32 v62, $0x1;
	vm12 =	vlt.s32 v61, v1  }
0xa6: {  	[tilespmem:$0x10B0] =	vst v15;
	v49 =	vld [tilespmem:$0x3A0];
	v15 =	vsub.s32 v63, v0;
	v56 =	vsub.s32 v46, v0;
	v7 =	vnsel vm7, $0x2000, v57  }
0xa7: {  	[tilespmem:$0x1030] =	vst v4;
	v54 =	vld [tilespmem:$0x3C0];
	vm0 =	vmand vm0, vm10;
	vm7 =	vlt.s32 v60, $0x1;
	v4 =	vsub.s32 v45, v0  }
0xa8: {  	[tilespmem:$0x1100] =	vst v17;
	v8 =	vnsel vm0, $0x2000, v8;
	vm0 =	vmand vm1, vm13;
	vm1 =	vmand vm14, vm15  }
0xa9: {  	[tilespmem:$0x1140] =	vst v24;
	v24 =	vld [tilespmem:$0xF20];
	vm2 =	vmand vm7, vm8;
	vm13 =	vge.s32 v61, v0;
	vm14 =	vlt.s32 v21, $0x1  }
0xaa: {  	[tilespmem:$0x1130] =	vst v20;
	v58 =	vld [tilespmem:$0x3D0];
	vm15 =	vlt.s32 v63, v1;
	vm8 =	vlt.s32 v23, $0x1;
	vm1 =	vmand vm1, vm6  }
0xab: {  	[tilespmem:$0x1170] =	vst v27;
	v27 =	vld [tilespmem:$0xF30];
	v9 =	vnsel vm0, $0x2000, v9;
	vm10 =	vmand vm2, vm9;
	vm6 =	vge.s32 v63, v0  }
0xac: {  	[tilespmem:$0x1290] =	vst v6;
	vm9 =	vlt.s32 v22, v1;
	v6 =	vsub.s32 v49, v0;
	vm4 =	vge.s32 v54, v0  }
0xad: {  	[tilespmem:$0x1120] =	vst v19;
	v61 =	vsub.s32 v54, v0;
	v11 =	vnsel vm1, $0x2000, v11;
	v12 =	vnsel vm10, $0x2000, v12  }
0xae: {  	[tilespmem:$0x11C0] =	vst v29;
	v39 =	vld [tilespmem:$0xF50];
	vm1 =	vmand vm11, vm12;
	vm10 =	vge.s32 v22, v0;
	vm11 =	vlt.s32 v24, $0x1  }
0xaf: {  	[tilespmem:$0x11F0] =	vst v32;
	v57 =	vld [tilespmem:$0xFD0];
	vm12 =	vlt.s32 v25, v1;
	v63 =	vsub.s32 v58, v0;
	vm0 =	vmand vm1, vm13  }
0xb0: {  	[tilespmem:$0x11A0] =	vst v30;
	v30 =	vld [tilespmem:$0xF40];
	vm1 =	vmand vm14, vm15;
	vm13 =	vge.s32 v25, v0;
	vm14 =	vlt.s32 v27, $0x1  }
0xb1: {  	[tilespmem:$0x1220] =	vst v35;
	vm15 =	vlt.s32 v26, v1;
	v14 =	vnsel vm0, $0x2000, v14;
	vm7 =	vmand vm1, vm6  }
0xb2: {  	v41 =	vld [tilespmem:$0xF60];
	[tilespmem:$0x11E0] =	vst v31;
	vm0 =	vmand vm8, vm9;
	vm1 =	vmand vm11, vm12;
	vm6 =	vge.s32 v26, v0  }
0xb3: {  	[tilespmem:$0x1200] =	vst v36;
	v43 =	vld [tilespmem:$0xF70];
	vm8 =	vlt.s32 v28, v1;
	vm9 =	vge.s32 v28, v0;
	vm11 =	vlt.s32 v39, $0x1  }
0xb4: {  	[tilespmem:$0x1210] =	vst v34;
	vm12 =	vlt.s32 v33, v1;
	vm5 =	vlt.s32 v57, $0x1;
	vm0 =	vmand vm0, vm10  }
0xb5: {  	[tilespmem:$0x1230] =	vst v38;
	v15 =	vnsel vm7, $0x2000, v15;
	vm7 =	vlt.s32 v30, $0x1;
	v16 =	vnsel vm0, $0x2000, v16  }
0xb6: {  	v44 =	vld [tilespmem:$0xF80];
	[tilespmem:$0x1240] =	vst v37;
	vm0 =	vmand vm1, vm13;
	vm1 =	vmand vm14, vm15;
	vm2 =	vmand vm7, vm8  }
0xb7: {  	[tilespmem:$0x1250] =	vst v2;
	vm13 =	vge.s32 v33, v0;
	vm14 =	vlt.s32 v41, $0x1;
	vm15 =	vlt.s32 v40, v1  }
0xb8: {  	v48 =	vld [tilespmem:$0xF90];
	[tilespmem:$0x1260] =	vst v50;
	vm8 =	vlt.s32 v43, $0x1;
	vm1 =	vmand vm1, vm6;
	v10 =	vnsel vm0, $0x2000, v10  }
0xb9: {  	[tilespmem:$0x1280] =	vst v5;
	vm10 =	vmand vm2, vm9;
	vm6 =	vge.s32 v40, v0;
	vm9 =	vlt.s32 v42, v1  }
0xba: {  	v53 =	vld [tilespmem:$0xFB0];
	[tilespmem:$0x12A0] =	vst v7;
	v18 =	vnsel vm1, $0x2000, v18;
	v2 =	vnsel vm10, $0x2000, v13;
	vm1 =	vmand vm11, vm12  }
0xbb: {  	v52 =	vld [tilespmem:$0x3B0];
	[tilespmem:$0x12B0] =	vst v8;
	vm10 =	vge.s32 v42, v0;
	vm11 =	vlt.s32 v44, $0x1;
	vm12 =	vlt.s32 v45, v1  }
0xbc: {  	v50 =	vld [tilespmem:$0xFA0];
	[tilespmem:$0x12C0] =	vst v9;
	vm0 =	vmand vm1, vm13;
	vm1 =	vmand vm14, vm15;
	vm13 =	vge.s32 v45, v0  }
0xbd: {  	[tilespmem:$0x12D0] =	vst v11;
	vm14 =	vlt.s32 v48, $0x1;
	vm15 =	vlt.s32 v46, v1;
	v3 =	vnsel vm0, $0x2000, v3  }
0xbe: {  	v55 =	vld [tilespmem:$0xFC0];
	[tilespmem:$0x12E0] =	vst v12;
	vm7 =	vmand vm1, vm6;
	vm0 =	vmand vm8, vm9;
	vm1 =	vmand vm11, vm12  }
0xbf: {  	v59 =	vld [tilespmem:$0xFE0];
	[tilespmem:$0x12F0] =	vst v14;
	vm6 =	vge.s32 v46, v0;
	vm8 =	vlt.s32 v49, v1;
	vm9 =	vge.s32 v49, v0  }
0xc0: {  	[tilespmem:$0x1300] =	vst v15;
	vm11 =	vlt.s32 v53, $0x1;
	vm12 =	vlt.s32 v52, v1;
	v5 =	vnsel vm7, $0x2000, v47  }
0xc1: {  	vm0 =	vmand vm0, vm10;
	vm7 =	vlt.s32 v50, $0x1;
	[tilespmem:$0x1350] =	vst v3;
	v3 =	vsub.s32 v52, v0  }
0xc2: {  	[tilespmem:$0x1340] =	vst v2;
	v2 =	vld [tilespmem:$0x3E0];
	v8 =	vnsel vm0, $0x2000, v51;
	vm0 =	vmand vm1, vm13;
	vm1 =	vmand vm14, vm15  }
0xc3: {  	v62 =	vld [tilespmem:$0xFF0];
	[tilespmem:$0x1310] =	vst v16;
	vm2 =	vmand vm7, vm8;
	vm13 =	vge.s32 v52, v0;
	vm14 =	vlt.s32 v55, $0x1  }
0xc4: {  	v60 =	vld [tilespmem:$0x3F0];
	[tilespmem:$0x1320] =	vst v10;
	vm15 =	vlt.s32 v54, v1;
	vm7 =	vlt.s32 v59, $0x1;
	vm8 =	vge.s32 v58, v0  }
0xc5: {  	[tilespmem:$0x1330] =	vst v18;
	vm1 =	vmand vm1, vm6;
	v4 =	vnsel vm0, $0x2000, v4;
	vm10 =	vmand vm2, vm9  }
0xc6: {  	[tilespmem:$0x1360] =	vst v5;
	vm6 =	vlt.s32 v58, v1;
	v13 =	vnsel vm1, $0x2000, v56;
	v6 =	vnsel vm10, $0x2000, v6  }
0xc7: {  	[tilespmem:$0x1370] =	vst v8;
	vm1 =	vmand vm11, vm12;
	vm9 =	vlt.s32 v2, v1;
	vm11 =	vge.s32 v2, v0  }
0xc8: {  	[tilespmem:$0x1380] =	vst v4;
	vm12 =	vlt.s32 v62, $0x1;
	v2 =	vsub.s32 v2, v0;
	vm0 =	vmand vm1, vm13  }
0xc9: {  	vm1 =	vmand vm14, vm15;
	[tilespmem:$0x1390] =	vst v13;
	vm10 =	vmand vm7, vm9;
	vm13 =	vlt.s32 v60, v1  }
0xca: {  	[tilespmem:$0x13A0] =	vst v6;
	vm1 =	vmand vm1, vm4;
	v3 =	vnsel vm0, $0x2000, v3;
	vm0 =	vmand vm5, vm6  }
0xcb: {  	vm14 =	vge.s32 v60, v0;
	v5 =	vnsel vm1, $0x2000, v61;
	vm0 =	vmand vm0, vm8;
	[tilespmem:$0x13B0] =	vst v3  }
0xcc: {  	vm1 =	vmand vm12, vm13;
	v4 =	vnsel vm0, $0x2000, v63;
	vm0 =	vmand vm10, vm11;
	[tilespmem:$0x13C0] =	vst v5  }
0xcd: {  	v3 =	vsub.s32 v60, v0;
	vm15 =	vmand vm1, vm14;
	[tilespmem:$0x13D0] =	vst v4;
	v2 =	vnsel vm0, $0x2000, v2  }
0xce: {  	[tilespmem:$0x13E0] =	vst v2;
	v2 =	vnsel vm15, $0x2000, v3  }
0xcf: {  	[tilespmem:$0x13F0] =	vst v2  }
0xd0: {  	[bflag:$0x0] =	sbarrier.arrive $0xFFFF  }
0xd1: {  	[spmem:s1] =	stream.indirect.scatter [tilespmem:s13], [sflag:$0x1], $0x1, s19, s13, $0xb8;
	[tilespmem:$0x1810] =	vst v63  }
0xd2: {  	_ = 	snop  }
0xd3: {  	[spmem:s3] =	stream.indirect.scatter [tilespmem:s14], [sflag:$0x1], $0x1, s19, s13, $0xb8;
	[tilespmem:$0x1810] =	vst v63  }
0xd4: {  	_ =	swait.ge [sflag:s18], $0x400  }
0xd5: {  	[sflag:s18] =	ssyncset.done $0x0  }
0xd6: {  	[sflag:s18] =	ssyncadd.s32 $0xFFFFFC00  }
0xd7: {  	_ =	swait.ge [sflag:s18], $0x400  }
0xd8: {  	[sflag:s18] =	ssyncset.done $0x0  }
0xd9: {  	[sflag:s18] =	ssyncadd.s32 $0xFFFFFC00  }
0xda: {  	[bflag:$0x0] =	sbarrier.arrive $0xFFFF  }
0xdb: {  	[hbm:s9], [sflag:s10] =	dma.local [spmem:s16], $0x40  }
0xdc: {  	[hbm:s11], [sflag:s10] =	dma.local [spmem:s17], $0x40  }
0xdd: {  	p0 =	sne.s32 s12, $0x1;
	_ =	swait.ge [sflag:s18], $0x40  }
.Ltmp0:
0xde: {  	[sflag:s18] =	ssyncset.done $0x0;
	(pc) =	sbr.rel @p0 .LBB2_1-.Ltmp0, $4  }
0xdf: {  	[sflag:s18] =	ssyncadd.s32 $0xFFFFFFC0  }
0xe0: {  	_ =	swait.ge [sflag:s18], $0x40  }
0xe1: {  	[sflag:s18] =	ssyncset.done $0x0  }
0xe2: {  	s12 =	sadd.s32 $0xFFFFFFFF, s12;
	[sflag:s18] =	ssyncadd.s32 $0xFFFFFFC0  }
0xe3: {  	_ =	sfence.sel $0x180000  }
0xe4: {  	[bflag:$0x0] =	sbarrier.arrive $0xFFFF  }
0xe5: {  	p0 =	sne.s32 s2, $0x0;
	_ =	strace $0x90000047  }
0xe6: {  	s0 =	sadd.s32 @!p0 $0x100000, s0;
	[bflag:$0x2] =	sbarrier.arrive $0xFFFF  }
0xe7: {  	[sflag:s0] =	ssyncadd.tile.s32 @!p0 $0x1;
	_ =	shalt  }
.Lfunc_end2:
_tile_overlayer_lowered:
.L_overlay_start_2:
0xe8: {  	(tag) =	ssettag $0x2  }
0xe9: {  	s0 =	rddreg [dreg:$0x0];
	s2 =	stileid.u32  }
0xea: {  	s1 =	rddreg [dreg:$0x1];
	p0 =	sne.s32 s2, $0x0  }
0xeb: {  	s3 =	rddreg [dreg:$0x2];
	[bflag:$0x3] =	sbarrier.arrive $0xFFFF;
	s2 =	simm.s32 @!p0 $0x1C02  }
0xec: {  	[timem:s3], [sflag:s2] =	dma.local @!p0 [hbm:s0], s1  }
0xed: {  	s0 =	simm.s32 @!p0 $0x2  }
0xee: {  	_ =	swait.ge @!p0 [sflag:s0], s1  }
0xef: {  	s1 =	ssub.s32 @!p0 $0x0, s1;
	[sflag:s0] =	ssyncset.done @!p0 $0x0  }
0xf0: {  	[sflag:s0] =	ssyncadd.s32 @!p0 s1  }
0xf1: {  	[bflag:$0x3] =	sbarrier.arrive $0xFFFF  }
0xf2: {  	_ =	shalt  }

</sc_bundles>
